<compile_context>
chip_gen: v7x
topology: tpu7x:2x2x1
jax: 0.10.2.dev20260603
libtpu: 0.0.44.dev20260713+nightly
codegen_flags: <defaults>
</compile_context>

<pallas_src>
import functools

import jax
import jax.numpy as jnp
from jax import lax
from jax.experimental import pallas as pl
from jax.experimental.pallas import tpu as pltpu
from jax.experimental.pallas import tpu_sc as plsc

N = 10000
E = 320000
D_IN = 128
H1 = 128
H2 = 64
C = 10

NC = 2
NS = 16
NW = NC * NS
EPW = E // NW
B = 80
NCHUNK = EPW // B
SLAB = 640
LAST_SLAB = N - (NS - 1) * SLAB
NPAD = NS * SLAB
assert E % NW == 0 and EPW % B == 0 and LAST_SLAB > 0 and LAST_SLAB % B == 0
assert NCHUNK % 2 == 1

_MESH = plsc.VectorSubcoreMesh(
    core_axis_name="c", subcore_axis_name="s", num_cores=NC, num_subcores=NS
)



DEG_DEPTH = 4


@functools.partial(
    pl.kernel,
    out_type=jax.ShapeDtypeStruct((NC, 1, NPAD), jnp.float32),
    mesh=_MESH,
    scratch_types=[
        pltpu.VMEM((NCHUNK, B), jnp.int32),
        pltpu.VMEM((B,), jnp.float32),
        pltpu.VMEM((SLAB,), jnp.float32),
        pltpu.VMEM_SHARED((NPAD,), jnp.float32),
        pltpu.SemaphoreType.DMA,
    ],
)
def _deg_kernel(dst3_hbm, degp_hbm, dsts, ones_v, zeros_v, acc, sem):
    cid = lax.axis_index("c")
    sid = lax.axis_index("s")
    wid = sid * NC + cid
    one16 = jnp.ones((16,), jnp.float32)
    zero16 = jnp.zeros((16,), jnp.float32)
    for i in range(B // 16):
        ones_v[pl.ds(i * 16, 16)] = one16
    for i in range(SLAB // 16):
        zeros_v[pl.ds(i * 16, 16)] = zero16

    pltpu.sync_copy(zeros_v, acc.at[pl.ds(sid * SLAB, SLAB)])
    pltpu.sync_copy(dst3_hbm.at[wid], dsts)
    plsc.subcore_barrier()

    for k in range(DEG_DEPTH):
        pltpu.async_copy(ones_v, acc.at[dsts.at[k]], sem, add=True)

    def body(c, carry):
        pltpu.make_async_copy(ones_v, acc.at[dsts.at[0]], sem).wait()
        pltpu.async_copy(ones_v, acc.at[dsts.at[c]], sem, add=True)
        return carry

    lax.fori_loop(DEG_DEPTH, NCHUNK, body, 0)
    for k in range(DEG_DEPTH):
        pltpu.make_async_copy(ones_v, acc.at[dsts.at[0]], sem).wait()
    plsc.subcore_barrier()
    pltpu.sync_copy(acc.at[pl.ds(sid * SLAB, SLAB)],
                    degp_hbm.at[cid, 0, pl.ds(sid * SLAB, SLAB)])


def _make_agg(D):

    @functools.partial(
        pl.kernel,
        out_type=jax.ShapeDtypeStruct((NC, N, D), jnp.float32),
        mesh=_MESH,
        scratch_types=[
            pltpu.VMEM((EPW,), jnp.int32),
            pltpu.VMEM((NCHUNK, B), jnp.int32),
            pltpu.VMEM((B, D), jnp.float32),
            pltpu.VMEM((B, D), jnp.float32),
            pltpu.VMEM_SHARED((N, D), jnp.float32),
            pltpu.SemaphoreType.DMA,
            pltpu.SemaphoreType.DMA,
            pltpu.SemaphoreType.DMA,
            pltpu.SemaphoreType.DMA,
        ],
    )
    def agg(xs_hbm, src_hbm, dst3_hbm, parts_hbm,
            srcs, dsts, rows0, rows1, acc, gs0, gs1, ss0, ss1):
        cid = lax.axis_index("c")
        sid = lax.axis_index("s")
        wid = sid * NC + cid
        zero16 = jnp.zeros((16,), jnp.float32)

        def zrow(r, carry):
            for j in range(D // 16):
                rows0[r, pl.ds(j * 16, 16)] = zero16
            return carry

        lax.fori_loop(0, B, zrow, 0)
        for b in range(SLAB // B):
            if b < LAST_SLAB // B:
                pltpu.sync_copy(rows0, acc.at[pl.ds(sid * SLAB + b * B, B)])
            else:
                @pl.when(sid < NS - 1)
                def _():
                    pltpu.sync_copy(rows0, acc.at[pl.ds(sid * SLAB + b * B, B)])

        pltpu.sync_copy(src_hbm.at[pl.ds(wid * EPW, EPW)], srcs)
        pltpu.sync_copy(dst3_hbm.at[wid], dsts)
        plsc.subcore_barrier()

        def gidx(c):
            return srcs.at[pl.ds(c * B, B)]

        def wait_g(rows, sem):
            pltpu.make_async_copy(xs_hbm.at[gidx(0)], rows, sem).wait()

        def wait_s(rows, sem):
            pltpu.make_async_copy(rows, acc.at[dsts.at[0]], sem).wait()

        pltpu.async_copy(xs_hbm.at[gidx(0)], rows0, gs0)

        def body(i, carry):
            a = 2 * i
            wait_g(rows0, gs0)

            @pl.when(i > 0)
            def _():
                wait_s(rows1, ss1)
            pltpu.async_copy(xs_hbm.at[gidx(a + 1)], rows1, gs1)
            pltpu.async_copy(rows0, acc.at[dsts.at[a]], ss0, add=True)
            wait_g(rows1, gs1)
            wait_s(rows0, ss0)
            pltpu.async_copy(xs_hbm.at[gidx(a + 2)], rows0, gs0)
            pltpu.async_copy(rows1, acc.at[dsts.at[a + 1]], ss1, add=True)
            return carry

        lax.fori_loop(0, NCHUNK // 2, body, 0)
        wait_g(rows0, gs0)
        pltpu.async_copy(rows0, acc.at[dsts.at[NCHUNK - 1]], ss0, add=True)
        wait_s(rows0, ss0)
        wait_s(rows1, ss1)
        plsc.subcore_barrier()

        @pl.when(sid < NS - 1)
        def _():
            pltpu.sync_copy(acc.at[pl.ds(sid * SLAB, SLAB)],
                            parts_hbm.at[cid, pl.ds(sid * SLAB, SLAB)])

        @pl.when(sid == NS - 1)
        def _():
            pltpu.sync_copy(acc.at[pl.ds(sid * SLAB, LAST_SLAB)],
                            parts_hbm.at[cid, pl.ds(sid * SLAB, LAST_SLAB)])

    return agg


_agg128 = _make_agg(H1)



R = 5000
G = N // R



def _tc1_body(x_ref, w_ref, degT_ref, xs_ref, dinv_ref):
    deg = degT_ref[:, 0] + degT_ref[:, 1] + 1.0
    dv = lax.rsqrt(deg)
    dinv_ref[...] = dv[:, None]
    xw = jnp.dot(x_ref[...], w_ref[...], preferred_element_type=jnp.float32)
    xs_ref[...] = xw * dv[:, None]


def _tc1(x, w1, degT):
    return pl.pallas_call(
        _tc1_body,
        grid=(G,),
        in_specs=[
            pl.BlockSpec((R, D_IN), lambda i: (i, 0)),
            pl.BlockSpec((D_IN, H1), lambda i: (0, 0)),
            pl.BlockSpec((R, NC), lambda i: (i, 0)),
        ],
        out_specs=[
            pl.BlockSpec((R, H1), lambda i: (i, 0)),
            pl.BlockSpec((R, 1), lambda i: (i, 0)),
        ],
        out_shape=[
            jax.ShapeDtypeStruct((N, H1), jnp.float32),
            jax.ShapeDtypeStruct((N, 1), jnp.float32),
        ],
    )(x, w1, degT)


def _tc2_body(p_ref, dv_ref, xs_ref, b1_ref, w2_ref, xs2_ref):
    dv = dv_ref[...]
    h = jnp.maximum((p_ref[0] + p_ref[1] + xs_ref[...]) * dv + b1_ref[...], 0.0)
    hw = jnp.dot(h, w2_ref[...], preferred_element_type=jnp.float32)
    xs2_ref[...] = jnp.concatenate(
        [hw * dv, jnp.zeros((R, H1 - H2), jnp.float32)], axis=1
    )


def _tc2(parts, dinv, xs, b1, w2):
    return pl.pallas_call(
        _tc2_body,
        grid=(G,),
        in_specs=[
            pl.BlockSpec((NC, R, H1), lambda i: (0, i, 0)),
            pl.BlockSpec((R, 1), lambda i: (i, 0)),
            pl.BlockSpec((R, H1), lambda i: (i, 0)),
            pl.BlockSpec((1, H1), lambda i: (0, 0)),
            pl.BlockSpec((H1, H2), lambda i: (0, 0)),
        ],
        out_specs=pl.BlockSpec((R, H1), lambda i: (i, 0)),
        out_shape=jax.ShapeDtypeStruct((N, H1), jnp.float32),
    )(parts, dinv, xs, b1, w2)


def _tc3_body(p_ref, dv_ref, xs2_ref, b2_ref, wc_ref, bc_ref, out_ref):
    agg = (p_ref[0] + p_ref[1] + xs2_ref[...])[:, :H2]
    dv = dv_ref[...]
    h = jnp.maximum(agg * dv + b2_ref[...], 0.0)
    out_ref[...] = (
        jnp.dot(h, wc_ref[...], preferred_element_type=jnp.float32) + bc_ref[...]
    )


def _tc3(parts, dinv, xs2, b2, wc, bc):
    return pl.pallas_call(
        _tc3_body,
        grid=(G,),
        in_specs=[
            pl.BlockSpec((NC, R, H1), lambda i: (0, i, 0)),
            pl.BlockSpec((R, 1), lambda i: (i, 0)),
            pl.BlockSpec((R, H1), lambda i: (i, 0)),
            pl.BlockSpec((1, H2), lambda i: (0, 0)),
            pl.BlockSpec((H2, C), lambda i: (0, 0)),
            pl.BlockSpec((1, C), lambda i: (0, 0)),
        ],
        out_specs=pl.BlockSpec((R, C), lambda i: (i, 0)),
        out_shape=jax.ShapeDtypeStruct((N, C), jnp.float32),
    )(parts, dinv, xs2, b2, wc, bc)


def kernel(x, edge_index, W1, b1, W2, b2, Wc, bc):
    src = edge_index[0].astype(jnp.int32)
    dst3 = edge_index[1].astype(jnp.int32).reshape(NW, NCHUNK, B)
    degp = _deg_kernel(dst3)
    xs, dinv = _tc1(x, W1, degp[:, 0, :N].T)
    parts1 = _agg128(xs, src, dst3)
    xs2 = _tc2(parts1, dinv, xs, b1.reshape(1, H1), W2)
    parts2 = _agg128(xs2, src, dst3)
    return _tc3(parts2, dinv, xs2, b2.reshape(1, H2), Wc, bc.reshape(1, C))

# --- scband reference (transcript-rebuilt; emitter-appended) ---
"""Pipeline reference for scband-gcnmodel-52836687675718 (READ-ONLY COPY).

The authoritative reference and input builder live on the scoring server;
editing this copy changes nothing except your own understanding.
"""

import jax, jax.numpy as jnp
import numpy as np

N = 10000
E = 320000
D_IN = 128
H1 = 128
H2 = 64
C = 10


def setup_inputs(seed: int = 0) -> dict:
    key = jax.random.key(seed)
    ks = jax.random.split(key, 8)
    x = jax.random.normal(ks[0], (N, D_IN), dtype=jnp.float32)
    edge_index = jax.random.randint(ks[1], (2, E), 0, N, dtype=jnp.int64)
    W1 = jax.random.normal(ks[2], (D_IN, H1), dtype=jnp.float32) * (1.0 / np.sqrt(D_IN))
    b1 = jnp.zeros((H1,), dtype=jnp.float32)
    W2 = jax.random.normal(ks[3], (H1, H2), dtype=jnp.float32) * (1.0 / np.sqrt(H1))
    b2 = jnp.zeros((H2,), dtype=jnp.float32)
    Wc = jax.random.normal(ks[4], (H2, C), dtype=jnp.float32) * (1.0 / np.sqrt(H2))
    bc = jnp.zeros((C,), dtype=jnp.float32)
    return {"x": x, "edge_index": edge_index, "W1": W1, "b1": b1, "W2": W2, "b2": b2, "Wc": Wc, "bc": bc}


def _gcn_conv(x, edge_index, W, b):
    # PyG GCNConv: x' = D^{-1/2} (A + I) D^{-1/2} X W + b
    n = x.shape[0]
    xw = x @ W
    loop = jnp.arange(n, dtype=edge_index.dtype)
    src = jnp.concatenate([edge_index[0], loop])
    dst = jnp.concatenate([edge_index[1], loop])
    ones = jnp.ones(src.shape[0], dtype=x.dtype)
    deg = jnp.zeros((n,), dtype=x.dtype).at[dst].add(ones)
    dinv = jnp.where(deg > 0, jax.lax.rsqrt(deg), 0.0)
    norm = dinv[src] * dinv[dst]
    msg = jnp.take(xw, src, axis=0) * norm[:, None]
    out = jnp.zeros((n, xw.shape[1]), dtype=x.dtype).at[dst].add(msg)
    return out + b


def reference(x, edge_index, W1, b1, W2, b2, Wc, bc):
    # eval mode: dropout is identity
    h = jax.nn.relu(_gcn_conv(x, edge_index, W1, b1))
    h = jax.nn.relu(_gcn_conv(h, edge_index, W2, b2))
    out = h @ Wc + bc
    return out

if __name__ == "__main__":
    import jax
    _d = setup_inputs()
    print(jax.jit(kernel)(*tuple(_d.values())))

</pallas_src>

<mosaic_0001>
#map = affine_map<(d0, d1) -> (0, 0)>
#map1 = affine_map<(d0, d1) -> (0)>
#map2 = affine_map<(d0, d1) -> (0, 0, 0)>
module attributes {stable_mosaic.version = 14 : i64} {
  func.func @agg(%arg0: i32, %arg1: i32, %arg2: memref<10000x128xf32, #tpu.memory_space<hbm>>, %arg3: memref<320000xi32, #tpu.memory_space<hbm>>, %arg4: memref<32x125x80xi32, #tpu.memory_space<hbm>>, %arg5: memref<2x10000x128xf32, #tpu.memory_space<hbm>>, %arg6: memref<10000xi32, #tpu.memory_space<vmem>>, %arg7: memref<125x80xi32, #tpu.memory_space<vmem>>, %arg8: memref<80x128xf32, #tpu.memory_space<vmem>>, %arg9: memref<80x128xf32, #tpu.memory_space<vmem>>, %arg10: memref<10000x128xf32, #tpu.memory_space<vmem_shared>>, %arg11: memref<!tpu.dma_semaphore, #tpu.memory_space<semaphore_mem>>, %arg12: memref<!tpu.dma_semaphore, #tpu.memory_space<semaphore_mem>>, %arg13: memref<!tpu.dma_semaphore, #tpu.memory_space<semaphore_mem>>, %arg14: memref<!tpu.dma_semaphore, #tpu.memory_space<semaphore_mem>>) attributes {dimension_semantics = [#tpu.dimension_semantics<core_parallel>, #tpu.dimension_semantics<subcore_parallel>], iteration_bounds = array<i64: 2, 16>, scalar_prefetch = 0 : i64, scratch_operands = 9 : i64, tpu.core_type = #tpu.core_type<sc_vector_subcore>, window_params = [{transform_indices = #map}, {transform_indices = #map1}, {transform_indices = #map2}, {transform_indices = #map2}]} {
    %mul3A = arith.constant 2 : i32
    %mul3A_0 = arith.muli %arg1, %mul3A : i32
    %add3A = arith.addi %mul3A_0, %arg0 : i32
    %broadcast_in_dim3A = arith.constant 0.000000e+00 : f32
    %broadcast_in_dim3A_1 = vector.broadcast %broadcast_in_dim3A : f32 to vector<16xf32>
    %scan3A = arith.constant 0 : i32
    %scan3A_2 = arith.constant 0 : i32
    %scan3A_3 = arith.constant 80 : i32
    %scan3A_4 = arith.addi %scan3A_2, %scan3A_3 : i32
    %scan3A_5 = arith.constant 1 : i32
    scf.for %scan3A_86 = %scan3A_2 to %scan3A_4 step %scan3A_5  : i32 {
      %swap3A = arith.index_cast %scan3A_86 : i32 to index
      %swap3A_87 = arith.constant 0 : index
      %swap3A_88 = tpu.vector_load %arg8[%swap3A, %swap3A_87] {strides = array<i32>} : memref<80x128xf32, #tpu.memory_space<vmem>>, vector<1x16xf32>,
      %swap3A_89 = vector.shape_cast %swap3A_88 : vector<1x16xf32> to vector<16xf32>
      %swap3A_90 = vector.shape_cast %broadcast_in_dim3A_1 : vector<16xf32> to vector<1x16xf32>
      tpu.vector_store %arg8[%swap3A, %swap3A_87], %swap3A_90 {strides = array<i32>} : memref<80x128xf32, #tpu.memory_space<vmem>>, vector<1x16xf32>,
      %swap3A_91 = arith.index_cast %scan3A_86 : i32 to index
      %swap3A_92 = arith.constant 16 : index
      %swap3A_93 = tpu.vector_load %arg8[%swap3A_91, %swap3A_92] {strides = array<i32>} : memref<80x128xf32, #tpu.memory_space<vmem>>, vector<1x16xf32>,
      %swap3A_94 = vector.shape_cast %swap3A_93 : vector<1x16xf32> to vector<16xf32>
      %swap3A_95 = vector.shape_cast %broadcast_in_dim3A_1 : vector<16xf32> to vector<1x16xf32>
      tpu.vector_store %arg8[%swap3A_91, %swap3A_92], %swap3A_95 {strides = array<i32>} : memref<80x128xf32, #tpu.memory_space<vmem>>, vector<1x16xf32>,
      %swap3A_96 = arith.index_cast %scan3A_86 : i32 to index
      %swap3A_97 = arith.constant 32 : index
      %swap3A_98 = tpu.vector_load %arg8[%swap3A_96, %swap3A_97] {strides = array<i32>} : memref<80x128xf32, #tpu.memory_space<vmem>>, vector<1x16xf32>,
      %swap3A_99 = vector.shape_cast %swap3A_98 : vector<1x16xf32> to vector<16xf32>
      %swap3A_100 = vector.shape_cast %broadcast_in_dim3A_1 : vector<16xf32> to vector<1x16xf32>
      tpu.vector_store %arg8[%swap3A_96, %swap3A_97], %swap3A_100 {strides = array<i32>} : memref<80x128xf32, #tpu.memory_space<vmem>>, vector<1x16xf32>,
      %swap3A_101 = arith.index_cast %scan3A_86 : i32 to index
      %swap3A_102 = arith.constant 48 : index
      %swap3A_103 = tpu.vector_load %arg8[%swap3A_101, %swap3A_102] {strides = array<i32>} : memref<80x128xf32, #tpu.memory_space<vmem>>, vector<1x16xf32>,
      %swap3A_104 = vector.shape_cast %swap3A_103 : vector<1x16xf32> to vector<16xf32>
      %swap3A_105 = vector.shape_cast %broadcast_in_dim3A_1 : vector<16xf32> to vector<1x16xf32>
      tpu.vector_store %arg8[%swap3A_101, %swap3A_102], %swap3A_105 {strides = array<i32>} : memref<80x128xf32, #tpu.memory_space<vmem>>, vector<1x16xf32>,
      %swap3A_106 = arith.index_cast %scan3A_86 : i32 to index
      %swap3A_107 = arith.constant 64 : index
      %swap3A_108 = tpu.vector_load %arg8[%swap3A_106, %swap3A_107] {strides = array<i32>} : memref<80x128xf32, #tpu.memory_space<vmem>>, vector<1x16xf32>,
      %swap3A_109 = vector.shape_cast %swap3A_108 : vector<1x16xf32> to vector<16xf32>
      %swap3A_110 = vector.shape_cast %broadcast_in_dim3A_1 : vector<16xf32> to vector<1x16xf32>
      tpu.vector_store %arg8[%swap3A_106, %swap3A_107], %swap3A_110 {strides = array<i32>} : memref<80x128xf32, #tpu.memory_space<vmem>>, vector<1x16xf32>,
      %swap3A_111 = arith.index_cast %scan3A_86 : i32 to index
      %swap3A_112 = arith.constant 80 : index
      %swap3A_113 = tpu.vector_load %arg8[%swap3A_111, %swap3A_112] {strides = array<i32>} : memref<80x128xf32, #tpu.memory_space<vmem>>, vector<1x16xf32>,
      %swap3A_114 = vector.shape_cast %swap3A_113 : vector<1x16xf32> to vector<16xf32>
      %swap3A_115 = vector.shape_cast %broadcast_in_dim3A_1 : vector<16xf32> to vector<1x16xf32>
      tpu.vector_store %arg8[%swap3A_111, %swap3A_112], %swap3A_115 {strides = array<i32>} : memref<80x128xf32, #tpu.memory_space<vmem>>, vector<1x16xf32>,
      %swap3A_116 = arith.index_cast %scan3A_86 : i32 to index
      %swap3A_117 = arith.constant 96 : index
      %swap3A_118 = tpu.vector_load %arg8[%swap3A_116, %swap3A_117] {strides = array<i32>} : memref<80x128xf32, #tpu.memory_space<vmem>>, vector<1x16xf32>,
      %swap3A_119 = vector.shape_cast %swap3A_118 : vector<1x16xf32> to vector<16xf32>
      %swap3A_120 = vector.shape_cast %broadcast_in_dim3A_1 : vector<16xf32> to vector<1x16xf32>
      tpu.vector_store %arg8[%swap3A_116, %swap3A_117], %swap3A_120 {strides = array<i32>} : memref<80x128xf32, #tpu.memory_space<vmem>>, vector<1x16xf32>,
      %swap3A_121 = arith.index_cast %scan3A_86 : i32 to index
      %swap3A_122 = arith.constant 112 : index
      %swap3A_123 = tpu.vector_load %arg8[%swap3A_121, %swap3A_122] {strides = array<i32>} : memref<80x128xf32, #tpu.memory_space<vmem>>, vector<1x16xf32>,
      %swap3A_124 = vector.shape_cast %swap3A_123 : vector<1x16xf32> to vector<16xf32>
      %swap3A_125 = vector.shape_cast %broadcast_in_dim3A_1 : vector<16xf32> to vector<1x16xf32>
      tpu.vector_store %arg8[%swap3A_121, %swap3A_122], %swap3A_125 {strides = array<i32>} : memref<80x128xf32, #tpu.memory_space<vmem>>, vector<1x16xf32>,
    }
    %scan3A_6 = arith.constant 80 : i32
    %mul3A_7 = arith.constant 640 : i32
    %mul3A_8 = arith.muli %arg1, %mul3A_7 : i32
    %add3A_9 = arith.constant 0 : i32
    %add3A_10 = arith.addi %mul3A_8, %add3A_9 : i32
    "tpu.region"() ({
      %run_scoped3A = tpu.sem_alloc : memref<!tpu.dma_semaphore, #tpu.memory_space<semaphore_mem>>
      %dma_start3A_86 = arith.constant 0 : i32
      %dma_start3A_87 = tpu.memref_slice %arg10[%add3A_10, %dma_start3A_86] : memref<10000x128xf32, #tpu.memory_space<vmem_shared>> -> memref<80x128xf32, #tpu.memory_space<vmem_shared>>
      %dma_start3A_88 = arith.constant 0 : i32
      %dma_start3A_89 = tpu.memref_slice %arg10[%add3A_10, %dma_start3A_88] : memref<10000x128xf32, #tpu.memory_space<vmem_shared>> -> memref<80x128xf32, #tpu.memory_space<vmem_shared>>
      tpu.enqueue_dma source(%arg8 : memref<80x128xf32, #tpu.memory_space<vmem>>) target(%dma_start3A_89 : memref<80x128xf32, #tpu.memory_space<vmem_shared>>) target_semaphore(%run_scoped3A : memref<!tpu.dma_semaphore, #tpu.memory_space<semaphore_mem>>)
      %dma_wait3A_90 = arith.constant 0 : i32
      %dma_wait3A_91 = tpu.memref_slice %arg10[%add3A_10, %dma_wait3A_90] : memref<10000x128xf32, #tpu.memory_space<vmem_shared>> -> memref<80x128xf32, #tpu.memory_space<vmem_shared>>
      %dma_wait3A_92 = arith.constant 0 : i32
      %dma_wait3A_93 = tpu.memref_slice %arg10[%add3A_10, %dma_wait3A_92] : memref<10000x128xf32, #tpu.memory_space<vmem_shared>> -> memref<80x128xf32, #tpu.memory_space<vmem_shared>>
      tpu.wait_dma2 semaphore(%run_scoped3A : memref<!tpu.dma_semaphore, #tpu.memory_space<semaphore_mem>>) src(%arg8 : memref<80x128xf32, #tpu.memory_space<vmem>>) dst(%dma_wait3A_93 : memref<80x128xf32, #tpu.memory_space<vmem_shared>>)
      tpu.yield
    }) : () -> ()
    %mul3A_11 = arith.constant 640 : i32
    %mul3A_12 = arith.muli %arg1, %mul3A_11 : i32
    %add3A_13 = arith.constant 80 : i32
    %add3A_14 = arith.addi %mul3A_12, %add3A_13 : i32
    "tpu.region"() ({
      %run_scoped3A = tpu.sem_alloc : memref<!tpu.dma_semaphore, #tpu.memory_space<semaphore_mem>>
      %dma_start3A_86 = arith.constant 0 : i32
      %dma_start3A_87 = tpu.memref_slice %arg10[%add3A_14, %dma_start3A_86] : memref<10000x128xf32, #tpu.memory_space<vmem_shared>> -> memref<80x128xf32, #tpu.memory_space<vmem_shared>>
      %dma_start3A_88 = arith.constant 0 : i32
      %dma_start3A_89 = tpu.memref_slice %arg10[%add3A_14, %dma_start3A_88] : memref<10000x128xf32, #tpu.memory_space<vmem_shared>> -> memref<80x128xf32, #tpu.memory_space<vmem_shared>>
      tpu.enqueue_dma source(%arg8 : memref<80x128xf32, #tpu.memory_space<vmem>>) target(%dma_start3A_89 : memref<80x128xf32, #tpu.memory_space<vmem_shared>>) target_semaphore(%run_scoped3A : memref<!tpu.dma_semaphore, #tpu.memory_space<semaphore_mem>>)
      %dma_wait3A_90 = arith.constant 0 : i32
      %dma_wait3A_91 = tpu.memref_slice %arg10[%add3A_14, %dma_wait3A_90] : memref<10000x128xf32, #tpu.memory_space<vmem_shared>> -> memref<80x128xf32, #tpu.memory_space<vmem_shared>>
      %dma_wait3A_92 = arith.constant 0 : i32
      %dma_wait3A_93 = tpu.memref_slice %arg10[%add3A_14, %dma_wait3A_92] : memref<10000x128xf32, #tpu.memory_space<vmem_shared>> -> memref<80x128xf32, #tpu.memory_space<vmem_shared>>
      tpu.wait_dma2 semaphore(%run_scoped3A : memref<!tpu.dma_semaphore, #tpu.memory_space<semaphore_mem>>) src(%arg8 : memref<80x128xf32, #tpu.memory_space<vmem>>) dst(%dma_wait3A_93 : memref<80x128xf32, #tpu.memory_space<vmem_shared>>)
      tpu.yield
    }) : () -> ()
    %mul3A_15 = arith.constant 640 : i32
    %mul3A_16 = arith.muli %arg1, %mul3A_15 : i32
    %add3A_17 = arith.constant 160 : i32
    %add3A_18 = arith.addi %mul3A_16, %add3A_17 : i32
    "tpu.region"() ({
      %run_scoped3A = tpu.sem_alloc : memref<!tpu.dma_semaphore, #tpu.memory_space<semaphore_mem>>
      %dma_start3A_86 = arith.constant 0 : i32
      %dma_start3A_87 = tpu.memref_slice %arg10[%add3A_18, %dma_start3A_86] : memref<10000x128xf32, #tpu.memory_space<vmem_shared>> -> memref<80x128xf32, #tpu.memory_space<vmem_shared>>
      %dma_start3A_88 = arith.constant 0 : i32
      %dma_start3A_89 = tpu.memref_slice %arg10[%add3A_18, %dma_start3A_88] : memref<10000x128xf32, #tpu.memory_space<vmem_shared>> -> memref<80x128xf32, #tpu.memory_space<vmem_shared>>
      tpu.enqueue_dma source(%arg8 : memref<80x128xf32, #tpu.memory_space<vmem>>) target(%dma_start3A_89 : memref<80x128xf32, #tpu.memory_space<vmem_shared>>) target_semaphore(%run_scoped3A : memref<!tpu.dma_semaphore, #tpu.memory_space<semaphore_mem>>)
      %dma_wait3A_90 = arith.constant 0 : i32
      %dma_wait3A_91 = tpu.memref_slice %arg10[%add3A_18, %dma_wait3A_90] : memref<10000x128xf32, #tpu.memory_space<vmem_shared>> -> memref<80x128xf32, #tpu.memory_space<vmem_shared>>
      %dma_wait3A_92 = arith.constant 0 : i32
      %dma_wait3A_93 = tpu.memref_slice %arg10[%add3A_18, %dma_wait3A_92] : memref<10000x128xf32, #tpu.memory_space<vmem_shared>> -> memref<80x128xf32, #tpu.memory_space<vmem_shared>>
      tpu.wait_dma2 semaphore(%run_scoped3A : memref<!tpu.dma_semaphore, #tpu.memory_space<semaphore_mem>>) src(%arg8 : memref<80x128xf32, #tpu.memory_space<vmem>>) dst(%dma_wait3A_93 : memref<80x128xf32, #tpu.memory_space<vmem_shared>>)
      tpu.yield
    }) : () -> ()
    %mul3A_19 = arith.constant 640 : i32
    %mul3A_20 = arith.muli %arg1, %mul3A_19 : i32
    %add3A_21 = arith.constant 240 : i32
    %add3A_22 = arith.addi %mul3A_20, %add3A_21 : i32
    "tpu.region"() ({
      %run_scoped3A = tpu.sem_alloc : memref<!tpu.dma_semaphore, #tpu.memory_space<semaphore_mem>>
      %dma_start3A_86 = arith.constant 0 : i32
      %dma_start3A_87 = tpu.memref_slice %arg10[%add3A_22, %dma_start3A_86] : memref<10000x128xf32, #tpu.memory_space<vmem_shared>> -> memref<80x128xf32, #tpu.memory_space<vmem_shared>>
      %dma_start3A_88 = arith.constant 0 : i32
      %dma_start3A_89 = tpu.memref_slice %arg10[%add3A_22, %dma_start3A_88] : memref<10000x128xf32, #tpu.memory_space<vmem_shared>> -> memref<80x128xf32, #tpu.memory_space<vmem_shared>>
      tpu.enqueue_dma source(%arg8 : memref<80x128xf32, #tpu.memory_space<vmem>>) target(%dma_start3A_89 : memref<80x128xf32, #tpu.memory_space<vmem_shared>>) target_semaphore(%run_scoped3A : memref<!tpu.dma_semaphore, #tpu.memory_space<semaphore_mem>>)
      %dma_wait3A_90 = arith.constant 0 : i32
      %dma_wait3A_91 = tpu.memref_slice %arg10[%add3A_22, %dma_wait3A_90] : memref<10000x128xf32, #tpu.memory_space<vmem_shared>> -> memref<80x128xf32, #tpu.memory_space<vmem_shared>>
      %dma_wait3A_92 = arith.constant 0 : i32
      %dma_wait3A_93 = tpu.memref_slice %arg10[%add3A_22, %dma_wait3A_92] : memref<10000x128xf32, #tpu.memory_space<vmem_shared>> -> memref<80x128xf32, #tpu.memory_space<vmem_shared>>
      tpu.wait_dma2 semaphore(%run_scoped3A : memref<!tpu.dma_semaphore, #tpu.memory_space<semaphore_mem>>) src(%arg8 : memref<80x128xf32, #tpu.memory_space<vmem>>) dst(%dma_wait3A_93 : memref<80x128xf32, #tpu.memory_space<vmem_shared>>)
      tpu.yield
    }) : () -> ()
    %mul3A_23 = arith.constant 640 : i32
    %mul3A_24 = arith.muli %arg1, %mul3A_23 : i32
    %add3A_25 = arith.constant 320 : i32
    %add3A_26 = arith.addi %mul3A_24, %add3A_25 : i32
    "tpu.region"() ({
      %run_scoped3A = tpu.sem_alloc : memref<!tpu.dma_semaphore, #tpu.memory_space<semaphore_mem>>
      %dma_start3A_86 = arith.constant 0 : i32
      %dma_start3A_87 = tpu.memref_slice %arg10[%add3A_26, %dma_start3A_86] : memref<10000x128xf32, #tpu.memory_space<vmem_shared>> -> memref<80x128xf32, #tpu.memory_space<vmem_shared>>
      %dma_start3A_88 = arith.constant 0 : i32
      %dma_start3A_89 = tpu.memref_slice %arg10[%add3A_26, %dma_start3A_88] : memref<10000x128xf32, #tpu.memory_space<vmem_shared>> -> memref<80x128xf32, #tpu.memory_space<vmem_shared>>
      tpu.enqueue_dma source(%arg8 : memref<80x128xf32, #tpu.memory_space<vmem>>) target(%dma_start3A_89 : memref<80x128xf32, #tpu.memory_space<vmem_shared>>) target_semaphore(%run_scoped3A : memref<!tpu.dma_semaphore, #tpu.memory_space<semaphore_mem>>)
      %dma_wait3A_90 = arith.constant 0 : i32
      %dma_wait3A_91 = tpu.memref_slice %arg10[%add3A_26, %dma_wait3A_90] : memref<10000x128xf32, #tpu.memory_space<vmem_shared>> -> memref<80x128xf32, #tpu.memory_space<vmem_shared>>
      %dma_wait3A_92 = arith.constant 0 : i32
      %dma_wait3A_93 = tpu.memref_slice %arg10[%add3A_26, %dma_wait3A_92] : memref<10000x128xf32, #tpu.memory_space<vmem_shared>> -> memref<80x128xf32, #tpu.memory_space<vmem_shared>>
      tpu.wait_dma2 semaphore(%run_scoped3A : memref<!tpu.dma_semaphore, #tpu.memory_space<semaphore_mem>>) src(%arg8 : memref<80x128xf32, #tpu.memory_space<vmem>>) dst(%dma_wait3A_93 : memref<80x128xf32, #tpu.memory_space<vmem_shared>>)
      tpu.yield
    }) : () -> ()
    %lt3A = arith.constant 15 : i32
    %lt3A_27 = arith.cmpi slt, %arg1, %lt3A : i32
    %convert_element_type3A = arith.extui %lt3A_27 : i1 to i32
    %cond3A = arith.constant 0 : i32
    %cond3A_28 = arith.cmpi ne, %convert_element_type3A, %cond3A : i32
    scf.if %cond3A_28 {
      %mul3A_86 = arith.constant 640 : i32
      %mul3A_87 = arith.muli %arg1, %mul3A_86 : i32
      %add3A_88 = arith.constant 400 : i32
      %add3A_89 = arith.addi %mul3A_87, %add3A_88 : i32
      "tpu.region"() ({
        %run_scoped3A = tpu.sem_alloc : memref<!tpu.dma_semaphore, #tpu.memory_space<semaphore_mem>>
        %dma_start3A_90 = arith.constant 0 : i32
        %dma_start3A_91 = tpu.memref_slice %arg10[%add3A_89, %dma_start3A_90] : memref<10000x128xf32, #tpu.memory_space<vmem_shared>> -> memref<80x128xf32, #tpu.memory_space<vmem_shared>>
        %dma_start3A_92 = arith.constant 0 : i32
        %dma_start3A_93 = tpu.memref_slice %arg10[%add3A_89, %dma_start3A_92] : memref<10000x128xf32, #tpu.memory_space<vmem_shared>> -> memref<80x128xf32, #tpu.memory_space<vmem_shared>>
        tpu.enqueue_dma source(%arg8 : memref<80x128xf32, #tpu.memory_space<vmem>>) target(%dma_start3A_93 : memref<80x128xf32, #tpu.memory_space<vmem_shared>>) target_semaphore(%run_scoped3A : memref<!tpu.dma_semaphore, #tpu.memory_space<semaphore_mem>>)
        %dma_wait3A_94 = arith.constant 0 : i32
        %dma_wait3A_95 = tpu.memref_slice %arg10[%add3A_89, %dma_wait3A_94] : memref<10000x128xf32, #tpu.memory_space<vmem_shared>> -> memref<80x128xf32, #tpu.memory_space<vmem_shared>>
        %dma_wait3A_96 = arith.constant 0 : i32
        %dma_wait3A_97 = tpu.memref_slice %arg10[%add3A_89, %dma_wait3A_96] : memref<10000x128xf32, #tpu.memory_space<vmem_shared>> -> memref<80x128xf32, #tpu.memory_space<vmem_shared>>
        tpu.wait_dma2 semaphore(%run_scoped3A : memref<!tpu.dma_semaphore, #tpu.memory_space<semaphore_mem>>) src(%arg8 : memref<80x128xf32, #tpu.memory_space<vmem>>) dst(%dma_wait3A_97 : memref<80x128xf32, #tpu.memory_space<vmem_shared>>)
        tpu.yield
      }) : () -> ()
    } else {
    }
    %lt3A_29 = arith.constant 15 : i32
    %lt3A_30 = arith.cmpi slt, %arg1, %lt3A_29 : i32
    %convert_element_type3A_31 = arith.extui %lt3A_30 : i1 to i32
    %cond3A_32 = arith.constant 0 : i32
    %cond3A_33 = arith.cmpi ne, %convert_element_type3A_31, %cond3A_32 : i32
    scf.if %cond3A_33 {
      %mul3A_86 = arith.constant 640 : i32
      %mul3A_87 = arith.muli %arg1, %mul3A_86 : i32
      %add3A_88 = arith.constant 480 : i32
      %add3A_89 = arith.addi %mul3A_87, %add3A_88 : i32
      "tpu.region"() ({
        %run_scoped3A = tpu.sem_alloc : memref<!tpu.dma_semaphore, #tpu.memory_space<semaphore_mem>>
        %dma_start3A_90 = arith.constant 0 : i32
        %dma_start3A_91 = tpu.memref_slice %arg10[%add3A_89, %dma_start3A_90] : memref<10000x128xf32, #tpu.memory_space<vmem_shared>> -> memref<80x128xf32, #tpu.memory_space<vmem_shared>>
        %dma_start3A_92 = arith.constant 0 : i32
        %dma_start3A_93 = tpu.memref_slice %arg10[%add3A_89, %dma_start3A_92] : memref<10000x128xf32, #tpu.memory_space<vmem_shared>> -> memref<80x128xf32, #tpu.memory_space<vmem_shared>>
        tpu.enqueue_dma source(%arg8 : memref<80x128xf32, #tpu.memory_space<vmem>>) target(%dma_start3A_93 : memref<80x128xf32, #tpu.memory_space<vmem_shared>>) target_semaphore(%run_scoped3A : memref<!tpu.dma_semaphore, #tpu.memory_space<semaphore_mem>>)
        %dma_wait3A_94 = arith.constant 0 : i32
        %dma_wait3A_95 = tpu.memref_slice %arg10[%add3A_89, %dma_wait3A_94] : memref<10000x128xf32, #tpu.memory_space<vmem_shared>> -> memref<80x128xf32, #tpu.memory_space<vmem_shared>>
        %dma_wait3A_96 = arith.constant 0 : i32
        %dma_wait3A_97 = tpu.memref_slice %arg10[%add3A_89, %dma_wait3A_96] : memref<10000x128xf32, #tpu.memory_space<vmem_shared>> -> memref<80x128xf32, #tpu.memory_space<vmem_shared>>
        tpu.wait_dma2 semaphore(%run_scoped3A : memref<!tpu.dma_semaphore, #tpu.memory_space<semaphore_mem>>) src(%arg8 : memref<80x128xf32, #tpu.memory_space<vmem>>) dst(%dma_wait3A_97 : memref<80x128xf32, #tpu.memory_space<vmem_shared>>)
        tpu.yield
      }) : () -> ()
    } else {
    }
    %lt3A_34 = arith.constant 15 : i32
    %lt3A_35 = arith.cmpi slt, %arg1, %lt3A_34 : i32
    %convert_element_type3A_36 = arith.extui %lt3A_35 : i1 to i32
    %cond3A_37 = arith.constant 0 : i32
    %cond3A_38 = arith.cmpi ne, %convert_element_type3A_36, %cond3A_37 : i32
    scf.if %cond3A_38 {
      %mul3A_86 = arith.constant 640 : i32
      %mul3A_87 = arith.muli %arg1, %mul3A_86 : i32
      %add3A_88 = arith.constant 560 : i32
      %add3A_89 = arith.addi %mul3A_87, %add3A_88 : i32
      "tpu.region"() ({
        %run_scoped3A = tpu.sem_alloc : memref<!tpu.dma_semaphore, #tpu.memory_space<semaphore_mem>>
        %dma_start3A_90 = arith.constant 0 : i32
        %dma_start3A_91 = tpu.memref_slice %arg10[%add3A_89, %dma_start3A_90] : memref<10000x128xf32, #tpu.memory_space<vmem_shared>> -> memref<80x128xf32, #tpu.memory_space<vmem_shared>>
        %dma_start3A_92 = arith.constant 0 : i32
        %dma_start3A_93 = tpu.memref_slice %arg10[%add3A_89, %dma_start3A_92] : memref<10000x128xf32, #tpu.memory_space<vmem_shared>> -> memref<80x128xf32, #tpu.memory_space<vmem_shared>>
        tpu.enqueue_dma source(%arg8 : memref<80x128xf32, #tpu.memory_space<vmem>>) target(%dma_start3A_93 : memref<80x128xf32, #tpu.memory_space<vmem_shared>>) target_semaphore(%run_scoped3A : memref<!tpu.dma_semaphore, #tpu.memory_space<semaphore_mem>>)
        %dma_wait3A_94 = arith.constant 0 : i32
        %dma_wait3A_95 = tpu.memref_slice %arg10[%add3A_89, %dma_wait3A_94] : memref<10000x128xf32, #tpu.memory_space<vmem_shared>> -> memref<80x128xf32, #tpu.memory_space<vmem_shared>>
        %dma_wait3A_96 = arith.constant 0 : i32
        %dma_wait3A_97 = tpu.memref_slice %arg10[%add3A_89, %dma_wait3A_96] : memref<10000x128xf32, #tpu.memory_space<vmem_shared>> -> memref<80x128xf32, #tpu.memory_space<vmem_shared>>
        tpu.wait_dma2 semaphore(%run_scoped3A : memref<!tpu.dma_semaphore, #tpu.memory_space<semaphore_mem>>) src(%arg8 : memref<80x128xf32, #tpu.memory_space<vmem>>) dst(%dma_wait3A_97 : memref<80x128xf32, #tpu.memory_space<vmem_shared>>)
        tpu.yield
      }) : () -> ()
    } else {
    }
    %mul3A_39 = arith.constant 10000 : i32
    %mul3A_40 = arith.muli %add3A, %mul3A_39 : i32
    "tpu.region"() ({
      %run_scoped3A = tpu.sem_alloc : memref<!tpu.dma_semaphore, #tpu.memory_space<semaphore_mem>>
      %dma_start3A_86 = tpu.memref_slice %arg3[%mul3A_40] : memref<320000xi32, #tpu.memory_space<hbm>> -> memref<10000xi32, #tpu.memory_space<hbm>>
      %dma_start3A_87 = tpu.memref_slice %arg3[%mul3A_40] : memref<320000xi32, #tpu.memory_space<hbm>> -> memref<10000xi32, #tpu.memory_space<hbm>>
      tpu.enqueue_dma source(%dma_start3A_87 : memref<10000xi32, #tpu.memory_space<hbm>>) target(%arg6 : memref<10000xi32, #tpu.memory_space<vmem>>) target_semaphore(%run_scoped3A : memref<!tpu.dma_semaphore, #tpu.memory_space<semaphore_mem>>)
      %dma_wait3A_88 = tpu.memref_slice %arg3[%mul3A_40] : memref<320000xi32, #tpu.memory_space<hbm>> -> memref<10000xi32, #tpu.memory_space<hbm>>
      %dma_wait3A_89 = tpu.memref_slice %arg3[%mul3A_40] : memref<320000xi32, #tpu.memory_space<hbm>> -> memref<10000xi32, #tpu.memory_space<hbm>>
      tpu.wait_dma2 semaphore(%run_scoped3A : memref<!tpu.dma_semaphore, #tpu.memory_space<semaphore_mem>>) src(%dma_wait3A_89 : memref<10000xi32, #tpu.memory_space<hbm>>) dst(%arg6 : memref<10000xi32, #tpu.memory_space<vmem>>)
      tpu.yield
    }) : () -> ()
    "tpu.region"() ({
      %run_scoped3A = tpu.sem_alloc : memref<!tpu.dma_semaphore, #tpu.memory_space<semaphore_mem>>
      %dma_start3A_86 = arith.constant 0 : i32
      %dma_start3A_87 = arith.constant 0 : i32
      %dma_start3A_88 = tpu.memref_slice %arg4[%add3A, %dma_start3A_86, %dma_start3A_87] : memref<32x125x80xi32, #tpu.memory_space<hbm>> -> memref<1x125x80xi32, #tpu.memory_space<hbm>>
      %dma_start3A_89 = tpu.memref_squeeze %dma_start3A_88 : memref<1x125x80xi32, #tpu.memory_space<hbm>> -> memref<125x80xi32, #tpu.memory_space<hbm>>
      %dma_start3A_90 = arith.constant 0 : i32
      %dma_start3A_91 = arith.constant 0 : i32
      %dma_start3A_92 = tpu.memref_slice %arg4[%add3A, %dma_start3A_90, %dma_start3A_91] : memref<32x125x80xi32, #tpu.memory_space<hbm>> -> memref<1x125x80xi32, #tpu.memory_space<hbm>>
      %dma_start3A_93 = tpu.memref_squeeze %dma_start3A_92 : memref<1x125x80xi32, #tpu.memory_space<hbm>> -> memref<125x80xi32, #tpu.memory_space<hbm>>
      tpu.enqueue_dma source(%dma_start3A_93 : memref<125x80xi32, #tpu.memory_space<hbm>>) target(%arg7 : memref<125x80xi32, #tpu.memory_space<vmem>>) target_semaphore(%run_scoped3A : memref<!tpu.dma_semaphore, #tpu.memory_space<semaphore_mem>>)
      %dma_wait3A_94 = arith.constant 0 : i32
      %dma_wait3A_95 = arith.constant 0 : i32
      %dma_wait3A_96 = tpu.memref_slice %arg4[%add3A, %dma_wait3A_94, %dma_wait3A_95] : memref<32x125x80xi32, #tpu.memory_space<hbm>> -> memref<1x125x80xi32, #tpu.memory_space<hbm>>
      %dma_wait3A_97 = tpu.memref_squeeze %dma_wait3A_96 : memref<1x125x80xi32, #tpu.memory_space<hbm>> -> memref<125x80xi32, #tpu.memory_space<hbm>>
      %dma_wait3A_98 = arith.constant 0 : i32
      %dma_wait3A_99 = arith.constant 0 : i32
      %dma_wait3A_100 = tpu.memref_slice %arg4[%add3A, %dma_wait3A_98, %dma_wait3A_99] : memref<32x125x80xi32, #tpu.memory_space<hbm>> -> memref<1x125x80xi32, #tpu.memory_space<hbm>>
      %dma_wait3A_101 = tpu.memref_squeeze %dma_wait3A_100 : memref<1x125x80xi32, #tpu.memory_space<hbm>> -> memref<125x80xi32, #tpu.memory_space<hbm>>
      tpu.wait_dma2 semaphore(%run_scoped3A : memref<!tpu.dma_semaphore, #tpu.memory_space<semaphore_mem>>) src(%dma_wait3A_101 : memref<125x80xi32, #tpu.memory_space<hbm>>) dst(%arg7 : memref<125x80xi32, #tpu.memory_space<vmem>>)
      tpu.yield
    }) : () -> ()
    %barrier3A = arith.constant 0 : index
    tpu.barrier barrier_id(%barrier3A)
    %dma_start3A = arith.constant 0 : i32
    %dma_start3A_41 = tpu.memref_slice %arg6[%dma_start3A] : memref<10000xi32, #tpu.memory_space<vmem>> -> memref<80xi32, #tpu.memory_space<vmem>>
    %dma_start3A_42 = arith.constant 0 : i32
    %dma_start3A_43 = arith.constant 0 : i32
    %dma_start3A_44 = tpu.memref_slice %arg2[%dma_start3A_42, %dma_start3A_43] : memref<10000x128xf32, #tpu.memory_space<hbm>> -> memref<10000x128xf32, #tpu.memory_space<hbm>>
    tpu.enqueue_indirect_dma source(%dma_start3A_44 : memref<10000x128xf32, #tpu.memory_space<hbm>>) target(%arg8 : memref<80x128xf32, #tpu.memory_space<vmem>>) offsets(%dma_start3A_41 : memref<80xi32, #tpu.memory_space<vmem>>) semaphore(%arg11 : memref<!tpu.dma_semaphore, #tpu.memory_space<semaphore_mem>>)
    %scan3A_45 = arith.constant 0 : i32
    %scan3A_46 = arith.constant 0 : i32
    %scan3A_47 = arith.constant 62 : i32
    %scan3A_48 = arith.addi %scan3A_46, %scan3A_47 : i32
    %scan3A_49 = arith.constant 1 : i32
    scf.for %scan3A_86 = %scan3A_46 to %scan3A_48 step %scan3A_49  : i32 {
      %mul3A_87 = arith.constant 2 : i32
      %mul3A_88 = arith.muli %mul3A_87, %scan3A_86 : i32
      %dma_wait3A_89 = arith.constant 0 : i32
      %dma_wait3A_90 = tpu.memref_slice %arg6[%dma_wait3A_89] : memref<10000xi32, #tpu.memory_space<vmem>> -> memref<80xi32, #tpu.memory_space<vmem>>
      %dma_wait3A_91 = arith.constant 0 : i32
      %dma_wait3A_92 = arith.constant 0 : i32
      %dma_wait3A_93 = tpu.memref_slice %arg2[%dma_wait3A_91, %dma_wait3A_92] : memref<10000x128xf32, #tpu.memory_space<hbm>> -> memref<10000x128xf32, #tpu.memory_space<hbm>>
      tpu.wait_indirect_dma semaphore(%arg11 : memref<!tpu.dma_semaphore, #tpu.memory_space<semaphore_mem>>) src(%dma_wait3A_93 : memref<10000x128xf32, #tpu.memory_space<hbm>>) dst(%arg8 : memref<80x128xf32, #tpu.memory_space<vmem>>)
      %gt3A = arith.constant 0 : i32
      %gt3A_94 = arith.cmpi sgt, %scan3A_86, %gt3A : i32
      %convert_element_type3A_95 = arith.extui %gt3A_94 : i1 to i32
      %cond3A_96 = arith.constant 0 : i32
      %cond3A_97 = arith.cmpi ne, %convert_element_type3A_95, %cond3A_96 : i32
      scf.if %cond3A_97 {
        %dma_wait3A_140 = arith.constant 0 : i32
        %dma_wait3A_141 = arith.constant 0 : i32
        %dma_wait3A_142 = tpu.memref_slice %arg7[%dma_wait3A_140, %dma_wait3A_141] : memref<125x80xi32, #tpu.memory_space<vmem>> -> memref<1x80xi32, #tpu.memory_space<vmem>>
        %dma_wait3A_143 = tpu.memref_squeeze %dma_wait3A_142 : memref<1x80xi32, #tpu.memory_space<vmem>> -> memref<80xi32, #tpu.memory_space<vmem>>
        %dma_wait3A_144 = arith.constant 0 : i32
        %dma_wait3A_145 = arith.constant 0 : i32
        %dma_wait3A_146 = tpu.memref_slice %arg10[%dma_wait3A_144, %dma_wait3A_145] : memref<10000x128xf32, #tpu.memory_space<vmem_shared>> -> memref<10000x128xf32, #tpu.memory_space<vmem_shared>>
        tpu.wait_indirect_dma semaphore(%arg14 : memref<!tpu.dma_semaphore, #tpu.memory_space<semaphore_mem>>) src(%arg9 : memref<80x128xf32, #tpu.memory_space<vmem>>) dst(%dma_wait3A_146 : memref<10000x128xf32, #tpu.memory_space<vmem_shared>>)
      } else {
      }
      %add3A_98 = arith.constant 1 : i32
      %add3A_99 = arith.addi %mul3A_88, %add3A_98 : i32
      %mul3A_100 = arith.constant 80 : i32
      %mul3A_101 = arith.muli %add3A_99, %mul3A_100 : i32
      %dma_start3A_102 = tpu.memref_slice %arg6[%mul3A_101] : memref<10000xi32, #tpu.memory_space<vmem>> -> memref<80xi32, #tpu.memory_space<vmem>>
      %dma_start3A_103 = arith.constant 0 : i32
      %dma_start3A_104 = arith.constant 0 : i32
      %dma_start3A_105 = tpu.memref_slice %arg2[%dma_start3A_103, %dma_start3A_104] : memref<10000x128xf32, #tpu.memory_space<hbm>> -> memref<10000x128xf32, #tpu.memory_space<hbm>>
      tpu.enqueue_indirect_dma source(%dma_start3A_105 : memref<10000x128xf32, #tpu.memory_space<hbm>>) target(%arg9 : memref<80x128xf32, #tpu.memory_space<vmem>>) offsets(%dma_start3A_102 : memref<80xi32, #tpu.memory_space<vmem>>) semaphore(%arg12 : memref<!tpu.dma_semaphore, #tpu.memory_space<semaphore_mem>>)
      %dma_start3A_106 = arith.constant 0 : i32
      %dma_start3A_107 = tpu.memref_slice %arg7[%mul3A_88, %dma_start3A_106] : memref<125x80xi32, #tpu.memory_space<vmem>> -> memref<1x80xi32, #tpu.memory_space<vmem>>
      %dma_start3A_108 = tpu.memref_squeeze %dma_start3A_107 : memref<1x80xi32, #tpu.memory_space<vmem>> -> memref<80xi32, #tpu.memory_space<vmem>>
      %dma_start3A_109 = arith.constant 0 : i32
      %dma_start3A_110 = arith.constant 0 : i32
      %dma_start3A_111 = tpu.memref_slice %arg10[%dma_start3A_109, %dma_start3A_110] : memref<10000x128xf32, #tpu.memory_space<vmem_shared>> -> memref<10000x128xf32, #tpu.memory_space<vmem_shared>>
      tpu.enqueue_indirect_dma source(%arg8 : memref<80x128xf32, #tpu.memory_space<vmem>>) target(%dma_start3A_111 : memref<10000x128xf32, #tpu.memory_space<vmem_shared>>) offsets(%dma_start3A_108 : memref<80xi32, #tpu.memory_space<vmem>>) semaphore(%arg13 : memref<!tpu.dma_semaphore, #tpu.memory_space<semaphore_mem>>) {add = true}
      %dma_wait3A_112 = arith.constant 0 : i32
      %dma_wait3A_113 = tpu.memref_slice %arg6[%dma_wait3A_112] : memref<10000xi32, #tpu.memory_space<vmem>> -> memref<80xi32, #tpu.memory_space<vmem>>
      %dma_wait3A_114 = arith.constant 0 : i32
      %dma_wait3A_115 = arith.constant 0 : i32
      %dma_wait3A_116 = tpu.memref_slice %arg2[%dma_wait3A_114, %dma_wait3A_115] : memref<10000x128xf32, #tpu.memory_space<hbm>> -> memref<10000x128xf32, #tpu.memory_space<hbm>>
      tpu.wait_indirect_dma semaphore(%arg12 : memref<!tpu.dma_semaphore, #tpu.memory_space<semaphore_mem>>) src(%dma_wait3A_116 : memref<10000x128xf32, #tpu.memory_space<hbm>>) dst(%arg9 : memref<80x128xf32, #tpu.memory_space<vmem>>)
      %dma_wait3A_117 = arith.constant 0 : i32
      %dma_wait3A_118 = arith.constant 0 : i32
      %dma_wait3A_119 = tpu.memref_slice %arg7[%dma_wait3A_117, %dma_wait3A_118] : memref<125x80xi32, #tpu.memory_space<vmem>> -> memref<1x80xi32, #tpu.memory_space<vmem>>
      %dma_wait3A_120 = tpu.memref_squeeze %dma_wait3A_119 : memref<1x80xi32, #tpu.memory_space<vmem>> -> memref<80xi32, #tpu.memory_space<vmem>>
      %dma_wait3A_121 = arith.constant 0 : i32
      %dma_wait3A_122 = arith.constant 0 : i32
      %dma_wait3A_123 = tpu.memref_slice %arg10[%dma_wait3A_121, %dma_wait3A_122] : memref<10000x128xf32, #tpu.memory_space<vmem_shared>> -> memref<10000x128xf32, #tpu.memory_space<vmem_shared>>
      tpu.wait_indirect_dma semaphore(%arg13 : memref<!tpu.dma_semaphore, #tpu.memory_space<semaphore_mem>>) src(%arg8 : memref<80x128xf32, #tpu.memory_space<vmem>>) dst(%dma_wait3A_123 : memref<10000x128xf32, #tpu.memory_space<vmem_shared>>)
      %add3A_124 = arith.constant 2 : i32
      %add3A_125 = arith.addi %mul3A_88, %add3A_124 : i32
      %mul3A_126 = arith.constant 80 : i32
      %mul3A_127 = arith.muli %add3A_125, %mul3A_126 : i32
      %dma_start3A_128 = tpu.memref_slice %arg6[%mul3A_127] : memref<10000xi32, #tpu.memory_space<vmem>> -> memref<80xi32, #tpu.memory_space<vmem>>
      %dma_start3A_129 = arith.constant 0 : i32
      %dma_start3A_130 = arith.constant 0 : i32
      %dma_start3A_131 = tpu.memref_slice %arg2[%dma_start3A_129, %dma_start3A_130] : memref<10000x128xf32, #tpu.memory_space<hbm>> -> memref<10000x128xf32, #tpu.memory_space<hbm>>
      tpu.enqueue_indirect_dma source(%dma_start3A_131 : memref<10000x128xf32, #tpu.memory_space<hbm>>) target(%arg8 : memref<80x128xf32, #tpu.memory_space<vmem>>) offsets(%dma_start3A_128 : memref<80xi32, #tpu.memory_space<vmem>>) semaphore(%arg11 : memref<!tpu.dma_semaphore, #tpu.memory_space<semaphore_mem>>)
      %add3A_132 = arith.constant 1 : i32
      %add3A_133 = arith.addi %mul3A_88, %add3A_132 : i32
      %dma_start3A_134 = arith.constant 0 : i32
      %dma_start3A_135 = tpu.memref_slice %arg7[%add3A_133, %dma_start3A_134] : memref<125x80xi32, #tpu.memory_space<vmem>> -> memref<1x80xi32, #tpu.memory_space<vmem>>
      %dma_start3A_136 = tpu.memref_squeeze %dma_start3A_135 : memref<1x80xi32, #tpu.memory_space<vmem>> -> memref<80xi32, #tpu.memory_space<vmem>>
      %dma_start3A_137 = arith.constant 0 : i32
      %dma_start3A_138 = arith.constant 0 : i32
      %dma_start3A_139 = tpu.memref_slice %arg10[%dma_start3A_137, %dma_start3A_138] : memref<10000x128xf32, #tpu.memory_space<vmem_shared>> -> memref<10000x128xf32, #tpu.memory_space<vmem_shared>>
      tpu.enqueue_indirect_dma source(%arg9 : memref<80x128xf32, #tpu.memory_space<vmem>>) target(%dma_start3A_139 : memref<10000x128xf32, #tpu.memory_space<vmem_shared>>) offsets(%dma_start3A_136 : memref<80xi32, #tpu.memory_space<vmem>>) semaphore(%arg14 : memref<!tpu.dma_semaphore, #tpu.memory_space<semaphore_mem>>) {add = true}
    }
    %scan3A_50 = arith.constant 62 : i32
    %dma_wait3A = arith.constant 0 : i32
    %dma_wait3A_51 = tpu.memref_slice %arg6[%dma_wait3A] : memref<10000xi32, #tpu.memory_space<vmem>> -> memref<80xi32, #tpu.memory_space<vmem>>
    %dma_wait3A_52 = arith.constant 0 : i32
    %dma_wait3A_53 = arith.constant 0 : i32
    %dma_wait3A_54 = tpu.memref_slice %arg2[%dma_wait3A_52, %dma_wait3A_53] : memref<10000x128xf32, #tpu.memory_space<hbm>> -> memref<10000x128xf32, #tpu.memory_space<hbm>>
    tpu.wait_indirect_dma semaphore(%arg11 : memref<!tpu.dma_semaphore, #tpu.memory_space<semaphore_mem>>) src(%dma_wait3A_54 : memref<10000x128xf32, #tpu.memory_space<hbm>>) dst(%arg8 : memref<80x128xf32, #tpu.memory_space<vmem>>)
    %dma_start3A_55 = arith.constant 124 : i32
    %dma_start3A_56 = arith.constant 0 : i32
    %dma_start3A_57 = tpu.memref_slice %arg7[%dma_start3A_55, %dma_start3A_56] : memref<125x80xi32, #tpu.memory_space<vmem>> -> memref<1x80xi32, #tpu.memory_space<vmem>>
    %dma_start3A_58 = tpu.memref_squeeze %dma_start3A_57 : memref<1x80xi32, #tpu.memory_space<vmem>> -> memref<80xi32, #tpu.memory_space<vmem>>
    %dma_start3A_59 = arith.constant 0 : i32
    %dma_start3A_60 = arith.constant 0 : i32
    %dma_start3A_61 = tpu.memref_slice %arg10[%dma_start3A_59, %dma_start3A_60] : memref<10000x128xf32, #tpu.memory_space<vmem_shared>> -> memref<10000x128xf32, #tpu.memory_space<vmem_shared>>
    tpu.enqueue_indirect_dma source(%arg8 : memref<80x128xf32, #tpu.memory_space<vmem>>) target(%dma_start3A_61 : memref<10000x128xf32, #tpu.memory_space<vmem_shared>>) offsets(%dma_start3A_58 : memref<80xi32, #tpu.memory_space<vmem>>) semaphore(%arg13 : memref<!tpu.dma_semaphore, #tpu.memory_space<semaphore_mem>>) {add = true}
    %dma_wait3A_62 = arith.constant 0 : i32
    %dma_wait3A_63 = arith.constant 0 : i32
    %dma_wait3A_64 = tpu.memref_slice %arg7[%dma_wait3A_62, %dma_wait3A_63] : memref<125x80xi32, #tpu.memory_space<vmem>> -> memref<1x80xi32, #tpu.memory_space<vmem>>
    %dma_wait3A_65 = tpu.memref_squeeze %dma_wait3A_64 : memref<1x80xi32, #tpu.memory_space<vmem>> -> memref<80xi32, #tpu.memory_space<vmem>>
    %dma_wait3A_66 = arith.constant 0 : i32
    %dma_wait3A_67 = arith.constant 0 : i32
    %dma_wait3A_68 = tpu.memref_slice %arg10[%dma_wait3A_66, %dma_wait3A_67] : memref<10000x128xf32, #tpu.memory_space<vmem_shared>> -> memref<10000x128xf32, #tpu.memory_space<vmem_shared>>
    tpu.wait_indirect_dma semaphore(%arg13 : memref<!tpu.dma_semaphore, #tpu.memory_space<semaphore_mem>>) src(%arg8 : memref<80x128xf32, #tpu.memory_space<vmem>>) dst(%dma_wait3A_68 : memref<10000x128xf32, #tpu.memory_space<vmem_shared>>)
    %dma_wait3A_69 = arith.constant 0 : i32
    %dma_wait3A_70 = arith.constant 0 : i32
    %dma_wait3A_71 = tpu.memref_slice %arg7[%dma_wait3A_69, %dma_wait3A_70] : memref<125x80xi32, #tpu.memory_space<vmem>> -> memref<1x80xi32, #tpu.memory_space<vmem>>
    %dma_wait3A_72 = tpu.memref_squeeze %dma_wait3A_71 : memref<1x80xi32, #tpu.memory_space<vmem>> -> memref<80xi32, #tpu.memory_space<vmem>>
    %dma_wait3A_73 = arith.constant 0 : i32
    %dma_wait3A_74 = arith.constant 0 : i32
    %dma_wait3A_75 = tpu.memref_slice %arg10[%dma_wait3A_73, %dma_wait3A_74] : memref<10000x128xf32, #tpu.memory_space<vmem_shared>> -> memref<10000x128xf32, #tpu.memory_space<vmem_shared>>
    tpu.wait_indirect_dma semaphore(%arg14 : memref<!tpu.dma_semaphore, #tpu.memory_space<semaphore_mem>>) src(%arg9 : memref<80x128xf32, #tpu.memory_space<vmem>>) dst(%dma_wait3A_75 : memref<10000x128xf32, #tpu.memory_space<vmem_shared>>)
    %barrier3A_76 = arith.constant 0 : index
    tpu.barrier barrier_id(%barrier3A_76)
    %lt3A_77 = arith.constant 15 : i32
    %lt3A_78 = arith.cmpi slt, %arg1, %lt3A_77 : i32
    %convert_element_type3A_79 = arith.extui %lt3A_78 : i1 to i32
    %cond3A_80 = arith.constant 0 : i32
    %cond3A_81 = arith.cmpi ne, %convert_element_type3A_79, %cond3A_80 : i32
    scf.if %cond3A_81 {
      %mul3A_86 = arith.constant 640 : i32
      %mul3A_87 = arith.muli %arg1, %mul3A_86 : i32
      %mul3A_88 = arith.constant 640 : i32
      %mul3A_89 = arith.muli %arg1, %mul3A_88 : i32
      "tpu.region"() ({
        %run_scoped3A = tpu.sem_alloc : memref<!tpu.dma_semaphore, #tpu.memory_space<semaphore_mem>>
        %dma_start3A_90 = arith.constant 0 : i32
        %dma_start3A_91 = tpu.memref_slice %arg5[%arg0, %mul3A_89, %dma_start3A_90] : memref<2x10000x128xf32, #tpu.memory_space<hbm>> -> memref<1x640x128xf32, #tpu.memory_space<hbm>>
        %dma_start3A_92 = tpu.memref_squeeze %dma_start3A_91 : memref<1x640x128xf32, #tpu.memory_space<hbm>> -> memref<640x128xf32, #tpu.memory_space<hbm>>
        %dma_start3A_93 = arith.constant 0 : i32
        %dma_start3A_94 = tpu.memref_slice %arg10[%mul3A_87, %dma_start3A_93] : memref<10000x128xf32, #tpu.memory_space<vmem_shared>> -> memref<640x128xf32, #tpu.memory_space<vmem_shared>>
        tpu.enqueue_dma source(%dma_start3A_94 : memref<640x128xf32, #tpu.memory_space<vmem_shared>>) target(%dma_start3A_92 : memref<640x128xf32, #tpu.memory_space<hbm>>) target_semaphore(%run_scoped3A : memref<!tpu.dma_semaphore, #tpu.memory_space<semaphore_mem>>)
        %dma_wait3A_95 = arith.constant 0 : i32
        %dma_wait3A_96 = tpu.memref_slice %arg5[%arg0, %mul3A_89, %dma_wait3A_95] : memref<2x10000x128xf32, #tpu.memory_space<hbm>> -> memref<1x640x128xf32, #tpu.memory_space<hbm>>
        %dma_wait3A_97 = tpu.memref_squeeze %dma_wait3A_96 : memref<1x640x128xf32, #tpu.memory_space<hbm>> -> memref<640x128xf32, #tpu.memory_space<hbm>>
        %dma_wait3A_98 = arith.constant 0 : i32
        %dma_wait3A_99 = tpu.memref_slice %arg10[%mul3A_87, %dma_wait3A_98] : memref<10000x128xf32, #tpu.memory_space<vmem_shared>> -> memref<640x128xf32, #tpu.memory_space<vmem_shared>>
        tpu.wait_dma2 semaphore(%run_scoped3A : memref<!tpu.dma_semaphore, #tpu.memory_space<semaphore_mem>>) src(%dma_wait3A_99 : memref<640x128xf32, #tpu.memory_space<vmem_shared>>) dst(%dma_wait3A_97 : memref<640x128xf32, #tpu.memory_space<hbm>>)
        tpu.yield
      }) : () -> ()
    } else {
    }
    %eq3A = arith.constant 15 : i32
    %eq3A_82 = arith.cmpi eq, %arg1, %eq3A : i32
    %convert_element_type3A_83 = arith.extui %eq3A_82 : i1 to i32
    %cond3A_84 = arith.constant 0 : i32
    %cond3A_85 = arith.cmpi ne, %convert_element_type3A_83, %cond3A_84 : i32
    scf.if %cond3A_85 {
      %mul3A_86 = arith.constant 640 : i32
      %mul3A_87 = arith.muli %arg1, %mul3A_86 : i32
      %mul3A_88 = arith.constant 640 : i32
      %mul3A_89 = arith.muli %arg1, %mul3A_88 : i32
      "tpu.region"() ({
        %run_scoped3A = tpu.sem_alloc : memref<!tpu.dma_semaphore, #tpu.memory_space<semaphore_mem>>
        %dma_start3A_90 = arith.constant 0 : i32
        %dma_start3A_91 = tpu.memref_slice %arg5[%arg0, %mul3A_89, %dma_start3A_90] : memref<2x10000x128xf32, #tpu.memory_space<hbm>> -> memref<1x400x128xf32, #tpu.memory_space<hbm>>
        %dma_start3A_92 = tpu.memref_squeeze %dma_start3A_91 : memref<1x400x128xf32, #tpu.memory_space<hbm>> -> memref<400x128xf32, #tpu.memory_space<hbm>>
        %dma_start3A_93 = arith.constant 0 : i32
        %dma_start3A_94 = tpu.memref_slice %arg10[%mul3A_87, %dma_start3A_93] : memref<10000x128xf32, #tpu.memory_space<vmem_shared>> -> memref<400x128xf32, #tpu.memory_space<vmem_shared>>
        tpu.enqueue_dma source(%dma_start3A_94 : memref<400x128xf32, #tpu.memory_space<vmem_shared>>) target(%dma_start3A_92 : memref<400x128xf32, #tpu.memory_space<hbm>>) target_semaphore(%run_scoped3A : memref<!tpu.dma_semaphore, #tpu.memory_space<semaphore_mem>>)
        %dma_wait3A_95 = arith.constant 0 : i32
        %dma_wait3A_96 = tpu.memref_slice %arg5[%arg0, %mul3A_89, %dma_wait3A_95] : memref<2x10000x128xf32, #tpu.memory_space<hbm>> -> memref<1x400x128xf32, #tpu.memory_space<hbm>>
        %dma_wait3A_97 = tpu.memref_squeeze %dma_wait3A_96 : memref<1x400x128xf32, #tpu.memory_space<hbm>> -> memref<400x128xf32, #tpu.memory_space<hbm>>
        %dma_wait3A_98 = arith.constant 0 : i32
        %dma_wait3A_99 = tpu.memref_slice %arg10[%mul3A_87, %dma_wait3A_98] : memref<10000x128xf32, #tpu.memory_space<vmem_shared>> -> memref<400x128xf32, #tpu.memory_space<vmem_shared>>
        tpu.wait_dma2 semaphore(%run_scoped3A : memref<!tpu.dma_semaphore, #tpu.memory_space<semaphore_mem>>) src(%dma_wait3A_99 : memref<400x128xf32, #tpu.memory_space<vmem_shared>>) dst(%dma_wait3A_97 : memref<400x128xf32, #tpu.memory_space<hbm>>)
        tpu.yield
      }) : () -> ()
    } else {
    }
    return
  }
}

#map = affine_map<(d0, d1) -> (0, 0, 0)>
module attributes {stable_mosaic.version = 14 : i64} {
  func.func @_deg_kernel(%arg0: i32, %arg1: i32, %arg2: memref<32x125x80xi32, #tpu.memory_space<hbm>>, %arg3: memref<2x1x10240xf32, #tpu.memory_space<hbm>>, %arg4: memref<125x80xi32, #tpu.memory_space<vmem>>, %arg5: memref<80xf32, #tpu.memory_space<vmem>>, %arg6: memref<640xf32, #tpu.memory_space<vmem>>, %arg7: memref<10240xf32, #tpu.memory_space<vmem_shared>>, %arg8: memref<!tpu.dma_semaphore, #tpu.memory_space<semaphore_mem>>) attributes {dimension_semantics = [#tpu.dimension_semantics<core_parallel>, #tpu.dimension_semantics<subcore_parallel>], iteration_bounds = array<i64: 2, 16>, scalar_prefetch = 0 : i64, scratch_operands = 5 : i64, tpu.core_type = #tpu.core_type<sc_vector_subcore>, window_params = [{transform_indices = #map}, {transform_indices = #map}]} {
    %mul3A = arith.constant 2 : i32
    %mul3A_0 = arith.muli %arg1, %mul3A : i32
    %add3A = arith.addi %mul3A_0, %arg0 : i32
    %broadcast_in_dim3A = arith.constant 1.000000e+00 : f32
    %broadcast_in_dim3A_1 = vector.broadcast %broadcast_in_dim3A : f32 to vector<16xf32>
    %broadcast_in_dim3A_2 = arith.constant 0.000000e+00 : f32
    %broadcast_in_dim3A_3 = vector.broadcast %broadcast_in_dim3A_2 : f32 to vector<16xf32>
    %swap3A = arith.constant 0 : index
    %swap3A_4 = tpu.vector_load %arg5[%swap3A] {strides = array<i32>} : memref<80xf32, #tpu.memory_space<vmem>>, vector<16xf32>,
    %swap3A_5 = vector.shape_cast %swap3A_4 : vector<16xf32> to vector<16xf32>
    %swap3A_6 = vector.shape_cast %broadcast_in_dim3A_1 : vector<16xf32> to vector<16xf32>
    tpu.vector_store %arg5[%swap3A], %swap3A_6 {strides = array<i32>} : memref<80xf32, #tpu.memory_space<vmem>>, vector<16xf32>,
    %swap3A_7 = arith.constant 16 : index
    %swap3A_8 = tpu.vector_load %arg5[%swap3A_7] {strides = array<i32>} : memref<80xf32, #tpu.memory_space<vmem>>, vector<16xf32>,
    %swap3A_9 = vector.shape_cast %swap3A_8 : vector<16xf32> to vector<16xf32>
    %swap3A_10 = vector.shape_cast %broadcast_in_dim3A_1 : vector<16xf32> to vector<16xf32>
    tpu.vector_store %arg5[%swap3A_7], %swap3A_10 {strides = array<i32>} : memref<80xf32, #tpu.memory_space<vmem>>, vector<16xf32>,
    %swap3A_11 = arith.constant 32 : index
    %swap3A_12 = tpu.vector_load %arg5[%swap3A_11] {strides = array<i32>} : memref<80xf32, #tpu.memory_space<vmem>>, vector<16xf32>,
    %swap3A_13 = vector.shape_cast %swap3A_12 : vector<16xf32> to vector<16xf32>
    %swap3A_14 = vector.shape_cast %broadcast_in_dim3A_1 : vector<16xf32> to vector<16xf32>
    tpu.vector_store %arg5[%swap3A_11], %swap3A_14 {strides = array<i32>} : memref<80xf32, #tpu.memory_space<vmem>>, vector<16xf32>,
    %swap3A_15 = arith.constant 48 : index
    %swap3A_16 = tpu.vector_load %arg5[%swap3A_15] {strides = array<i32>} : memref<80xf32, #tpu.memory_space<vmem>>, vector<16xf32>,
    %swap3A_17 = vector.shape_cast %swap3A_16 : vector<16xf32> to vector<16xf32>
    %swap3A_18 = vector.shape_cast %broadcast_in_dim3A_1 : vector<16xf32> to vector<16xf32>
    tpu.vector_store %arg5[%swap3A_15], %swap3A_18 {strides = array<i32>} : memref<80xf32, #tpu.memory_space<vmem>>, vector<16xf32>,
    %swap3A_19 = arith.constant 64 : index
    %swap3A_20 = tpu.vector_load %arg5[%swap3A_19] {strides = array<i32>} : memref<80xf32, #tpu.memory_space<vmem>>, vector<16xf32>,
    %swap3A_21 = vector.shape_cast %swap3A_20 : vector<16xf32> to vector<16xf32>
    %swap3A_22 = vector.shape_cast %broadcast_in_dim3A_1 : vector<16xf32> to vector<16xf32>
    tpu.vector_store %arg5[%swap3A_19], %swap3A_22 {strides = array<i32>} : memref<80xf32, #tpu.memory_space<vmem>>, vector<16xf32>,
    %swap3A_23 = arith.constant 0 : index
    %swap3A_24 = tpu.vector_load %arg6[%swap3A_23] {strides = array<i32>} : memref<640xf32, #tpu.memory_space<vmem>>, vector<16xf32>,
    %swap3A_25 = vector.shape_cast %swap3A_24 : vector<16xf32> to vector<16xf32>
    %swap3A_26 = vector.shape_cast %broadcast_in_dim3A_3 : vector<16xf32> to vector<16xf32>
    tpu.vector_store %arg6[%swap3A_23], %swap3A_26 {strides = array<i32>} : memref<640xf32, #tpu.memory_space<vmem>>, vector<16xf32>,
    %swap3A_27 = arith.constant 16 : index
    %swap3A_28 = tpu.vector_load %arg6[%swap3A_27] {strides = array<i32>} : memref<640xf32, #tpu.memory_space<vmem>>, vector<16xf32>,
    %swap3A_29 = vector.shape_cast %swap3A_28 : vector<16xf32> to vector<16xf32>
    %swap3A_30 = vector.shape_cast %broadcast_in_dim3A_3 : vector<16xf32> to vector<16xf32>
    tpu.vector_store %arg6[%swap3A_27], %swap3A_30 {strides = array<i32>} : memref<640xf32, #tpu.memory_space<vmem>>, vector<16xf32>,
    %swap3A_31 = arith.constant 32 : index
    %swap3A_32 = tpu.vector_load %arg6[%swap3A_31] {strides = array<i32>} : memref<640xf32, #tpu.memory_space<vmem>>, vector<16xf32>,
    %swap3A_33 = vector.shape_cast %swap3A_32 : vector<16xf32> to vector<16xf32>
    %swap3A_34 = vector.shape_cast %broadcast_in_dim3A_3 : vector<16xf32> to vector<16xf32>
    tpu.vector_store %arg6[%swap3A_31], %swap3A_34 {strides = array<i32>} : memref<640xf32, #tpu.memory_space<vmem>>, vector<16xf32>,
    %swap3A_35 = arith.constant 48 : index
    %swap3A_36 = tpu.vector_load %arg6[%swap3A_35] {strides = array<i32>} : memref<640xf32, #tpu.memory_space<vmem>>, vector<16xf32>,
    %swap3A_37 = vector.shape_cast %swap3A_36 : vector<16xf32> to vector<16xf32>
    %swap3A_38 = vector.shape_cast %broadcast_in_dim3A_3 : vector<16xf32> to vector<16xf32>
    tpu.vector_store %arg6[%swap3A_35], %swap3A_38 {strides = array<i32>} : memref<640xf32, #tpu.memory_space<vmem>>, vector<16xf32>,
    %swap3A_39 = arith.constant 64 : index
    %swap3A_40 = tpu.vector_load %arg6[%swap3A_39] {strides = array<i32>} : memref<640xf32, #tpu.memory_space<vmem>>, vector<16xf32>,
    %swap3A_41 = vector.shape_cast %swap3A_40 : vector<16xf32> to vector<16xf32>
    %swap3A_42 = vector.shape_cast %broadcast_in_dim3A_3 : vector<16xf32> to vector<16xf32>
    tpu.vector_store %arg6[%swap3A_39], %swap3A_42 {strides = array<i32>} : memref<640xf32, #tpu.memory_space<vmem>>, vector<16xf32>,
    %swap3A_43 = arith.constant 80 : index
    %swap3A_44 = tpu.vector_load %arg6[%swap3A_43] {strides = array<i32>} : memref<640xf32, #tpu.memory_space<vmem>>, vector<16xf32>,
    %swap3A_45 = vector.shape_cast %swap3A_44 : vector<16xf32> to vector<16xf32>
    %swap3A_46 = vector.shape_cast %broadcast_in_dim3A_3 : vector<16xf32> to vector<16xf32>
    tpu.vector_store %arg6[%swap3A_43], %swap3A_46 {strides = array<i32>} : memref<640xf32, #tpu.memory_space<vmem>>, vector<16xf32>,
    %swap3A_47 = arith.constant 96 : index
    %swap3A_48 = tpu.vector_load %arg6[%swap3A_47] {strides = array<i32>} : memref<640xf32, #tpu.memory_space<vmem>>, vector<16xf32>,
    %swap3A_49 = vector.shape_cast %swap3A_48 : vector<16xf32> to vector<16xf32>
    %swap3A_50 = vector.shape_cast %broadcast_in_dim3A_3 : vector<16xf32> to vector<16xf32>
    tpu.vector_store %arg6[%swap3A_47], %swap3A_50 {strides = array<i32>} : memref<640xf32, #tpu.memory_space<vmem>>, vector<16xf32>,
    %swap3A_51 = arith.constant 112 : index
    %swap3A_52 = tpu.vector_load %arg6[%swap3A_51] {strides = array<i32>} : memref<640xf32, #tpu.memory_space<vmem>>, vector<16xf32>,
    %swap3A_53 = vector.shape_cast %swap3A_52 : vector<16xf32> to vector<16xf32>
    %swap3A_54 = vector.shape_cast %broadcast_in_dim3A_3 : vector<16xf32> to vector<16xf32>
    tpu.vector_store %arg6[%swap3A_51], %swap3A_54 {strides = array<i32>} : memref<640xf32, #tpu.memory_space<vmem>>, vector<16xf32>,
    %swap3A_55 = arith.constant 128 : index
    %swap3A_56 = tpu.vector_load %arg6[%swap3A_55] {strides = array<i32>} : memref<640xf32, #tpu.memory_space<vmem>>, vector<16xf32>,
    %swap3A_57 = vector.shape_cast %swap3A_56 : vector<16xf32> to vector<16xf32>
    %swap3A_58 = vector.shape_cast %broadcast_in_dim3A_3 : vector<16xf32> to vector<16xf32>
    tpu.vector_store %arg6[%swap3A_55], %swap3A_58 {strides = array<i32>} : memref<640xf32, #tpu.memory_space<vmem>>, vector<16xf32>,
    %swap3A_59 = arith.constant 144 : index
    %swap3A_60 = tpu.vector_load %arg6[%swap3A_59] {strides = array<i32>} : memref<640xf32, #tpu.memory_space<vmem>>, vector<16xf32>,
    %swap3A_61 = vector.shape_cast %swap3A_60 : vector<16xf32> to vector<16xf32>
    %swap3A_62 = vector.shape_cast %broadcast_in_dim3A_3 : vector<16xf32> to vector<16xf32>
    tpu.vector_store %arg6[%swap3A_59], %swap3A_62 {strides = array<i32>} : memref<640xf32, #tpu.memory_space<vmem>>, vector<16xf32>,
    %swap3A_63 = arith.constant 160 : index
    %swap3A_64 = tpu.vector_load %arg6[%swap3A_63] {strides = array<i32>} : memref<640xf32, #tpu.memory_space<vmem>>, vector<16xf32>,
    %swap3A_65 = vector.shape_cast %swap3A_64 : vector<16xf32> to vector<16xf32>
    %swap3A_66 = vector.shape_cast %broadcast_in_dim3A_3 : vector<16xf32> to vector<16xf32>
    tpu.vector_store %arg6[%swap3A_63], %swap3A_66 {strides = array<i32>} : memref<640xf32, #tpu.memory_space<vmem>>, vector<16xf32>,
    %swap3A_67 = arith.constant 176 : index
    %swap3A_68 = tpu.vector_load %arg6[%swap3A_67] {strides = array<i32>} : memref<640xf32, #tpu.memory_space<vmem>>, vector<16xf32>,
    %swap3A_69 = vector.shape_cast %swap3A_68 : vector<16xf32> to vector<16xf32>
    %swap3A_70 = vector.shape_cast %broadcast_in_dim3A_3 : vector<16xf32> to vector<16xf32>
    tpu.vector_store %arg6[%swap3A_67], %swap3A_70 {strides = array<i32>} : memref<640xf32, #tpu.memory_space<vmem>>, vector<16xf32>,
    %swap3A_71 = arith.constant 192 : index
    %swap3A_72 = tpu.vector_load %arg6[%swap3A_71] {strides = array<i32>} : memref<640xf32, #tpu.memory_space<vmem>>, vector<16xf32>,
    %swap3A_73 = vector.shape_cast %swap3A_72 : vector<16xf32> to vector<16xf32>
    %swap3A_74 = vector.shape_cast %broadcast_in_dim3A_3 : vector<16xf32> to vector<16xf32>
    tpu.vector_store %arg6[%swap3A_71], %swap3A_74 {strides = array<i32>} : memref<640xf32, #tpu.memory_space<vmem>>, vector<16xf32>,
    %swap3A_75 = arith.constant 208 : index
    %swap3A_76 = tpu.vector_load %arg6[%swap3A_75] {strides = array<i32>} : memref<640xf32, #tpu.memory_space<vmem>>, vector<16xf32>,
    %swap3A_77 = vector.shape_cast %swap3A_76 : vector<16xf32> to vector<16xf32>
    %swap3A_78 = vector.shape_cast %broadcast_in_dim3A_3 : vector<16xf32> to vector<16xf32>
    tpu.vector_store %arg6[%swap3A_75], %swap3A_78 {strides = array<i32>} : memref<640xf32, #tpu.memory_space<vmem>>, vector<16xf32>,
    %swap3A_79 = arith.constant 224 : index
    %swap3A_80 = tpu.vector_load %arg6[%swap3A_79] {strides = array<i32>} : memref<640xf32, #tpu.memory_space<vmem>>, vector<16xf32>,
    %swap3A_81 = vector.shape_cast %swap3A_80 : vector<16xf32> to vector<16xf32>
    %swap3A_82 = vector.shape_cast %broadcast_in_dim3A_3 : vector<16xf32> to vector<16xf32>
    tpu.vector_store %arg6[%swap3A_79], %swap3A_82 {strides = array<i32>} : memref<640xf32, #tpu.memory_space<vmem>>, vector<16xf32>,
    %swap3A_83 = arith.constant 240 : index
    %swap3A_84 = tpu.vector_load %arg6[%swap3A_83] {strides = array<i32>} : memref<640xf32, #tpu.memory_space<vmem>>, vector<16xf32>,
    %swap3A_85 = vector.shape_cast %swap3A_84 : vector<16xf32> to vector<16xf32>
    %swap3A_86 = vector.shape_cast %broadcast_in_dim3A_3 : vector<16xf32> to vector<16xf32>
    tpu.vector_store %arg6[%swap3A_83], %swap3A_86 {strides = array<i32>} : memref<640xf32, #tpu.memory_space<vmem>>, vector<16xf32>,
    %swap3A_87 = arith.constant 256 : index
    %swap3A_88 = tpu.vector_load %arg6[%swap3A_87] {strides = array<i32>} : memref<640xf32, #tpu.memory_space<vmem>>, vector<16xf32>,
    %swap3A_89 = vector.shape_cast %swap3A_88 : vector<16xf32> to vector<16xf32>
    %swap3A_90 = vector.shape_cast %broadcast_in_dim3A_3 : vector<16xf32> to vector<16xf32>
    tpu.vector_store %arg6[%swap3A_87], %swap3A_90 {strides = array<i32>} : memref<640xf32, #tpu.memory_space<vmem>>, vector<16xf32>,
    %swap3A_91 = arith.constant 272 : index
    %swap3A_92 = tpu.vector_load %arg6[%swap3A_91] {strides = array<i32>} : memref<640xf32, #tpu.memory_space<vmem>>, vector<16xf32>,
    %swap3A_93 = vector.shape_cast %swap3A_92 : vector<16xf32> to vector<16xf32>
    %swap3A_94 = vector.shape_cast %broadcast_in_dim3A_3 : vector<16xf32> to vector<16xf32>
    tpu.vector_store %arg6[%swap3A_91], %swap3A_94 {strides = array<i32>} : memref<640xf32, #tpu.memory_space<vmem>>, vector<16xf32>,
    %swap3A_95 = arith.constant 288 : index
    %swap3A_96 = tpu.vector_load %arg6[%swap3A_95] {strides = array<i32>} : memref<640xf32, #tpu.memory_space<vmem>>, vector<16xf32>,
    %swap3A_97 = vector.shape_cast %swap3A_96 : vector<16xf32> to vector<16xf32>
    %swap3A_98 = vector.shape_cast %broadcast_in_dim3A_3 : vector<16xf32> to vector<16xf32>
    tpu.vector_store %arg6[%swap3A_95], %swap3A_98 {strides = array<i32>} : memref<640xf32, #tpu.memory_space<vmem>>, vector<16xf32>,
    %swap3A_99 = arith.constant 304 : index
    %swap3A_100 = tpu.vector_load %arg6[%swap3A_99] {strides = array<i32>} : memref<640xf32, #tpu.memory_space<vmem>>, vector<16xf32>,
    %swap3A_101 = vector.shape_cast %swap3A_100 : vector<16xf32> to vector<16xf32>
    %swap3A_102 = vector.shape_cast %broadcast_in_dim3A_3 : vector<16xf32> to vector<16xf32>
    tpu.vector_store %arg6[%swap3A_99], %swap3A_102 {strides = array<i32>} : memref<640xf32, #tpu.memory_space<vmem>>, vector<16xf32>,
    %swap3A_103 = arith.constant 320 : index
    %swap3A_104 = tpu.vector_load %arg6[%swap3A_103] {strides = array<i32>} : memref<640xf32, #tpu.memory_space<vmem>>, vector<16xf32>,
    %swap3A_105 = vector.shape_cast %swap3A_104 : vector<16xf32> to vector<16xf32>
    %swap3A_106 = vector.shape_cast %broadcast_in_dim3A_3 : vector<16xf32> to vector<16xf32>
    tpu.vector_store %arg6[%swap3A_103], %swap3A_106 {strides = array<i32>} : memref<640xf32, #tpu.memory_space<vmem>>, vector<16xf32>,
    %swap3A_107 = arith.constant 336 : index
    %swap3A_108 = tpu.vector_load %arg6[%swap3A_107] {strides = array<i32>} : memref<640xf32, #tpu.memory_space<vmem>>, vector<16xf32>,
    %swap3A_109 = vector.shape_cast %swap3A_108 : vector<16xf32> to vector<16xf32>
    %swap3A_110 = vector.shape_cast %broadcast_in_dim3A_3 : vector<16xf32> to vector<16xf32>
    tpu.vector_store %arg6[%swap3A_107], %swap3A_110 {strides = array<i32>} : memref<640xf32, #tpu.memory_space<vmem>>, vector<16xf32>,
    %swap3A_111 = arith.constant 352 : index
    %swap3A_112 = tpu.vector_load %arg6[%swap3A_111] {strides = array<i32>} : memref<640xf32, #tpu.memory_space<vmem>>, vector<16xf32>,
    %swap3A_113 = vector.shape_cast %swap3A_112 : vector<16xf32> to vector<16xf32>
    %swap3A_114 = vector.shape_cast %broadcast_in_dim3A_3 : vector<16xf32> to vector<16xf32>
    tpu.vector_store %arg6[%swap3A_111], %swap3A_114 {strides = array<i32>} : memref<640xf32, #tpu.memory_space<vmem>>, vector<16xf32>,
    %swap3A_115 = arith.constant 368 : index
    %swap3A_116 = tpu.vector_load %arg6[%swap3A_115] {strides = array<i32>} : memref<640xf32, #tpu.memory_space<vmem>>, vector<16xf32>,
    %swap3A_117 = vector.shape_cast %swap3A_116 : vector<16xf32> to vector<16xf32>
    %swap3A_118 = vector.shape_cast %broadcast_in_dim3A_3 : vector<16xf32> to vector<16xf32>
    tpu.vector_store %arg6[%swap3A_115], %swap3A_118 {strides = array<i32>} : memref<640xf32, #tpu.memory_space<vmem>>, vector<16xf32>,
    %swap3A_119 = arith.constant 384 : index
    %swap3A_120 = tpu.vector_load %arg6[%swap3A_119] {strides = array<i32>} : memref<640xf32, #tpu.memory_space<vmem>>, vector<16xf32>,
    %swap3A_121 = vector.shape_cast %swap3A_120 : vector<16xf32> to vector<16xf32>
    %swap3A_122 = vector.shape_cast %broadcast_in_dim3A_3 : vector<16xf32> to vector<16xf32>
    tpu.vector_store %arg6[%swap3A_119], %swap3A_122 {strides = array<i32>} : memref<640xf32, #tpu.memory_space<vmem>>, vector<16xf32>,
    %swap3A_123 = arith.constant 400 : index
    %swap3A_124 = tpu.vector_load %arg6[%swap3A_123] {strides = array<i32>} : memref<640xf32, #tpu.memory_space<vmem>>, vector<16xf32>,
    %swap3A_125 = vector.shape_cast %swap3A_124 : vector<16xf32> to vector<16xf32>
    %swap3A_126 = vector.shape_cast %broadcast_in_dim3A_3 : vector<16xf32> to vector<16xf32>
    tpu.vector_store %arg6[%swap3A_123], %swap3A_126 {strides = array<i32>} : memref<640xf32, #tpu.memory_space<vmem>>, vector<16xf32>,
    %swap3A_127 = arith.constant 416 : index
    %swap3A_128 = tpu.vector_load %arg6[%swap3A_127] {strides = array<i32>} : memref<640xf32, #tpu.memory_space<vmem>>, vector<16xf32>,
    %swap3A_129 = vector.shape_cast %swap3A_128 : vector<16xf32> to vector<16xf32>
    %swap3A_130 = vector.shape_cast %broadcast_in_dim3A_3 : vector<16xf32> to vector<16xf32>
    tpu.vector_store %arg6[%swap3A_127], %swap3A_130 {strides = array<i32>} : memref<640xf32, #tpu.memory_space<vmem>>, vector<16xf32>,
    %swap3A_131 = arith.constant 432 : index
    %swap3A_132 = tpu.vector_load %arg6[%swap3A_131] {strides = array<i32>} : memref<640xf32, #tpu.memory_space<vmem>>, vector<16xf32>,
    %swap3A_133 = vector.shape_cast %swap3A_132 : vector<16xf32> to vector<16xf32>
    %swap3A_134 = vector.shape_cast %broadcast_in_dim3A_3 : vector<16xf32> to vector<16xf32>
    tpu.vector_store %arg6[%swap3A_131], %swap3A_134 {strides = array<i32>} : memref<640xf32, #tpu.memory_space<vmem>>, vector<16xf32>,
    %swap3A_135 = arith.constant 448 : index
    %swap3A_136 = tpu.vector_load %arg6[%swap3A_135] {strides = array<i32>} : memref<640xf32, #tpu.memory_space<vmem>>, vector<16xf32>,
    %swap3A_137 = vector.shape_cast %swap3A_136 : vector<16xf32> to vector<16xf32>
    %swap3A_138 = vector.shape_cast %broadcast_in_dim3A_3 : vector<16xf32> to vector<16xf32>
    tpu.vector_store %arg6[%swap3A_135], %swap3A_138 {strides = array<i32>} : memref<640xf32, #tpu.memory_space<vmem>>, vector<16xf32>,
    %swap3A_139 = arith.constant 464 : index
    %swap3A_140 = tpu.vector_load %arg6[%swap3A_139] {strides = array<i32>} : memref<640xf32, #tpu.memory_space<vmem>>, vector<16xf32>,
    %swap3A_141 = vector.shape_cast %swap3A_140 : vector<16xf32> to vector<16xf32>
    %swap3A_142 = vector.shape_cast %broadcast_in_dim3A_3 : vector<16xf32> to vector<16xf32>
    tpu.vector_store %arg6[%swap3A_139], %swap3A_142 {strides = array<i32>} : memref<640xf32, #tpu.memory_space<vmem>>, vector<16xf32>,
    %swap3A_143 = arith.constant 480 : index
    %swap3A_144 = tpu.vector_load %arg6[%swap3A_143] {strides = array<i32>} : memref<640xf32, #tpu.memory_space<vmem>>, vector<16xf32>,
    %swap3A_145 = vector.shape_cast %swap3A_144 : vector<16xf32> to vector<16xf32>
    %swap3A_146 = vector.shape_cast %broadcast_in_dim3A_3 : vector<16xf32> to vector<16xf32>
    tpu.vector_store %arg6[%swap3A_143], %swap3A_146 {strides = array<i32>} : memref<640xf32, #tpu.memory_space<vmem>>, vector<16xf32>,
    %swap3A_147 = arith.constant 496 : index
    %swap3A_148 = tpu.vector_load %arg6[%swap3A_147] {strides = array<i32>} : memref<640xf32, #tpu.memory_space<vmem>>, vector<16xf32>,
    %swap3A_149 = vector.shape_cast %swap3A_148 : vector<16xf32> to vector<16xf32>
    %swap3A_150 = vector.shape_cast %broadcast_in_dim3A_3 : vector<16xf32> to vector<16xf32>
    tpu.vector_store %arg6[%swap3A_147], %swap3A_150 {strides = array<i32>} : memref<640xf32, #tpu.memory_space<vmem>>, vector<16xf32>,
    %swap3A_151 = arith.constant 512 : index
    %swap3A_152 = tpu.vector_load %arg6[%swap3A_151] {strides = array<i32>} : memref<640xf32, #tpu.memory_space<vmem>>, vector<16xf32>,
    %swap3A_153 = vector.shape_cast %swap3A_152 : vector<16xf32> to vector<16xf32>
    %swap3A_154 = vector.shape_cast %broadcast_in_dim3A_3 : vector<16xf32> to vector<16xf32>
    tpu.vector_store %arg6[%swap3A_151], %swap3A_154 {strides = array<i32>} : memref<640xf32, #tpu.memory_space<vmem>>, vector<16xf32>,
    %swap3A_155 = arith.constant 528 : index
    %swap3A_156 = tpu.vector_load %arg6[%swap3A_155] {strides = array<i32>} : memref<640xf32, #tpu.memory_space<vmem>>, vector<16xf32>,
    %swap3A_157 = vector.shape_cast %swap3A_156 : vector<16xf32> to vector<16xf32>
    %swap3A_158 = vector.shape_cast %broadcast_in_dim3A_3 : vector<16xf32> to vector<16xf32>
    tpu.vector_store %arg6[%swap3A_155], %swap3A_158 {strides = array<i32>} : memref<640xf32, #tpu.memory_space<vmem>>, vector<16xf32>,
    %swap3A_159 = arith.constant 544 : index
    %swap3A_160 = tpu.vector_load %arg6[%swap3A_159] {strides = array<i32>} : memref<640xf32, #tpu.memory_space<vmem>>, vector<16xf32>,
    %swap3A_161 = vector.shape_cast %swap3A_160 : vector<16xf32> to vector<16xf32>
    %swap3A_162 = vector.shape_cast %broadcast_in_dim3A_3 : vector<16xf32> to vector<16xf32>
    tpu.vector_store %arg6[%swap3A_159], %swap3A_162 {strides = array<i32>} : memref<640xf32, #tpu.memory_space<vmem>>, vector<16xf32>,
    %swap3A_163 = arith.constant 560 : index
    %swap3A_164 = tpu.vector_load %arg6[%swap3A_163] {strides = array<i32>} : memref<640xf32, #tpu.memory_space<vmem>>, vector<16xf32>,
    %swap3A_165 = vector.shape_cast %swap3A_164 : vector<16xf32> to vector<16xf32>
    %swap3A_166 = vector.shape_cast %broadcast_in_dim3A_3 : vector<16xf32> to vector<16xf32>
    tpu.vector_store %arg6[%swap3A_163], %swap3A_166 {strides = array<i32>} : memref<640xf32, #tpu.memory_space<vmem>>, vector<16xf32>,
    %swap3A_167 = arith.constant 576 : index
    %swap3A_168 = tpu.vector_load %arg6[%swap3A_167] {strides = array<i32>} : memref<640xf32, #tpu.memory_space<vmem>>, vector<16xf32>,
    %swap3A_169 = vector.shape_cast %swap3A_168 : vector<16xf32> to vector<16xf32>
    %swap3A_170 = vector.shape_cast %broadcast_in_dim3A_3 : vector<16xf32> to vector<16xf32>
    tpu.vector_store %arg6[%swap3A_167], %swap3A_170 {strides = array<i32>} : memref<640xf32, #tpu.memory_space<vmem>>, vector<16xf32>,
    %swap3A_171 = arith.constant 592 : index
    %swap3A_172 = tpu.vector_load %arg6[%swap3A_171] {strides = array<i32>} : memref<640xf32, #tpu.memory_space<vmem>>, vector<16xf32>,
    %swap3A_173 = vector.shape_cast %swap3A_172 : vector<16xf32> to vector<16xf32>
    %swap3A_174 = vector.shape_cast %broadcast_in_dim3A_3 : vector<16xf32> to vector<16xf32>
    tpu.vector_store %arg6[%swap3A_171], %swap3A_174 {strides = array<i32>} : memref<640xf32, #tpu.memory_space<vmem>>, vector<16xf32>,
    %swap3A_175 = arith.constant 608 : index
    %swap3A_176 = tpu.vector_load %arg6[%swap3A_175] {strides = array<i32>} : memref<640xf32, #tpu.memory_space<vmem>>, vector<16xf32>,
    %swap3A_177 = vector.shape_cast %swap3A_176 : vector<16xf32> to vector<16xf32>
    %swap3A_178 = vector.shape_cast %broadcast_in_dim3A_3 : vector<16xf32> to vector<16xf32>
    tpu.vector_store %arg6[%swap3A_175], %swap3A_178 {strides = array<i32>} : memref<640xf32, #tpu.memory_space<vmem>>, vector<16xf32>,
    %swap3A_179 = arith.constant 624 : index
    %swap3A_180 = tpu.vector_load %arg6[%swap3A_179] {strides = array<i32>} : memref<640xf32, #tpu.memory_space<vmem>>, vector<16xf32>,
    %swap3A_181 = vector.shape_cast %swap3A_180 : vector<16xf32> to vector<16xf32>
    %swap3A_182 = vector.shape_cast %broadcast_in_dim3A_3 : vector<16xf32> to vector<16xf32>
    tpu.vector_store %arg6[%swap3A_179], %swap3A_182 {strides = array<i32>} : memref<640xf32, #tpu.memory_space<vmem>>, vector<16xf32>,
    %mul3A_183 = arith.constant 640 : i32
    %mul3A_184 = arith.muli %arg1, %mul3A_183 : i32
    "tpu.region"() ({
      %run_scoped3A_241 = tpu.sem_alloc : memref<!tpu.dma_semaphore, #tpu.memory_space<semaphore_mem>>
      %dma_start3A_242 = tpu.memref_slice %arg7[%mul3A_184] : memref<10240xf32, #tpu.memory_space<vmem_shared>> -> memref<640xf32, #tpu.memory_space<vmem_shared>>
      %dma_start3A_243 = tpu.memref_slice %arg7[%mul3A_184] : memref<10240xf32, #tpu.memory_space<vmem_shared>> -> memref<640xf32, #tpu.memory_space<vmem_shared>>
      tpu.enqueue_dma source(%arg6 : memref<640xf32, #tpu.memory_space<vmem>>) target(%dma_start3A_243 : memref<640xf32, #tpu.memory_space<vmem_shared>>) target_semaphore(%run_scoped3A_241 : memref<!tpu.dma_semaphore, #tpu.memory_space<semaphore_mem>>)
      %dma_wait3A_244 = tpu.memref_slice %arg7[%mul3A_184] : memref<10240xf32, #tpu.memory_space<vmem_shared>> -> memref<640xf32, #tpu.memory_space<vmem_shared>>
      %dma_wait3A_245 = tpu.memref_slice %arg7[%mul3A_184] : memref<10240xf32, #tpu.memory_space<vmem_shared>> -> memref<640xf32, #tpu.memory_space<vmem_shared>>
      tpu.wait_dma2 semaphore(%run_scoped3A_241 : memref<!tpu.dma_semaphore, #tpu.memory_space<semaphore_mem>>) src(%arg6 : memref<640xf32, #tpu.memory_space<vmem>>) dst(%dma_wait3A_245 : memref<640xf32, #tpu.memory_space<vmem_shared>>)
      tpu.yield
    }) : () -> ()
    "tpu.region"() ({
      %run_scoped3A_241 = tpu.sem_alloc : memref<!tpu.dma_semaphore, #tpu.memory_space<semaphore_mem>>
      %dma_start3A_242 = arith.constant 0 : i32
      %dma_start3A_243 = arith.constant 0 : i32
      %dma_start3A_244 = tpu.memref_slice %arg2[%add3A, %dma_start3A_242, %dma_start3A_243] : memref<32x125x80xi32, #tpu.memory_space<hbm>> -> memref<1x125x80xi32, #tpu.memory_space<hbm>>
      %dma_start3A_245 = tpu.memref_squeeze %dma_start3A_244 : memref<1x125x80xi32, #tpu.memory_space<hbm>> -> memref<125x80xi32, #tpu.memory_space<hbm>>
      %dma_start3A_246 = arith.constant 0 : i32
      %dma_start3A_247 = arith.constant 0 : i32
      %dma_start3A_248 = tpu.memref_slice %arg2[%add3A, %dma_start3A_246, %dma_start3A_247] : memref<32x125x80xi32, #tpu.memory_space<hbm>> -> memref<1x125x80xi32, #tpu.memory_space<hbm>>
      %dma_start3A_249 = tpu.memref_squeeze %dma_start3A_248 : memref<1x125x80xi32, #tpu.memory_space<hbm>> -> memref<125x80xi32, #tpu.memory_space<hbm>>
      tpu.enqueue_dma source(%dma_start3A_249 : memref<125x80xi32, #tpu.memory_space<hbm>>) target(%arg4 : memref<125x80xi32, #tpu.memory_space<vmem>>) target_semaphore(%run_scoped3A_241 : memref<!tpu.dma_semaphore, #tpu.memory_space<semaphore_mem>>)
      %dma_wait3A_250 = arith.constant 0 : i32
      %dma_wait3A_251 = arith.constant 0 : i32
      %dma_wait3A_252 = tpu.memref_slice %arg2[%add3A, %dma_wait3A_250, %dma_wait3A_251] : memref<32x125x80xi32, #tpu.memory_space<hbm>> -> memref<1x125x80xi32, #tpu.memory_space<hbm>>
      %dma_wait3A_253 = tpu.memref_squeeze %dma_wait3A_252 : memref<1x125x80xi32, #tpu.memory_space<hbm>> -> memref<125x80xi32, #tpu.memory_space<hbm>>
      %dma_wait3A_254 = arith.constant 0 : i32
      %dma_wait3A_255 = arith.constant 0 : i32
      %dma_wait3A_256 = tpu.memref_slice %arg2[%add3A, %dma_wait3A_254, %dma_wait3A_255] : memref<32x125x80xi32, #tpu.memory_space<hbm>> -> memref<1x125x80xi32, #tpu.memory_space<hbm>>
      %dma_wait3A_257 = tpu.memref_squeeze %dma_wait3A_256 : memref<1x125x80xi32, #tpu.memory_space<hbm>> -> memref<125x80xi32, #tpu.memory_space<hbm>>
      tpu.wait_dma2 semaphore(%run_scoped3A_241 : memref<!tpu.dma_semaphore, #tpu.memory_space<semaphore_mem>>) src(%dma_wait3A_257 : memref<125x80xi32, #tpu.memory_space<hbm>>) dst(%arg4 : memref<125x80xi32, #tpu.memory_space<vmem>>)
      tpu.yield
    }) : () -> ()
    %barrier3A = arith.constant 0 : index
    tpu.barrier barrier_id(%barrier3A)
    %dma_start3A = arith.constant 0 : i32
    %dma_start3A_185 = arith.constant 0 : i32
    %dma_start3A_186 = tpu.memref_slice %arg4[%dma_start3A, %dma_start3A_185] : memref<125x80xi32, #tpu.memory_space<vmem>> -> memref<1x80xi32, #tpu.memory_space<vmem>>
    %dma_start3A_187 = tpu.memref_squeeze %dma_start3A_186 : memref<1x80xi32, #tpu.memory_space<vmem>> -> memref<80xi32, #tpu.memory_space<vmem>>
    %dma_start3A_188 = arith.constant 0 : i32
    %dma_start3A_189 = tpu.memref_slice %arg7[%dma_start3A_188] : memref<10240xf32, #tpu.memory_space<vmem_shared>> -> memref<10240xf32, #tpu.memory_space<vmem_shared>>
    tpu.enqueue_indirect_dma source(%arg5 : memref<80xf32, #tpu.memory_space<vmem>>) target(%dma_start3A_189 : memref<10240xf32, #tpu.memory_space<vmem_shared>>) offsets(%dma_start3A_187 : memref<80xi32, #tpu.memory_space<vmem>>) semaphore(%arg8 : memref<!tpu.dma_semaphore, #tpu.memory_space<semaphore_mem>>) {add = true}
    %dma_start3A_190 = arith.constant 1 : i32
    %dma_start3A_191 = arith.constant 0 : i32
    %dma_start3A_192 = tpu.memref_slice %arg4[%dma_start3A_190, %dma_start3A_191] : memref<125x80xi32, #tpu.memory_space<vmem>> -> memref<1x80xi32, #tpu.memory_space<vmem>>
    %dma_start3A_193 = tpu.memref_squeeze %dma_start3A_192 : memref<1x80xi32, #tpu.memory_space<vmem>> -> memref<80xi32, #tpu.memory_space<vmem>>
    %dma_start3A_194 = arith.constant 0 : i32
    %dma_start3A_195 = tpu.memref_slice %arg7[%dma_start3A_194] : memref<10240xf32, #tpu.memory_space<vmem_shared>> -> memref<10240xf32, #tpu.memory_space<vmem_shared>>
    tpu.enqueue_indirect_dma source(%arg5 : memref<80xf32, #tpu.memory_space<vmem>>) target(%dma_start3A_195 : memref<10240xf32, #tpu.memory_space<vmem_shared>>) offsets(%dma_start3A_193 : memref<80xi32, #tpu.memory_space<vmem>>) semaphore(%arg8 : memref<!tpu.dma_semaphore, #tpu.memory_space<semaphore_mem>>) {add = true}
    %dma_start3A_196 = arith.constant 2 : i32
    %dma_start3A_197 = arith.constant 0 : i32
    %dma_start3A_198 = tpu.memref_slice %arg4[%dma_start3A_196, %dma_start3A_197] : memref<125x80xi32, #tpu.memory_space<vmem>> -> memref<1x80xi32, #tpu.memory_space<vmem>>
    %dma_start3A_199 = tpu.memref_squeeze %dma_start3A_198 : memref<1x80xi32, #tpu.memory_space<vmem>> -> memref<80xi32, #tpu.memory_space<vmem>>
    %dma_start3A_200 = arith.constant 0 : i32
    %dma_start3A_201 = tpu.memref_slice %arg7[%dma_start3A_200] : memref<10240xf32, #tpu.memory_space<vmem_shared>> -> memref<10240xf32, #tpu.memory_space<vmem_shared>>
    tpu.enqueue_indirect_dma source(%arg5 : memref<80xf32, #tpu.memory_space<vmem>>) target(%dma_start3A_201 : memref<10240xf32, #tpu.memory_space<vmem_shared>>) offsets(%dma_start3A_199 : memref<80xi32, #tpu.memory_space<vmem>>) semaphore(%arg8 : memref<!tpu.dma_semaphore, #tpu.memory_space<semaphore_mem>>) {add = true}
    %dma_start3A_202 = arith.constant 3 : i32
    %dma_start3A_203 = arith.constant 0 : i32
    %dma_start3A_204 = tpu.memref_slice %arg4[%dma_start3A_202, %dma_start3A_203] : memref<125x80xi32, #tpu.memory_space<vmem>> -> memref<1x80xi32, #tpu.memory_space<vmem>>
    %dma_start3A_205 = tpu.memref_squeeze %dma_start3A_204 : memref<1x80xi32, #tpu.memory_space<vmem>> -> memref<80xi32, #tpu.memory_space<vmem>>
    %dma_start3A_206 = arith.constant 0 : i32
    %dma_start3A_207 = tpu.memref_slice %arg7[%dma_start3A_206] : memref<10240xf32, #tpu.memory_space<vmem_shared>> -> memref<10240xf32, #tpu.memory_space<vmem_shared>>
    tpu.enqueue_indirect_dma source(%arg5 : memref<80xf32, #tpu.memory_space<vmem>>) target(%dma_start3A_207 : memref<10240xf32, #tpu.memory_space<vmem_shared>>) offsets(%dma_start3A_205 : memref<80xi32, #tpu.memory_space<vmem>>) semaphore(%arg8 : memref<!tpu.dma_semaphore, #tpu.memory_space<semaphore_mem>>) {add = true}
    %scan3A = arith.constant 0 : i32
    %scan3A_208 = arith.constant 4 : i32
    %scan3A_209 = arith.constant 121 : i32
    %scan3A_210 = arith.addi %scan3A_208, %scan3A_209 : i32
    %scan3A_211 = arith.constant 1 : i32
    scf.for %scan3A_241 = %scan3A_208 to %scan3A_210 step %scan3A_211  : i32 {
      %dma_wait3A_242 = arith.constant 0 : i32
      %dma_wait3A_243 = arith.constant 0 : i32
      %dma_wait3A_244 = tpu.memref_slice %arg4[%dma_wait3A_242, %dma_wait3A_243] : memref<125x80xi32, #tpu.memory_space<vmem>> -> memref<1x80xi32, #tpu.memory_space<vmem>>
      %dma_wait3A_245 = tpu.memref_squeeze %dma_wait3A_244 : memref<1x80xi32, #tpu.memory_space<vmem>> -> memref<80xi32, #tpu.memory_space<vmem>>
      %dma_wait3A_246 = arith.constant 0 : i32
      %dma_wait3A_247 = tpu.memref_slice %arg7[%dma_wait3A_246] : memref<10240xf32, #tpu.memory_space<vmem_shared>> -> memref<10240xf32, #tpu.memory_space<vmem_shared>>
      tpu.wait_indirect_dma semaphore(%arg8 : memref<!tpu.dma_semaphore, #tpu.memory_space<semaphore_mem>>) src(%arg5 : memref<80xf32, #tpu.memory_space<vmem>>) dst(%dma_wait3A_247 : memref<10240xf32, #tpu.memory_space<vmem_shared>>)
      %dma_start3A_248 = arith.constant 0 : i32
      %dma_start3A_249 = tpu.memref_slice %arg4[%scan3A_241, %dma_start3A_248] : memref<125x80xi32, #tpu.memory_space<vmem>> -> memref<1x80xi32, #tpu.memory_space<vmem>>
      %dma_start3A_250 = tpu.memref_squeeze %dma_start3A_249 : memref<1x80xi32, #tpu.memory_space<vmem>> -> memref<80xi32, #tpu.memory_space<vmem>>
      %dma_start3A_251 = arith.constant 0 : i32
      %dma_start3A_252 = tpu.memref_slice %arg7[%dma_start3A_251] : memref<10240xf32, #tpu.memory_space<vmem_shared>> -> memref<10240xf32, #tpu.memory_space<vmem_shared>>
      tpu.enqueue_indirect_dma source(%arg5 : memref<80xf32, #tpu.memory_space<vmem>>) target(%dma_start3A_252 : memref<10240xf32, #tpu.memory_space<vmem_shared>>) offsets(%dma_start3A_250 : memref<80xi32, #tpu.memory_space<vmem>>) semaphore(%arg8 : memref<!tpu.dma_semaphore, #tpu.memory_space<semaphore_mem>>) {add = true}
    }
    %scan3A_212 = arith.constant 121 : i32
    %dma_wait3A = arith.constant 0 : i32
    %dma_wait3A_213 = arith.constant 0 : i32
    %dma_wait3A_214 = tpu.memref_slice %arg4[%dma_wait3A, %dma_wait3A_213] : memref<125x80xi32, #tpu.memory_space<vmem>> -> memref<1x80xi32, #tpu.memory_space<vmem>>
    %dma_wait3A_215 = tpu.memref_squeeze %dma_wait3A_214 : memref<1x80xi32, #tpu.memory_space<vmem>> -> memref<80xi32, #tpu.memory_space<vmem>>
    %dma_wait3A_216 = arith.constant 0 : i32
    %dma_wait3A_217 = tpu.memref_slice %arg7[%dma_wait3A_216] : memref<10240xf32, #tpu.memory_space<vmem_shared>> -> memref<10240xf32, #tpu.memory_space<vmem_shared>>
    tpu.wait_indirect_dma semaphore(%arg8 : memref<!tpu.dma_semaphore, #tpu.memory_space<semaphore_mem>>) src(%arg5 : memref<80xf32, #tpu.memory_space<vmem>>) dst(%dma_wait3A_217 : memref<10240xf32, #tpu.memory_space<vmem_shared>>)
    %dma_wait3A_218 = arith.constant 0 : i32
    %dma_wait3A_219 = arith.constant 0 : i32
    %dma_wait3A_220 = tpu.memref_slice %arg4[%dma_wait3A_218, %dma_wait3A_219] : memref<125x80xi32, #tpu.memory_space<vmem>> -> memref<1x80xi32, #tpu.memory_space<vmem>>
    %dma_wait3A_221 = tpu.memref_squeeze %dma_wait3A_220 : memref<1x80xi32, #tpu.memory_space<vmem>> -> memref<80xi32, #tpu.memory_space<vmem>>
    %dma_wait3A_222 = arith.constant 0 : i32
    %dma_wait3A_223 = tpu.memref_slice %arg7[%dma_wait3A_222] : memref<10240xf32, #tpu.memory_space<vmem_shared>> -> memref<10240xf32, #tpu.memory_space<vmem_shared>>
    tpu.wait_indirect_dma semaphore(%arg8 : memref<!tpu.dma_semaphore, #tpu.memory_space<semaphore_mem>>) src(%arg5 : memref<80xf32, #tpu.memory_space<vmem>>) dst(%dma_wait3A_223 : memref<10240xf32, #tpu.memory_space<vmem_shared>>)
    %dma_wait3A_224 = arith.constant 0 : i32
    %dma_wait3A_225 = arith.constant 0 : i32
    %dma_wait3A_226 = tpu.memref_slice %arg4[%dma_wait3A_224, %dma_wait3A_225] : memref<125x80xi32, #tpu.memory_space<vmem>> -> memref<1x80xi32, #tpu.memory_space<vmem>>
    %dma_wait3A_227 = tpu.memref_squeeze %dma_wait3A_226 : memref<1x80xi32, #tpu.memory_space<vmem>> -> memref<80xi32, #tpu.memory_space<vmem>>
    %dma_wait3A_228 = arith.constant 0 : i32
    %dma_wait3A_229 = tpu.memref_slice %arg7[%dma_wait3A_228] : memref<10240xf32, #tpu.memory_space<vmem_shared>> -> memref<10240xf32, #tpu.memory_space<vmem_shared>>
    tpu.wait_indirect_dma semaphore(%arg8 : memref<!tpu.dma_semaphore, #tpu.memory_space<semaphore_mem>>) src(%arg5 : memref<80xf32, #tpu.memory_space<vmem>>) dst(%dma_wait3A_229 : memref<10240xf32, #tpu.memory_space<vmem_shared>>)
    %dma_wait3A_230 = arith.constant 0 : i32
    %dma_wait3A_231 = arith.constant 0 : i32
    %dma_wait3A_232 = tpu.memref_slice %arg4[%dma_wait3A_230, %dma_wait3A_231] : memref<125x80xi32, #tpu.memory_space<vmem>> -> memref<1x80xi32, #tpu.memory_space<vmem>>
    %dma_wait3A_233 = tpu.memref_squeeze %dma_wait3A_232 : memref<1x80xi32, #tpu.memory_space<vmem>> -> memref<80xi32, #tpu.memory_space<vmem>>
    %dma_wait3A_234 = arith.constant 0 : i32
    %dma_wait3A_235 = tpu.memref_slice %arg7[%dma_wait3A_234] : memref<10240xf32, #tpu.memory_space<vmem_shared>> -> memref<10240xf32, #tpu.memory_space<vmem_shared>>
    tpu.wait_indirect_dma semaphore(%arg8 : memref<!tpu.dma_semaphore, #tpu.memory_space<semaphore_mem>>) src(%arg5 : memref<80xf32, #tpu.memory_space<vmem>>) dst(%dma_wait3A_235 : memref<10240xf32, #tpu.memory_space<vmem_shared>>)
    %barrier3A_236 = arith.constant 0 : index
    tpu.barrier barrier_id(%barrier3A_236)
    %mul3A_237 = arith.constant 640 : i32
    %mul3A_238 = arith.muli %arg1, %mul3A_237 : i32
    %mul3A_239 = arith.constant 640 : i32
    %mul3A_240 = arith.muli %arg1, %mul3A_239 : i32
    %run_scoped3A = arith.constant 0 : i32
    "tpu.region"() ({
      %run_scoped3A_241 = tpu.sem_alloc : memref<!tpu.dma_semaphore, #tpu.memory_space<semaphore_mem>>
      %dma_start3A_242 = tpu.memref_slice %arg3[%arg0, %run_scoped3A, %mul3A_240] : memref<2x1x10240xf32, #tpu.memory_space<hbm>> -> memref<1x1x640xf32, #tpu.memory_space<hbm>>
      %dma_start3A_243 = tpu.memref_squeeze %dma_start3A_242 : memref<1x1x640xf32, #tpu.memory_space<hbm>> -> memref<640xf32, #tpu.memory_space<hbm>>
      %dma_start3A_244 = tpu.memref_slice %arg7[%mul3A_238] : memref<10240xf32, #tpu.memory_space<vmem_shared>> -> memref<640xf32, #tpu.memory_space<vmem_shared>>
      tpu.enqueue_dma source(%dma_start3A_244 : memref<640xf32, #tpu.memory_space<vmem_shared>>) target(%dma_start3A_243 : memref<640xf32, #tpu.memory_space<hbm>>) target_semaphore(%run_scoped3A_241 : memref<!tpu.dma_semaphore, #tpu.memory_space<semaphore_mem>>)
      %dma_wait3A_245 = tpu.memref_slice %arg3[%arg0, %run_scoped3A, %mul3A_240] : memref<2x1x10240xf32, #tpu.memory_space<hbm>> -> memref<1x1x640xf32, #tpu.memory_space<hbm>>
      %dma_wait3A_246 = tpu.memref_squeeze %dma_wait3A_245 : memref<1x1x640xf32, #tpu.memory_space<hbm>> -> memref<640xf32, #tpu.memory_space<hbm>>
      %dma_wait3A_247 = tpu.memref_slice %arg7[%mul3A_238] : memref<10240xf32, #tpu.memory_space<vmem_shared>> -> memref<640xf32, #tpu.memory_space<vmem_shared>>
      tpu.wait_dma2 semaphore(%run_scoped3A_241 : memref<!tpu.dma_semaphore, #tpu.memory_space<semaphore_mem>>) src(%dma_wait3A_247 : memref<640xf32, #tpu.memory_space<vmem_shared>>) dst(%dma_wait3A_246 : memref<640xf32, #tpu.memory_space<hbm>>)
      tpu.yield
    }) : () -> ()
    return
  }
}

#map = affine_map<(d0, d1) -> (0, 0)>
#map1 = affine_map<(d0, d1) -> (0)>
#map2 = affine_map<(d0, d1) -> (0, 0, 0)>
module attributes {stable_mosaic.version = 14 : i64} {
  func.func @agg(%arg0: i32, %arg1: i32, %arg2: memref<10000x128xf32, #tpu.memory_space<hbm>>, %arg3: memref<320000xi32, #tpu.memory_space<hbm>>, %arg4: memref<32x125x80xi32, #tpu.memory_space<hbm>>, %arg5: memref<2x10000x128xf32, #tpu.memory_space<hbm>>, %arg6: memref<10000xi32, #tpu.memory_space<vmem>>, %arg7: memref<125x80xi32, #tpu.memory_space<vmem>>, %arg8: memref<80x128xf32, #tpu.memory_space<vmem>>, %arg9: memref<80x128xf32, #tpu.memory_space<vmem>>, %arg10: memref<10000x128xf32, #tpu.memory_space<vmem_shared>>, %arg11: memref<!tpu.dma_semaphore, #tpu.memory_space<semaphore_mem>>, %arg12: memref<!tpu.dma_semaphore, #tpu.memory_space<semaphore_mem>>, %arg13: memref<!tpu.dma_semaphore, #tpu.memory_space<semaphore_mem>>, %arg14: memref<!tpu.dma_semaphore, #tpu.memory_space<semaphore_mem>>) attributes {dimension_semantics = [#tpu.dimension_semantics<core_parallel>, #tpu.dimension_semantics<subcore_parallel>], iteration_bounds = array<i64: 2, 16>, scalar_prefetch = 0 : i64, scratch_operands = 9 : i64, tpu.core_type = #tpu.core_type<sc_vector_subcore>, window_params = [{transform_indices = #map}, {transform_indices = #map1}, {transform_indices = #map2}, {transform_indices = #map2}]} {
    %mul3A = arith.constant 2 : i32
    %mul3A_0 = arith.muli %arg1, %mul3A : i32
    %add3A = arith.addi %mul3A_0, %arg0 : i32
    %broadcast_in_dim3A = arith.constant 0.000000e+00 : f32
    %broadcast_in_dim3A_1 = vector.broadcast %broadcast_in_dim3A : f32 to vector<16xf32>
    %scan3A = arith.constant 0 : i32
    %scan3A_2 = arith.constant 0 : i32
    %scan3A_3 = arith.constant 80 : i32
    %scan3A_4 = arith.addi %scan3A_2, %scan3A_3 : i32
    %scan3A_5 = arith.constant 1 : i32
    scf.for %scan3A_86 = %scan3A_2 to %scan3A_4 step %scan3A_5  : i32 {
      %swap3A = arith.index_cast %scan3A_86 : i32 to index
      %swap3A_87 = arith.constant 0 : index
      %swap3A_88 = tpu.vector_load %arg8[%swap3A, %swap3A_87] {strides = array<i32>} : memref<80x128xf32, #tpu.memory_space<vmem>>, vector<1x16xf32>,
      %swap3A_89 = vector.shape_cast %swap3A_88 : vector<1x16xf32> to vector<16xf32>
      %swap3A_90 = vector.shape_cast %broadcast_in_dim3A_1 : vector<16xf32> to vector<1x16xf32>
      tpu.vector_store %arg8[%swap3A, %swap3A_87], %swap3A_90 {strides = array<i32>} : memref<80x128xf32, #tpu.memory_space<vmem>>, vector<1x16xf32>,
      %swap3A_91 = arith.index_cast %scan3A_86 : i32 to index
      %swap3A_92 = arith.constant 16 : index
      %swap3A_93 = tpu.vector_load %arg8[%swap3A_91, %swap3A_92] {strides = array<i32>} : memref<80x128xf32, #tpu.memory_space<vmem>>, vector<1x16xf32>,
      %swap3A_94 = vector.shape_cast %swap3A_93 : vector<1x16xf32> to vector<16xf32>
      %swap3A_95 = vector.shape_cast %broadcast_in_dim3A_1 : vector<16xf32> to vector<1x16xf32>
      tpu.vector_store %arg8[%swap3A_91, %swap3A_92], %swap3A_95 {strides = array<i32>} : memref<80x128xf32, #tpu.memory_space<vmem>>, vector<1x16xf32>,
      %swap3A_96 = arith.index_cast %scan3A_86 : i32 to index
      %swap3A_97 = arith.constant 32 : index
      %swap3A_98 = tpu.vector_load %arg8[%swap3A_96, %swap3A_97] {strides = array<i32>} : memref<80x128xf32, #tpu.memory_space<vmem>>, vector<1x16xf32>,
      %swap3A_99 = vector.shape_cast %swap3A_98 : vector<1x16xf32> to vector<16xf32>
      %swap3A_100 = vector.shape_cast %broadcast_in_dim3A_1 : vector<16xf32> to vector<1x16xf32>
      tpu.vector_store %arg8[%swap3A_96, %swap3A_97], %swap3A_100 {strides = array<i32>} : memref<80x128xf32, #tpu.memory_space<vmem>>, vector<1x16xf32>,
      %swap3A_101 = arith.index_cast %scan3A_86 : i32 to index
      %swap3A_102 = arith.constant 48 : index
      %swap3A_103 = tpu.vector_load %arg8[%swap3A_101, %swap3A_102] {strides = array<i32>} : memref<80x128xf32, #tpu.memory_space<vmem>>, vector<1x16xf32>,
      %swap3A_104 = vector.shape_cast %swap3A_103 : vector<1x16xf32> to vector<16xf32>
      %swap3A_105 = vector.shape_cast %broadcast_in_dim3A_1 : vector<16xf32> to vector<1x16xf32>
      tpu.vector_store %arg8[%swap3A_101, %swap3A_102], %swap3A_105 {strides = array<i32>} : memref<80x128xf32, #tpu.memory_space<vmem>>, vector<1x16xf32>,
      %swap3A_106 = arith.index_cast %scan3A_86 : i32 to index
      %swap3A_107 = arith.constant 64 : index
      %swap3A_108 = tpu.vector_load %arg8[%swap3A_106, %swap3A_107] {strides = array<i32>} : memref<80x128xf32, #tpu.memory_space<vmem>>, vector<1x16xf32>,
      %swap3A_109 = vector.shape_cast %swap3A_108 : vector<1x16xf32> to vector<16xf32>
      %swap3A_110 = vector.shape_cast %broadcast_in_dim3A_1 : vector<16xf32> to vector<1x16xf32>
      tpu.vector_store %arg8[%swap3A_106, %swap3A_107], %swap3A_110 {strides = array<i32>} : memref<80x128xf32, #tpu.memory_space<vmem>>, vector<1x16xf32>,
      %swap3A_111 = arith.index_cast %scan3A_86 : i32 to index
      %swap3A_112 = arith.constant 80 : index
      %swap3A_113 = tpu.vector_load %arg8[%swap3A_111, %swap3A_112] {strides = array<i32>} : memref<80x128xf32, #tpu.memory_space<vmem>>, vector<1x16xf32>,
      %swap3A_114 = vector.shape_cast %swap3A_113 : vector<1x16xf32> to vector<16xf32>
      %swap3A_115 = vector.shape_cast %broadcast_in_dim3A_1 : vector<16xf32> to vector<1x16xf32>
      tpu.vector_store %arg8[%swap3A_111, %swap3A_112], %swap3A_115 {strides = array<i32>} : memref<80x128xf32, #tpu.memory_space<vmem>>, vector<1x16xf32>,
      %swap3A_116 = arith.index_cast %scan3A_86 : i32 to index
      %swap3A_117 = arith.constant 96 : index
      %swap3A_118 = tpu.vector_load %arg8[%swap3A_116, %swap3A_117] {strides = array<i32>} : memref<80x128xf32, #tpu.memory_space<vmem>>, vector<1x16xf32>,
      %swap3A_119 = vector.shape_cast %swap3A_118 : vector<1x16xf32> to vector<16xf32>
      %swap3A_120 = vector.shape_cast %broadcast_in_dim3A_1 : vector<16xf32> to vector<1x16xf32>
      tpu.vector_store %arg8[%swap3A_116, %swap3A_117], %swap3A_120 {strides = array<i32>} : memref<80x128xf32, #tpu.memory_space<vmem>>, vector<1x16xf32>,
      %swap3A_121 = arith.index_cast %scan3A_86 : i32 to index
      %swap3A_122 = arith.constant 112 : index
      %swap3A_123 = tpu.vector_load %arg8[%swap3A_121, %swap3A_122] {strides = array<i32>} : memref<80x128xf32, #tpu.memory_space<vmem>>, vector<1x16xf32>,
      %swap3A_124 = vector.shape_cast %swap3A_123 : vector<1x16xf32> to vector<16xf32>
      %swap3A_125 = vector.shape_cast %broadcast_in_dim3A_1 : vector<16xf32> to vector<1x16xf32>
      tpu.vector_store %arg8[%swap3A_121, %swap3A_122], %swap3A_125 {strides = array<i32>} : memref<80x128xf32, #tpu.memory_space<vmem>>, vector<1x16xf32>,
    }
    %scan3A_6 = arith.constant 80 : i32
    %mul3A_7 = arith.constant 640 : i32
    %mul3A_8 = arith.muli %arg1, %mul3A_7 : i32
    %add3A_9 = arith.constant 0 : i32
    %add3A_10 = arith.addi %mul3A_8, %add3A_9 : i32
    "tpu.region"() ({
      %run_scoped3A = tpu.sem_alloc : memref<!tpu.dma_semaphore, #tpu.memory_space<semaphore_mem>>
      %dma_start3A_86 = arith.constant 0 : i32
      %dma_start3A_87 = tpu.memref_slice %arg10[%add3A_10, %dma_start3A_86] : memref<10000x128xf32, #tpu.memory_space<vmem_shared>> -> memref<80x128xf32, #tpu.memory_space<vmem_shared>>
      %dma_start3A_88 = arith.constant 0 : i32
      %dma_start3A_89 = tpu.memref_slice %arg10[%add3A_10, %dma_start3A_88] : memref<10000x128xf32, #tpu.memory_space<vmem_shared>> -> memref<80x128xf32, #tpu.memory_space<vmem_shared>>
      tpu.enqueue_dma source(%arg8 : memref<80x128xf32, #tpu.memory_space<vmem>>) target(%dma_start3A_89 : memref<80x128xf32, #tpu.memory_space<vmem_shared>>) target_semaphore(%run_scoped3A : memref<!tpu.dma_semaphore, #tpu.memory_space<semaphore_mem>>)
      %dma_wait3A_90 = arith.constant 0 : i32
      %dma_wait3A_91 = tpu.memref_slice %arg10[%add3A_10, %dma_wait3A_90] : memref<10000x128xf32, #tpu.memory_space<vmem_shared>> -> memref<80x128xf32, #tpu.memory_space<vmem_shared>>
      %dma_wait3A_92 = arith.constant 0 : i32
      %dma_wait3A_93 = tpu.memref_slice %arg10[%add3A_10, %dma_wait3A_92] : memref<10000x128xf32, #tpu.memory_space<vmem_shared>> -> memref<80x128xf32, #tpu.memory_space<vmem_shared>>
      tpu.wait_dma2 semaphore(%run_scoped3A : memref<!tpu.dma_semaphore, #tpu.memory_space<semaphore_mem>>) src(%arg8 : memref<80x128xf32, #tpu.memory_space<vmem>>) dst(%dma_wait3A_93 : memref<80x128xf32, #tpu.memory_space<vmem_shared>>)
      tpu.yield
    }) : () -> ()
    %mul3A_11 = arith.constant 640 : i32
    %mul3A_12 = arith.muli %arg1, %mul3A_11 : i32
    %add3A_13 = arith.constant 80 : i32
    %add3A_14 = arith.addi %mul3A_12, %add3A_13 : i32
    "tpu.region"() ({
      %run_scoped3A = tpu.sem_alloc : memref<!tpu.dma_semaphore, #tpu.memory_space<semaphore_mem>>
      %dma_start3A_86 = arith.constant 0 : i32
      %dma_start3A_87 = tpu.memref_slice %arg10[%add3A_14, %dma_start3A_86] : memref<10000x128xf32, #tpu.memory_space<vmem_shared>> -> memref<80x128xf32, #tpu.memory_space<vmem_shared>>
      %dma_start3A_88 = arith.constant 0 : i32
      %dma_start3A_89 = tpu.memref_slice %arg10[%add3A_14, %dma_start3A_88] : memref<10000x128xf32, #tpu.memory_space<vmem_shared>> -> memref<80x128xf32, #tpu.memory_space<vmem_shared>>
      tpu.enqueue_dma source(%arg8 : memref<80x128xf32, #tpu.memory_space<vmem>>) target(%dma_start3A_89 : memref<80x128xf32, #tpu.memory_space<vmem_shared>>) target_semaphore(%run_scoped3A : memref<!tpu.dma_semaphore, #tpu.memory_space<semaphore_mem>>)
      %dma_wait3A_90 = arith.constant 0 : i32
      %dma_wait3A_91 = tpu.memref_slice %arg10[%add3A_14, %dma_wait3A_90] : memref<10000x128xf32, #tpu.memory_space<vmem_shared>> -> memref<80x128xf32, #tpu.memory_space<vmem_shared>>
      %dma_wait3A_92 = arith.constant 0 : i32
      %dma_wait3A_93 = tpu.memref_slice %arg10[%add3A_14, %dma_wait3A_92] : memref<10000x128xf32, #tpu.memory_space<vmem_shared>> -> memref<80x128xf32, #tpu.memory_space<vmem_shared>>
      tpu.wait_dma2 semaphore(%run_scoped3A : memref<!tpu.dma_semaphore, #tpu.memory_space<semaphore_mem>>) src(%arg8 : memref<80x128xf32, #tpu.memory_space<vmem>>) dst(%dma_wait3A_93 : memref<80x128xf32, #tpu.memory_space<vmem_shared>>)
      tpu.yield
    }) : () -> ()
    %mul3A_15 = arith.constant 640 : i32
    %mul3A_16 = arith.muli %arg1, %mul3A_15 : i32
    %add3A_17 = arith.constant 160 : i32
    %add3A_18 = arith.addi %mul3A_16, %add3A_17 : i32
    "tpu.region"() ({
      %run_scoped3A = tpu.sem_alloc : memref<!tpu.dma_semaphore, #tpu.memory_space<semaphore_mem>>
      %dma_start3A_86 = arith.constant 0 : i32
      %dma_start3A_87 = tpu.memref_slice %arg10[%add3A_18, %dma_start3A_86] : memref<10000x128xf32, #tpu.memory_space<vmem_shared>> -> memref<80x128xf32, #tpu.memory_space<vmem_shared>>
      %dma_start3A_88 = arith.constant 0 : i32
      %dma_start3A_89 = tpu.memref_slice %arg10[%add3A_18, %dma_start3A_88] : memref<10000x128xf32, #tpu.memory_space<vmem_shared>> -> memref<80x128xf32, #tpu.memory_space<vmem_shared>>
      tpu.enqueue_dma source(%arg8 : memref<80x128xf32, #tpu.memory_space<vmem>>) target(%dma_start3A_89 : memref<80x128xf32, #tpu.memory_space<vmem_shared>>) target_semaphore(%run_scoped3A : memref<!tpu.dma_semaphore, #tpu.memory_space<semaphore_mem>>)
      %dma_wait3A_90 = arith.constant 0 : i32
      %dma_wait3A_91 = tpu.memref_slice %arg10[%add3A_18, %dma_wait3A_90] : memref<10000x128xf32, #tpu.memory_space<vmem_shared>> -> memref<80x128xf32, #tpu.memory_space<vmem_shared>>
      %dma_wait3A_92 = arith.constant 0 : i32
      %dma_wait3A_93 = tpu.memref_slice %arg10[%add3A_18, %dma_wait3A_92] : memref<10000x128xf32, #tpu.memory_space<vmem_shared>> -> memref<80x128xf32, #tpu.memory_space<vmem_shared>>
      tpu.wait_dma2 semaphore(%run_scoped3A : memref<!tpu.dma_semaphore, #tpu.memory_space<semaphore_mem>>) src(%arg8 : memref<80x128xf32, #tpu.memory_space<vmem>>) dst(%dma_wait3A_93 : memref<80x128xf32, #tpu.memory_space<vmem_shared>>)
      tpu.yield
    }) : () -> ()
    %mul3A_19 = arith.constant 640 : i32
    %mul3A_20 = arith.muli %arg1, %mul3A_19 : i32
    %add3A_21 = arith.constant 240 : i32
    %add3A_22 = arith.addi %mul3A_20, %add3A_21 : i32
    "tpu.region"() ({
      %run_scoped3A = tpu.sem_alloc : memref<!tpu.dma_semaphore, #tpu.memory_space<semaphore_mem>>
      %dma_start3A_86 = arith.constant 0 : i32
      %dma_start3A_87 = tpu.memref_slice %arg10[%add3A_22, %dma_start3A_86] : memref<10000x128xf32, #tpu.memory_space<vmem_shared>> -> memref<80x128xf32, #tpu.memory_space<vmem_shared>>
      %dma_start3A_88 = arith.constant 0 : i32
      %dma_start3A_89 = tpu.memref_slice %arg10[%add3A_22, %dma_start3A_88] : memref<10000x128xf32, #tpu.memory_space<vmem_shared>> -> memref<80x128xf32, #tpu.memory_space<vmem_shared>>
      tpu.enqueue_dma source(%arg8 : memref<80x128xf32, #tpu.memory_space<vmem>>) target(%dma_start3A_89 : memref<80x128xf32, #tpu.memory_space<vmem_shared>>) target_semaphore(%run_scoped3A : memref<!tpu.dma_semaphore, #tpu.memory_space<semaphore_mem>>)
      %dma_wait3A_90 = arith.constant 0 : i32
      %dma_wait3A_91 = tpu.memref_slice %arg10[%add3A_22, %dma_wait3A_90] : memref<10000x128xf32, #tpu.memory_space<vmem_shared>> -> memref<80x128xf32, #tpu.memory_space<vmem_shared>>
      %dma_wait3A_92 = arith.constant 0 : i32
      %dma_wait3A_93 = tpu.memref_slice %arg10[%add3A_22, %dma_wait3A_92] : memref<10000x128xf32, #tpu.memory_space<vmem_shared>> -> memref<80x128xf32, #tpu.memory_space<vmem_shared>>
      tpu.wait_dma2 semaphore(%run_scoped3A : memref<!tpu.dma_semaphore, #tpu.memory_space<semaphore_mem>>) src(%arg8 : memref<80x128xf32, #tpu.memory_space<vmem>>) dst(%dma_wait3A_93 : memref<80x128xf32, #tpu.memory_space<vmem_shared>>)
      tpu.yield
    }) : () -> ()
    %mul3A_23 = arith.constant 640 : i32
    %mul3A_24 = arith.muli %arg1, %mul3A_23 : i32
    %add3A_25 = arith.constant 320 : i32
    %add3A_26 = arith.addi %mul3A_24, %add3A_25 : i32
    "tpu.region"() ({
      %run_scoped3A = tpu.sem_alloc : memref<!tpu.dma_semaphore, #tpu.memory_space<semaphore_mem>>
      %dma_start3A_86 = arith.constant 0 : i32
      %dma_start3A_87 = tpu.memref_slice %arg10[%add3A_26, %dma_start3A_86] : memref<10000x128xf32, #tpu.memory_space<vmem_shared>> -> memref<80x128xf32, #tpu.memory_space<vmem_shared>>
      %dma_start3A_88 = arith.constant 0 : i32
      %dma_start3A_89 = tpu.memref_slice %arg10[%add3A_26, %dma_start3A_88] : memref<10000x128xf32, #tpu.memory_space<vmem_shared>> -> memref<80x128xf32, #tpu.memory_space<vmem_shared>>
      tpu.enqueue_dma source(%arg8 : memref<80x128xf32, #tpu.memory_space<vmem>>) target(%dma_start3A_89 : memref<80x128xf32, #tpu.memory_space<vmem_shared>>) target_semaphore(%run_scoped3A : memref<!tpu.dma_semaphore, #tpu.memory_space<semaphore_mem>>)
      %dma_wait3A_90 = arith.constant 0 : i32
      %dma_wait3A_91 = tpu.memref_slice %arg10[%add3A_26, %dma_wait3A_90] : memref<10000x128xf32, #tpu.memory_space<vmem_shared>> -> memref<80x128xf32, #tpu.memory_space<vmem_shared>>
      %dma_wait3A_92 = arith.constant 0 : i32
      %dma_wait3A_93 = tpu.memref_slice %arg10[%add3A_26, %dma_wait3A_92] : memref<10000x128xf32, #tpu.memory_space<vmem_shared>> -> memref<80x128xf32, #tpu.memory_space<vmem_shared>>
      tpu.wait_dma2 semaphore(%run_scoped3A : memref<!tpu.dma_semaphore, #tpu.memory_space<semaphore_mem>>) src(%arg8 : memref<80x128xf32, #tpu.memory_space<vmem>>) dst(%dma_wait3A_93 : memref<80x128xf32, #tpu.memory_space<vmem_shared>>)
      tpu.yield
    }) : () -> ()
    %lt3A = arith.constant 15 : i32
    %lt3A_27 = arith.cmpi slt, %arg1, %lt3A : i32
    %convert_element_type3A = arith.extui %lt3A_27 : i1 to i32
    %cond3A = arith.constant 0 : i32
    %cond3A_28 = arith.cmpi ne, %convert_element_type3A, %cond3A : i32
    scf.if %cond3A_28 {
      %mul3A_86 = arith.constant 640 : i32
      %mul3A_87 = arith.muli %arg1, %mul3A_86 : i32
      %add3A_88 = arith.constant 400 : i32
      %add3A_89 = arith.addi %mul3A_87, %add3A_88 : i32
      "tpu.region"() ({
        %run_scoped3A = tpu.sem_alloc : memref<!tpu.dma_semaphore, #tpu.memory_space<semaphore_mem>>
        %dma_start3A_90 = arith.constant 0 : i32
        %dma_start3A_91 = tpu.memref_slice %arg10[%add3A_89, %dma_start3A_90] : memref<10000x128xf32, #tpu.memory_space<vmem_shared>> -> memref<80x128xf32, #tpu.memory_space<vmem_shared>>
        %dma_start3A_92 = arith.constant 0 : i32
        %dma_start3A_93 = tpu.memref_slice %arg10[%add3A_89, %dma_start3A_92] : memref<10000x128xf32, #tpu.memory_space<vmem_shared>> -> memref<80x128xf32, #tpu.memory_space<vmem_shared>>
        tpu.enqueue_dma source(%arg8 : memref<80x128xf32, #tpu.memory_space<vmem>>) target(%dma_start3A_93 : memref<80x128xf32, #tpu.memory_space<vmem_shared>>) target_semaphore(%run_scoped3A : memref<!tpu.dma_semaphore, #tpu.memory_space<semaphore_mem>>)
        %dma_wait3A_94 = arith.constant 0 : i32
        %dma_wait3A_95 = tpu.memref_slice %arg10[%add3A_89, %dma_wait3A_94] : memref<10000x128xf32, #tpu.memory_space<vmem_shared>> -> memref<80x128xf32, #tpu.memory_space<vmem_shared>>
        %dma_wait3A_96 = arith.constant 0 : i32
        %dma_wait3A_97 = tpu.memref_slice %arg10[%add3A_89, %dma_wait3A_96] : memref<10000x128xf32, #tpu.memory_space<vmem_shared>> -> memref<80x128xf32, #tpu.memory_space<vmem_shared>>
        tpu.wait_dma2 semaphore(%run_scoped3A : memref<!tpu.dma_semaphore, #tpu.memory_space<semaphore_mem>>) src(%arg8 : memref<80x128xf32, #tpu.memory_space<vmem>>) dst(%dma_wait3A_97 : memref<80x128xf32, #tpu.memory_space<vmem_shared>>)
        tpu.yield
      }) : () -> ()
    } else {
    }
    %lt3A_29 = arith.constant 15 : i32
    %lt3A_30 = arith.cmpi slt, %arg1, %lt3A_29 : i32
    %convert_element_type3A_31 = arith.extui %lt3A_30 : i1 to i32
    %cond3A_32 = arith.constant 0 : i32
    %cond3A_33 = arith.cmpi ne, %convert_element_type3A_31, %cond3A_32 : i32
    scf.if %cond3A_33 {
      %mul3A_86 = arith.constant 640 : i32
      %mul3A_87 = arith.muli %arg1, %mul3A_86 : i32
      %add3A_88 = arith.constant 480 : i32
      %add3A_89 = arith.addi %mul3A_87, %add3A_88 : i32
      "tpu.region"() ({
        %run_scoped3A = tpu.sem_alloc : memref<!tpu.dma_semaphore, #tpu.memory_space<semaphore_mem>>
        %dma_start3A_90 = arith.constant 0 : i32
        %dma_start3A_91 = tpu.memref_slice %arg10[%add3A_89, %dma_start3A_90] : memref<10000x128xf32, #tpu.memory_space<vmem_shared>> -> memref<80x128xf32, #tpu.memory_space<vmem_shared>>
        %dma_start3A_92 = arith.constant 0 : i32
        %dma_start3A_93 = tpu.memref_slice %arg10[%add3A_89, %dma_start3A_92] : memref<10000x128xf32, #tpu.memory_space<vmem_shared>> -> memref<80x128xf32, #tpu.memory_space<vmem_shared>>
        tpu.enqueue_dma source(%arg8 : memref<80x128xf32, #tpu.memory_space<vmem>>) target(%dma_start3A_93 : memref<80x128xf32, #tpu.memory_space<vmem_shared>>) target_semaphore(%run_scoped3A : memref<!tpu.dma_semaphore, #tpu.memory_space<semaphore_mem>>)
        %dma_wait3A_94 = arith.constant 0 : i32
        %dma_wait3A_95 = tpu.memref_slice %arg10[%add3A_89, %dma_wait3A_94] : memref<10000x128xf32, #tpu.memory_space<vmem_shared>> -> memref<80x128xf32, #tpu.memory_space<vmem_shared>>
        %dma_wait3A_96 = arith.constant 0 : i32
        %dma_wait3A_97 = tpu.memref_slice %arg10[%add3A_89, %dma_wait3A_96] : memref<10000x128xf32, #tpu.memory_space<vmem_shared>> -> memref<80x128xf32, #tpu.memory_space<vmem_shared>>
        tpu.wait_dma2 semaphore(%run_scoped3A : memref<!tpu.dma_semaphore, #tpu.memory_space<semaphore_mem>>) src(%arg8 : memref<80x128xf32, #tpu.memory_space<vmem>>) dst(%dma_wait3A_97 : memref<80x128xf32, #tpu.memory_space<vmem_shared>>)
        tpu.yield
      }) : () -> ()
    } else {
    }
    %lt3A_34 = arith.constant 15 : i32
    %lt3A_35 = arith.cmpi slt, %arg1, %lt3A_34 : i32
    %convert_element_type3A_36 = arith.extui %lt3A_35 : i1 to i32
    %cond3A_37 = arith.constant 0 : i32
    %cond3A_38 = arith.cmpi ne, %convert_element_type3A_36, %cond3A_37 : i32
    scf.if %cond3A_38 {
      %mul3A_86 = arith.constant 640 : i32
      %mul3A_87 = arith.muli %arg1, %mul3A_86 : i32
      %add3A_88 = arith.constant 560 : i32
      %add3A_89 = arith.addi %mul3A_87, %add3A_88 : i32
      "tpu.region"() ({
        %run_scoped3A = tpu.sem_alloc : memref<!tpu.dma_semaphore, #tpu.memory_space<semaphore_mem>>
        %dma_start3A_90 = arith.constant 0 : i32
        %dma_start3A_91 = tpu.memref_slice %arg10[%add3A_89, %dma_start3A_90] : memref<10000x128xf32, #tpu.memory_space<vmem_shared>> -> memref<80x128xf32, #tpu.memory_space<vmem_shared>>
        %dma_start3A_92 = arith.constant 0 : i32
        %dma_start3A_93 = tpu.memref_slice %arg10[%add3A_89, %dma_start3A_92] : memref<10000x128xf32, #tpu.memory_space<vmem_shared>> -> memref<80x128xf32, #tpu.memory_space<vmem_shared>>
        tpu.enqueue_dma source(%arg8 : memref<80x128xf32, #tpu.memory_space<vmem>>) target(%dma_start3A_93 : memref<80x128xf32, #tpu.memory_space<vmem_shared>>) target_semaphore(%run_scoped3A : memref<!tpu.dma_semaphore, #tpu.memory_space<semaphore_mem>>)
        %dma_wait3A_94 = arith.constant 0 : i32
        %dma_wait3A_95 = tpu.memref_slice %arg10[%add3A_89, %dma_wait3A_94] : memref<10000x128xf32, #tpu.memory_space<vmem_shared>> -> memref<80x128xf32, #tpu.memory_space<vmem_shared>>
        %dma_wait3A_96 = arith.constant 0 : i32
        %dma_wait3A_97 = tpu.memref_slice %arg10[%add3A_89, %dma_wait3A_96] : memref<10000x128xf32, #tpu.memory_space<vmem_shared>> -> memref<80x128xf32, #tpu.memory_space<vmem_shared>>
        tpu.wait_dma2 semaphore(%run_scoped3A : memref<!tpu.dma_semaphore, #tpu.memory_space<semaphore_mem>>) src(%arg8 : memref<80x128xf32, #tpu.memory_space<vmem>>) dst(%dma_wait3A_97 : memref<80x128xf32, #tpu.memory_space<vmem_shared>>)
        tpu.yield
      }) : () -> ()
    } else {
    }
    %mul3A_39 = arith.constant 10000 : i32
    %mul3A_40 = arith.muli %add3A, %mul3A_39 : i32
    "tpu.region"() ({
      %run_scoped3A = tpu.sem_alloc : memref<!tpu.dma_semaphore, #tpu.memory_space<semaphore_mem>>
      %dma_start3A_86 = tpu.memref_slice %arg3[%mul3A_40] : memref<320000xi32, #tpu.memory_space<hbm>> -> memref<10000xi32, #tpu.memory_space<hbm>>
      %dma_start3A_87 = tpu.memref_slice %arg3[%mul3A_40] : memref<320000xi32, #tpu.memory_space<hbm>> -> memref<10000xi32, #tpu.memory_space<hbm>>
      tpu.enqueue_dma source(%dma_start3A_87 : memref<10000xi32, #tpu.memory_space<hbm>>) target(%arg6 : memref<10000xi32, #tpu.memory_space<vmem>>) target_semaphore(%run_scoped3A : memref<!tpu.dma_semaphore, #tpu.memory_space<semaphore_mem>>)
      %dma_wait3A_88 = tpu.memref_slice %arg3[%mul3A_40] : memref<320000xi32, #tpu.memory_space<hbm>> -> memref<10000xi32, #tpu.memory_space<hbm>>
      %dma_wait3A_89 = tpu.memref_slice %arg3[%mul3A_40] : memref<320000xi32, #tpu.memory_space<hbm>> -> memref<10000xi32, #tpu.memory_space<hbm>>
      tpu.wait_dma2 semaphore(%run_scoped3A : memref<!tpu.dma_semaphore, #tpu.memory_space<semaphore_mem>>) src(%dma_wait3A_89 : memref<10000xi32, #tpu.memory_space<hbm>>) dst(%arg6 : memref<10000xi32, #tpu.memory_space<vmem>>)
      tpu.yield
    }) : () -> ()
    "tpu.region"() ({
      %run_scoped3A = tpu.sem_alloc : memref<!tpu.dma_semaphore, #tpu.memory_space<semaphore_mem>>
      %dma_start3A_86 = arith.constant 0 : i32
      %dma_start3A_87 = arith.constant 0 : i32
      %dma_start3A_88 = tpu.memref_slice %arg4[%add3A, %dma_start3A_86, %dma_start3A_87] : memref<32x125x80xi32, #tpu.memory_space<hbm>> -> memref<1x125x80xi32, #tpu.memory_space<hbm>>
      %dma_start3A_89 = tpu.memref_squeeze %dma_start3A_88 : memref<1x125x80xi32, #tpu.memory_space<hbm>> -> memref<125x80xi32, #tpu.memory_space<hbm>>
      %dma_start3A_90 = arith.constant 0 : i32
      %dma_start3A_91 = arith.constant 0 : i32
      %dma_start3A_92 = tpu.memref_slice %arg4[%add3A, %dma_start3A_90, %dma_start3A_91] : memref<32x125x80xi32, #tpu.memory_space<hbm>> -> memref<1x125x80xi32, #tpu.memory_space<hbm>>
      %dma_start3A_93 = tpu.memref_squeeze %dma_start3A_92 : memref<1x125x80xi32, #tpu.memory_space<hbm>> -> memref<125x80xi32, #tpu.memory_space<hbm>>
      tpu.enqueue_dma source(%dma_start3A_93 : memref<125x80xi32, #tpu.memory_space<hbm>>) target(%arg7 : memref<125x80xi32, #tpu.memory_space<vmem>>) target_semaphore(%run_scoped3A : memref<!tpu.dma_semaphore, #tpu.memory_space<semaphore_mem>>)
      %dma_wait3A_94 = arith.constant 0 : i32
      %dma_wait3A_95 = arith.constant 0 : i32
      %dma_wait3A_96 = tpu.memref_slice %arg4[%add3A, %dma_wait3A_94, %dma_wait3A_95] : memref<32x125x80xi32, #tpu.memory_space<hbm>> -> memref<1x125x80xi32, #tpu.memory_space<hbm>>
      %dma_wait3A_97 = tpu.memref_squeeze %dma_wait3A_96 : memref<1x125x80xi32, #tpu.memory_space<hbm>> -> memref<125x80xi32, #tpu.memory_space<hbm>>
      %dma_wait3A_98 = arith.constant 0 : i32
      %dma_wait3A_99 = arith.constant 0 : i32
      %dma_wait3A_100 = tpu.memref_slice %arg4[%add3A, %dma_wait3A_98, %dma_wait3A_99] : memref<32x125x80xi32, #tpu.memory_space<hbm>> -> memref<1x125x80xi32, #tpu.memory_space<hbm>>
      %dma_wait3A_101 = tpu.memref_squeeze %dma_wait3A_100 : memref<1x125x80xi32, #tpu.memory_space<hbm>> -> memref<125x80xi32, #tpu.memory_space<hbm>>
      tpu.wait_dma2 semaphore(%run_scoped3A : memref<!tpu.dma_semaphore, #tpu.memory_space<semaphore_mem>>) src(%dma_wait3A_101 : memref<125x80xi32, #tpu.memory_space<hbm>>) dst(%arg7 : memref<125x80xi32, #tpu.memory_space<vmem>>)
      tpu.yield
    }) : () -> ()
    %barrier3A = arith.constant 0 : index
    tpu.barrier barrier_id(%barrier3A)
    %dma_start3A = arith.constant 0 : i32
    %dma_start3A_41 = tpu.memref_slice %arg6[%dma_start3A] : memref<10000xi32, #tpu.memory_space<vmem>> -> memref<80xi32, #tpu.memory_space<vmem>>
    %dma_start3A_42 = arith.constant 0 : i32
    %dma_start3A_43 = arith.constant 0 : i32
    %dma_start3A_44 = tpu.memref_slice %arg2[%dma_start3A_42, %dma_start3A_43] : memref<10000x128xf32, #tpu.memory_space<hbm>> -> memref<10000x128xf32, #tpu.memory_space<hbm>>
    tpu.enqueue_indirect_dma source(%dma_start3A_44 : memref<10000x128xf32, #tpu.memory_space<hbm>>) target(%arg8 : memref<80x128xf32, #tpu.memory_space<vmem>>) offsets(%dma_start3A_41 : memref<80xi32, #tpu.memory_space<vmem>>) semaphore(%arg11 : memref<!tpu.dma_semaphore, #tpu.memory_space<semaphore_mem>>)
    %scan3A_45 = arith.constant 0 : i32
    %scan3A_46 = arith.constant 0 : i32
    %scan3A_47 = arith.constant 62 : i32
    %scan3A_48 = arith.addi %scan3A_46, %scan3A_47 : i32
    %scan3A_49 = arith.constant 1 : i32
    scf.for %scan3A_86 = %scan3A_46 to %scan3A_48 step %scan3A_49  : i32 {
      %mul3A_87 = arith.constant 2 : i32
      %mul3A_88 = arith.muli %mul3A_87, %scan3A_86 : i32
      %dma_wait3A_89 = arith.constant 0 : i32
      %dma_wait3A_90 = tpu.memref_slice %arg6[%dma_wait3A_89] : memref<10000xi32, #tpu.memory_space<vmem>> -> memref<80xi32, #tpu.memory_space<vmem>>
      %dma_wait3A_91 = arith.constant 0 : i32
      %dma_wait3A_92 = arith.constant 0 : i32
      %dma_wait3A_93 = tpu.memref_slice %arg2[%dma_wait3A_91, %dma_wait3A_92] : memref<10000x128xf32, #tpu.memory_space<hbm>> -> memref<10000x128xf32, #tpu.memory_space<hbm>>
      tpu.wait_indirect_dma semaphore(%arg11 : memref<!tpu.dma_semaphore, #tpu.memory_space<semaphore_mem>>) src(%dma_wait3A_93 : memref<10000x128xf32, #tpu.memory_space<hbm>>) dst(%arg8 : memref<80x128xf32, #tpu.memory_space<vmem>>)
      %gt3A = arith.constant 0 : i32
      %gt3A_94 = arith.cmpi sgt, %scan3A_86, %gt3A : i32
      %convert_element_type3A_95 = arith.extui %gt3A_94 : i1 to i32
      %cond3A_96 = arith.constant 0 : i32
      %cond3A_97 = arith.cmpi ne, %convert_element_type3A_95, %cond3A_96 : i32
      scf.if %cond3A_97 {
        %dma_wait3A_140 = arith.constant 0 : i32
        %dma_wait3A_141 = arith.constant 0 : i32
        %dma_wait3A_142 = tpu.memref_slice %arg7[%dma_wait3A_140, %dma_wait3A_141] : memref<125x80xi32, #tpu.memory_space<vmem>> -> memref<1x80xi32, #tpu.memory_space<vmem>>
        %dma_wait3A_143 = tpu.memref_squeeze %dma_wait3A_142 : memref<1x80xi32, #tpu.memory_space<vmem>> -> memref<80xi32, #tpu.memory_space<vmem>>
        %dma_wait3A_144 = arith.constant 0 : i32
        %dma_wait3A_145 = arith.constant 0 : i32
        %dma_wait3A_146 = tpu.memref_slice %arg10[%dma_wait3A_144, %dma_wait3A_145] : memref<10000x128xf32, #tpu.memory_space<vmem_shared>> -> memref<10000x128xf32, #tpu.memory_space<vmem_shared>>
        tpu.wait_indirect_dma semaphore(%arg14 : memref<!tpu.dma_semaphore, #tpu.memory_space<semaphore_mem>>) src(%arg9 : memref<80x128xf32, #tpu.memory_space<vmem>>) dst(%dma_wait3A_146 : memref<10000x128xf32, #tpu.memory_space<vmem_shared>>)
      } else {
      }
      %add3A_98 = arith.constant 1 : i32
      %add3A_99 = arith.addi %mul3A_88, %add3A_98 : i32
      %mul3A_100 = arith.constant 80 : i32
      %mul3A_101 = arith.muli %add3A_99, %mul3A_100 : i32
      %dma_start3A_102 = tpu.memref_slice %arg6[%mul3A_101] : memref<10000xi32, #tpu.memory_space<vmem>> -> memref<80xi32, #tpu.memory_space<vmem>>
      %dma_start3A_103 = arith.constant 0 : i32
      %dma_start3A_104 = arith.constant 0 : i32
      %dma_start3A_105 = tpu.memref_slice %arg2[%dma_start3A_103, %dma_start3A_104] : memref<10000x128xf32, #tpu.memory_space<hbm>> -> memref<10000x128xf32, #tpu.memory_space<hbm>>
      tpu.enqueue_indirect_dma source(%dma_start3A_105 : memref<10000x128xf32, #tpu.memory_space<hbm>>) target(%arg9 : memref<80x128xf32, #tpu.memory_space<vmem>>) offsets(%dma_start3A_102 : memref<80xi32, #tpu.memory_space<vmem>>) semaphore(%arg12 : memref<!tpu.dma_semaphore, #tpu.memory_space<semaphore_mem>>)
      %dma_start3A_106 = arith.constant 0 : i32
      %dma_start3A_107 = tpu.memref_slice %arg7[%mul3A_88, %dma_start3A_106] : memref<125x80xi32, #tpu.memory_space<vmem>> -> memref<1x80xi32, #tpu.memory_space<vmem>>
      %dma_start3A_108 = tpu.memref_squeeze %dma_start3A_107 : memref<1x80xi32, #tpu.memory_space<vmem>> -> memref<80xi32, #tpu.memory_space<vmem>>
      %dma_start3A_109 = arith.constant 0 : i32
      %dma_start3A_110 = arith.constant 0 : i32
      %dma_start3A_111 = tpu.memref_slice %arg10[%dma_start3A_109, %dma_start3A_110] : memref<10000x128xf32, #tpu.memory_space<vmem_shared>> -> memref<10000x128xf32, #tpu.memory_space<vmem_shared>>
      tpu.enqueue_indirect_dma source(%arg8 : memref<80x128xf32, #tpu.memory_space<vmem>>) target(%dma_start3A_111 : memref<10000x128xf32, #tpu.memory_space<vmem_shared>>) offsets(%dma_start3A_108 : memref<80xi32, #tpu.memory_space<vmem>>) semaphore(%arg13 : memref<!tpu.dma_semaphore, #tpu.memory_space<semaphore_mem>>) {add = true}
      %dma_wait3A_112 = arith.constant 0 : i32
      %dma_wait3A_113 = tpu.memref_slice %arg6[%dma_wait3A_112] : memref<10000xi32, #tpu.memory_space<vmem>> -> memref<80xi32, #tpu.memory_space<vmem>>
      %dma_wait3A_114 = arith.constant 0 : i32
      %dma_wait3A_115 = arith.constant 0 : i32
      %dma_wait3A_116 = tpu.memref_slice %arg2[%dma_wait3A_114, %dma_wait3A_115] : memref<10000x128xf32, #tpu.memory_space<hbm>> -> memref<10000x128xf32, #tpu.memory_space<hbm>>
      tpu.wait_indirect_dma semaphore(%arg12 : memref<!tpu.dma_semaphore, #tpu.memory_space<semaphore_mem>>) src(%dma_wait3A_116 : memref<10000x128xf32, #tpu.memory_space<hbm>>) dst(%arg9 : memref<80x128xf32, #tpu.memory_space<vmem>>)
      %dma_wait3A_117 = arith.constant 0 : i32
      %dma_wait3A_118 = arith.constant 0 : i32
      %dma_wait3A_119 = tpu.memref_slice %arg7[%dma_wait3A_117, %dma_wait3A_118] : memref<125x80xi32, #tpu.memory_space<vmem>> -> memref<1x80xi32, #tpu.memory_space<vmem>>
      %dma_wait3A_120 = tpu.memref_squeeze %dma_wait3A_119 : memref<1x80xi32, #tpu.memory_space<vmem>> -> memref<80xi32, #tpu.memory_space<vmem>>
      %dma_wait3A_121 = arith.constant 0 : i32
      %dma_wait3A_122 = arith.constant 0 : i32
      %dma_wait3A_123 = tpu.memref_slice %arg10[%dma_wait3A_121, %dma_wait3A_122] : memref<10000x128xf32, #tpu.memory_space<vmem_shared>> -> memref<10000x128xf32, #tpu.memory_space<vmem_shared>>
      tpu.wait_indirect_dma semaphore(%arg13 : memref<!tpu.dma_semaphore, #tpu.memory_space<semaphore_mem>>) src(%arg8 : memref<80x128xf32, #tpu.memory_space<vmem>>) dst(%dma_wait3A_123 : memref<10000x128xf32, #tpu.memory_space<vmem_shared>>)
      %add3A_124 = arith.constant 2 : i32
      %add3A_125 = arith.addi %mul3A_88, %add3A_124 : i32
      %mul3A_126 = arith.constant 80 : i32
      %mul3A_127 = arith.muli %add3A_125, %mul3A_126 : i32
      %dma_start3A_128 = tpu.memref_slice %arg6[%mul3A_127] : memref<10000xi32, #tpu.memory_space<vmem>> -> memref<80xi32, #tpu.memory_space<vmem>>
      %dma_start3A_129 = arith.constant 0 : i32
      %dma_start3A_130 = arith.constant 0 : i32
      %dma_start3A_131 = tpu.memref_slice %arg2[%dma_start3A_129, %dma_start3A_130] : memref<10000x128xf32, #tpu.memory_space<hbm>> -> memref<10000x128xf32, #tpu.memory_space<hbm>>
      tpu.enqueue_indirect_dma source(%dma_start3A_131 : memref<10000x128xf32, #tpu.memory_space<hbm>>) target(%arg8 : memref<80x128xf32, #tpu.memory_space<vmem>>) offsets(%dma_start3A_128 : memref<80xi32, #tpu.memory_space<vmem>>) semaphore(%arg11 : memref<!tpu.dma_semaphore, #tpu.memory_space<semaphore_mem>>)
      %add3A_132 = arith.constant 1 : i32
      %add3A_133 = arith.addi %mul3A_88, %add3A_132 : i32
      %dma_start3A_134 = arith.constant 0 : i32
      %dma_start3A_135 = tpu.memref_slice %arg7[%add3A_133, %dma_start3A_134] : memref<125x80xi32, #tpu.memory_space<vmem>> -> memref<1x80xi32, #tpu.memory_space<vmem>>
      %dma_start3A_136 = tpu.memref_squeeze %dma_start3A_135 : memref<1x80xi32, #tpu.memory_space<vmem>> -> memref<80xi32, #tpu.memory_space<vmem>>
      %dma_start3A_137 = arith.constant 0 : i32
      %dma_start3A_138 = arith.constant 0 : i32
      %dma_start3A_139 = tpu.memref_slice %arg10[%dma_start3A_137, %dma_start3A_138] : memref<10000x128xf32, #tpu.memory_space<vmem_shared>> -> memref<10000x128xf32, #tpu.memory_space<vmem_shared>>
      tpu.enqueue_indirect_dma source(%arg9 : memref<80x128xf32, #tpu.memory_space<vmem>>) target(%dma_start3A_139 : memref<10000x128xf32, #tpu.memory_space<vmem_shared>>) offsets(%dma_start3A_136 : memref<80xi32, #tpu.memory_space<vmem>>) semaphore(%arg14 : memref<!tpu.dma_semaphore, #tpu.memory_space<semaphore_mem>>) {add = true}
    }
    %scan3A_50 = arith.constant 62 : i32
    %dma_wait3A = arith.constant 0 : i32
    %dma_wait3A_51 = tpu.memref_slice %arg6[%dma_wait3A] : memref<10000xi32, #tpu.memory_space<vmem>> -> memref<80xi32, #tpu.memory_space<vmem>>
    %dma_wait3A_52 = arith.constant 0 : i32
    %dma_wait3A_53 = arith.constant 0 : i32
    %dma_wait3A_54 = tpu.memref_slice %arg2[%dma_wait3A_52, %dma_wait3A_53] : memref<10000x128xf32, #tpu.memory_space<hbm>> -> memref<10000x128xf32, #tpu.memory_space<hbm>>
    tpu.wait_indirect_dma semaphore(%arg11 : memref<!tpu.dma_semaphore, #tpu.memory_space<semaphore_mem>>) src(%dma_wait3A_54 : memref<10000x128xf32, #tpu.memory_space<hbm>>) dst(%arg8 : memref<80x128xf32, #tpu.memory_space<vmem>>)
    %dma_start3A_55 = arith.constant 124 : i32
    %dma_start3A_56 = arith.constant 0 : i32
    %dma_start3A_57 = tpu.memref_slice %arg7[%dma_start3A_55, %dma_start3A_56] : memref<125x80xi32, #tpu.memory_space<vmem>> -> memref<1x80xi32, #tpu.memory_space<vmem>>
    %dma_start3A_58 = tpu.memref_squeeze %dma_start3A_57 : memref<1x80xi32, #tpu.memory_space<vmem>> -> memref<80xi32, #tpu.memory_space<vmem>>
    %dma_start3A_59 = arith.constant 0 : i32
    %dma_start3A_60 = arith.constant 0 : i32
    %dma_start3A_61 = tpu.memref_slice %arg10[%dma_start3A_59, %dma_start3A_60] : memref<10000x128xf32, #tpu.memory_space<vmem_shared>> -> memref<10000x128xf32, #tpu.memory_space<vmem_shared>>
    tpu.enqueue_indirect_dma source(%arg8 : memref<80x128xf32, #tpu.memory_space<vmem>>) target(%dma_start3A_61 : memref<10000x128xf32, #tpu.memory_space<vmem_shared>>) offsets(%dma_start3A_58 : memref<80xi32, #tpu.memory_space<vmem>>) semaphore(%arg13 : memref<!tpu.dma_semaphore, #tpu.memory_space<semaphore_mem>>) {add = true}
    %dma_wait3A_62 = arith.constant 0 : i32
    %dma_wait3A_63 = arith.constant 0 : i32
    %dma_wait3A_64 = tpu.memref_slice %arg7[%dma_wait3A_62, %dma_wait3A_63] : memref<125x80xi32, #tpu.memory_space<vmem>> -> memref<1x80xi32, #tpu.memory_space<vmem>>
    %dma_wait3A_65 = tpu.memref_squeeze %dma_wait3A_64 : memref<1x80xi32, #tpu.memory_space<vmem>> -> memref<80xi32, #tpu.memory_space<vmem>>
    %dma_wait3A_66 = arith.constant 0 : i32
    %dma_wait3A_67 = arith.constant 0 : i32
    %dma_wait3A_68 = tpu.memref_slice %arg10[%dma_wait3A_66, %dma_wait3A_67] : memref<10000x128xf32, #tpu.memory_space<vmem_shared>> -> memref<10000x128xf32, #tpu.memory_space<vmem_shared>>
    tpu.wait_indirect_dma semaphore(%arg13 : memref<!tpu.dma_semaphore, #tpu.memory_space<semaphore_mem>>) src(%arg8 : memref<80x128xf32, #tpu.memory_space<vmem>>) dst(%dma_wait3A_68 : memref<10000x128xf32, #tpu.memory_space<vmem_shared>>)
    %dma_wait3A_69 = arith.constant 0 : i32
    %dma_wait3A_70 = arith.constant 0 : i32
    %dma_wait3A_71 = tpu.memref_slice %arg7[%dma_wait3A_69, %dma_wait3A_70] : memref<125x80xi32, #tpu.memory_space<vmem>> -> memref<1x80xi32, #tpu.memory_space<vmem>>
    %dma_wait3A_72 = tpu.memref_squeeze %dma_wait3A_71 : memref<1x80xi32, #tpu.memory_space<vmem>> -> memref<80xi32, #tpu.memory_space<vmem>>
    %dma_wait3A_73 = arith.constant 0 : i32
    %dma_wait3A_74 = arith.constant 0 : i32
    %dma_wait3A_75 = tpu.memref_slice %arg10[%dma_wait3A_73, %dma_wait3A_74] : memref<10000x128xf32, #tpu.memory_space<vmem_shared>> -> memref<10000x128xf32, #tpu.memory_space<vmem_shared>>
    tpu.wait_indirect_dma semaphore(%arg14 : memref<!tpu.dma_semaphore, #tpu.memory_space<semaphore_mem>>) src(%arg9 : memref<80x128xf32, #tpu.memory_space<vmem>>) dst(%dma_wait3A_75 : memref<10000x128xf32, #tpu.memory_space<vmem_shared>>)
    %barrier3A_76 = arith.constant 0 : index
    tpu.barrier barrier_id(%barrier3A_76)
    %lt3A_77 = arith.constant 15 : i32
    %lt3A_78 = arith.cmpi slt, %arg1, %lt3A_77 : i32
    %convert_element_type3A_79 = arith.extui %lt3A_78 : i1 to i32
    %cond3A_80 = arith.constant 0 : i32
    %cond3A_81 = arith.cmpi ne, %convert_element_type3A_79, %cond3A_80 : i32
    scf.if %cond3A_81 {
      %mul3A_86 = arith.constant 640 : i32
      %mul3A_87 = arith.muli %arg1, %mul3A_86 : i32
      %mul3A_88 = arith.constant 640 : i32
      %mul3A_89 = arith.muli %arg1, %mul3A_88 : i32
      "tpu.region"() ({
        %run_scoped3A = tpu.sem_alloc : memref<!tpu.dma_semaphore, #tpu.memory_space<semaphore_mem>>
        %dma_start3A_90 = arith.constant 0 : i32
        %dma_start3A_91 = tpu.memref_slice %arg5[%arg0, %mul3A_89, %dma_start3A_90] : memref<2x10000x128xf32, #tpu.memory_space<hbm>> -> memref<1x640x128xf32, #tpu.memory_space<hbm>>
        %dma_start3A_92 = tpu.memref_squeeze %dma_start3A_91 : memref<1x640x128xf32, #tpu.memory_space<hbm>> -> memref<640x128xf32, #tpu.memory_space<hbm>>
        %dma_start3A_93 = arith.constant 0 : i32
        %dma_start3A_94 = tpu.memref_slice %arg10[%mul3A_87, %dma_start3A_93] : memref<10000x128xf32, #tpu.memory_space<vmem_shared>> -> memref<640x128xf32, #tpu.memory_space<vmem_shared>>
        tpu.enqueue_dma source(%dma_start3A_94 : memref<640x128xf32, #tpu.memory_space<vmem_shared>>) target(%dma_start3A_92 : memref<640x128xf32, #tpu.memory_space<hbm>>) target_semaphore(%run_scoped3A : memref<!tpu.dma_semaphore, #tpu.memory_space<semaphore_mem>>)
        %dma_wait3A_95 = arith.constant 0 : i32
        %dma_wait3A_96 = tpu.memref_slice %arg5[%arg0, %mul3A_89, %dma_wait3A_95] : memref<2x10000x128xf32, #tpu.memory_space<hbm>> -> memref<1x640x128xf32, #tpu.memory_space<hbm>>
        %dma_wait3A_97 = tpu.memref_squeeze %dma_wait3A_96 : memref<1x640x128xf32, #tpu.memory_space<hbm>> -> memref<640x128xf32, #tpu.memory_space<hbm>>
        %dma_wait3A_98 = arith.constant 0 : i32
        %dma_wait3A_99 = tpu.memref_slice %arg10[%mul3A_87, %dma_wait3A_98] : memref<10000x128xf32, #tpu.memory_space<vmem_shared>> -> memref<640x128xf32, #tpu.memory_space<vmem_shared>>
        tpu.wait_dma2 semaphore(%run_scoped3A : memref<!tpu.dma_semaphore, #tpu.memory_space<semaphore_mem>>) src(%dma_wait3A_99 : memref<640x128xf32, #tpu.memory_space<vmem_shared>>) dst(%dma_wait3A_97 : memref<640x128xf32, #tpu.memory_space<hbm>>)
        tpu.yield
      }) : () -> ()
    } else {
    }
    %eq3A = arith.constant 15 : i32
    %eq3A_82 = arith.cmpi eq, %arg1, %eq3A : i32
    %convert_element_type3A_83 = arith.extui %eq3A_82 : i1 to i32
    %cond3A_84 = arith.constant 0 : i32
    %cond3A_85 = arith.cmpi ne, %convert_element_type3A_83, %cond3A_84 : i32
    scf.if %cond3A_85 {
      %mul3A_86 = arith.constant 640 : i32
      %mul3A_87 = arith.muli %arg1, %mul3A_86 : i32
      %mul3A_88 = arith.constant 640 : i32
      %mul3A_89 = arith.muli %arg1, %mul3A_88 : i32
      "tpu.region"() ({
        %run_scoped3A = tpu.sem_alloc : memref<!tpu.dma_semaphore, #tpu.memory_space<semaphore_mem>>
        %dma_start3A_90 = arith.constant 0 : i32
        %dma_start3A_91 = tpu.memref_slice %arg5[%arg0, %mul3A_89, %dma_start3A_90] : memref<2x10000x128xf32, #tpu.memory_space<hbm>> -> memref<1x400x128xf32, #tpu.memory_space<hbm>>
        %dma_start3A_92 = tpu.memref_squeeze %dma_start3A_91 : memref<1x400x128xf32, #tpu.memory_space<hbm>> -> memref<400x128xf32, #tpu.memory_space<hbm>>
        %dma_start3A_93 = arith.constant 0 : i32
        %dma_start3A_94 = tpu.memref_slice %arg10[%mul3A_87, %dma_start3A_93] : memref<10000x128xf32, #tpu.memory_space<vmem_shared>> -> memref<400x128xf32, #tpu.memory_space<vmem_shared>>
        tpu.enqueue_dma source(%dma_start3A_94 : memref<400x128xf32, #tpu.memory_space<vmem_shared>>) target(%dma_start3A_92 : memref<400x128xf32, #tpu.memory_space<hbm>>) target_semaphore(%run_scoped3A : memref<!tpu.dma_semaphore, #tpu.memory_space<semaphore_mem>>)
        %dma_wait3A_95 = arith.constant 0 : i32
        %dma_wait3A_96 = tpu.memref_slice %arg5[%arg0, %mul3A_89, %dma_wait3A_95] : memref<2x10000x128xf32, #tpu.memory_space<hbm>> -> memref<1x400x128xf32, #tpu.memory_space<hbm>>
        %dma_wait3A_97 = tpu.memref_squeeze %dma_wait3A_96 : memref<1x400x128xf32, #tpu.memory_space<hbm>> -> memref<400x128xf32, #tpu.memory_space<hbm>>
        %dma_wait3A_98 = arith.constant 0 : i32
        %dma_wait3A_99 = tpu.memref_slice %arg10[%mul3A_87, %dma_wait3A_98] : memref<10000x128xf32, #tpu.memory_space<vmem_shared>> -> memref<400x128xf32, #tpu.memory_space<vmem_shared>>
        tpu.wait_dma2 semaphore(%run_scoped3A : memref<!tpu.dma_semaphore, #tpu.memory_space<semaphore_mem>>) src(%dma_wait3A_99 : memref<400x128xf32, #tpu.memory_space<vmem_shared>>) dst(%dma_wait3A_97 : memref<400x128xf32, #tpu.memory_space<hbm>>)
        tpu.yield
      }) : () -> ()
    } else {
    }
    return
  }
}

module attributes {stable_mosaic.version = 14 : i64} {
  func.func @_tc1_body(%arg0: i32, %arg1: memref<5000x128xf32, #tpu.memory_space<vmem>>, %arg2: memref<128x128xf32, #tpu.memory_space<vmem>>, %arg3: memref<5000x2xf32, #tpu.memory_space<vmem>>, %arg4: memref<5000x128xf32, #tpu.memory_space<vmem>>, %arg5: memref<5000x1xf32, #tpu.memory_space<vmem>>) attributes {dimension_semantics = [#tpu.dimension_semantics<arbitrary>], iteration_bounds = array<i64: 2>, scalar_prefetch = 0 : i64, scratch_operands = 0 : i64, tpu.core_type = #tpu.core_type<tc>, window_params = [{transform_indices = @transform_0, window_bounds = array<i64: 5000, 128>}, {pipeline_mode = #tpu.pipeline_mode<synchronous>, transform_indices = @transform_1, window_bounds = array<i64: 128, 128>}, {transform_indices = @transform_2, window_bounds = array<i64: 5000, 2>}, {transform_indices = @transform_3, window_bounds = array<i64: 5000, 128>}, {transform_indices = @transform_4, window_bounds = array<i64: 5000, 1>}]} {
    %get3A = arith.constant 0 : index
    %get3A_0 = arith.constant 0 : index
    %get3A_1 = vector.load %arg3[%get3A, %get3A_0] : memref<5000x2xf32, #tpu.memory_space<vmem>>, vector<5000x1xf32>
    %get3A_2 = vector.shape_cast %get3A_1 : vector<5000x1xf32> to vector<5000xf32>
    %get3A_3 = arith.constant 0 : index
    %get3A_4 = arith.constant 1 : index
    %get3A_5 = vector.load %arg3[%get3A_3, %get3A_4] : memref<5000x2xf32, #tpu.memory_space<vmem>>, vector<5000x1xf32>
    %get3A_6 = vector.shape_cast %get3A_5 : vector<5000x1xf32> to vector<5000xf32>
    %add3A = arith.addf %get3A_2, %get3A_6 : vector<5000xf32>
    %add3A_7 = arith.constant 1.000000e+00 : f32
    %add3A_8 = vector.broadcast %add3A_7 : f32 to vector<5000xf32>
    %add3A_9 = arith.addf %add3A, %add3A_8 : vector<5000xf32>
    %rsqrt3A = math.rsqrt %add3A_9 : vector<5000xf32>
    %broadcast_in_dim3A = vector.shape_cast %rsqrt3A : vector<5000xf32> to vector<5000x1xf32>
    %swap3A = arith.constant 0 : index
    %swap3A_10 = arith.constant 0 : index
    %swap3A_11 = vector.load %arg5[%swap3A, %swap3A_10] : memref<5000x1xf32, #tpu.memory_space<vmem>>, vector<5000x1xf32>
    tpu.vector_store %arg5[%swap3A, %swap3A_10], %broadcast_in_dim3A {strides = array<i32>} : memref<5000x1xf32, #tpu.memory_space<vmem>>, vector<5000x1xf32>,
    %get3A_12 = arith.constant 0 : index
    %get3A_13 = arith.constant 0 : index
    %get3A_14 = vector.load %arg1[%get3A_12, %get3A_13] : memref<5000x128xf32, #tpu.memory_space<vmem>>, vector<5000x128xf32>
    %get3A_15 = arith.constant 0 : index
    %get3A_16 = arith.constant 0 : index
    %get3A_17 = vector.load %arg2[%get3A_15, %get3A_16] : memref<128x128xf32, #tpu.memory_space<vmem>>, vector<128x128xf32>
    %dot_general3A = arith.constant dense<0.000000e+00> : vector<5000x128xf32>
    %dot_general3A_18 = tpu.matmul %get3A_14, %get3A_17, %dot_general3A {dimension_numbers = #tpu.dot_dimension_numbers<[1], [0], [0], [1], [0, 0, 1, 1], [], []>, transpose_lhs_hint = false} : vector<5000x128xf32>, vector<128x128xf32>, vector<5000x128xf32> -> vector<5000x128xf32>
    %broadcast_in_dim3A_19 = vector.shape_cast %rsqrt3A : vector<5000xf32> to vector<5000x1xf32>
    %mul3A = vector.broadcast %broadcast_in_dim3A_19 : vector<5000x1xf32> to vector<5000x128xf32>
    %mul3A_20 = arith.mulf %dot_general3A_18, %mul3A : vector<5000x128xf32>
    %swap3A_21 = arith.constant 0 : index
    %swap3A_22 = arith.constant 0 : index
    %swap3A_23 = vector.load %arg4[%swap3A_21, %swap3A_22] : memref<5000x128xf32, #tpu.memory_space<vmem>>, vector<5000x128xf32>
    tpu.vector_store %arg4[%swap3A_21, %swap3A_22], %mul3A_20 {strides = array<i32>} : memref<5000x128xf32, #tpu.memory_space<vmem>>, vector<5000x128xf32>,
    return
  }
  func.func @transform_0(%arg0: i32) -> (i32, i32) {
    %c0_i32 = arith.constant 0 : i32
    %c0_i32_0 = arith.constant 0 : i32
    return %arg0, %c0_i32 : i32, i32
  }
  func.func @transform_1(%arg0: i32) -> (i32, i32) {
    %c0_i32 = arith.constant 0 : i32
    %c0_i32_0 = arith.constant 0 : i32
    %c0_i32_1 = arith.constant 0 : i32
    return %c0_i32, %c0_i32_0 : i32, i32
  }
  func.func @transform_2(%arg0: i32) -> (i32, i32) {
    %c0_i32 = arith.constant 0 : i32
    %c0_i32_0 = arith.constant 0 : i32
    return %arg0, %c0_i32 : i32, i32
  }
  func.func @transform_3(%arg0: i32) -> (i32, i32) {
    %c0_i32 = arith.constant 0 : i32
    %c0_i32_0 = arith.constant 0 : i32
    return %arg0, %c0_i32 : i32, i32
  }
  func.func @transform_4(%arg0: i32) -> (i32, i32) {
    %c0_i32 = arith.constant 0 : i32
    %c0_i32_0 = arith.constant 0 : i32
    return %arg0, %c0_i32 : i32, i32
  }
}

module attributes {stable_mosaic.version = 14 : i64} {
  func.func @_tc2_body(%arg0: i32, %arg1: memref<2x5000x128xf32, #tpu.memory_space<vmem>>, %arg2: memref<5000x1xf32, #tpu.memory_space<vmem>>, %arg3: memref<5000x128xf32, #tpu.memory_space<vmem>>, %arg4: memref<1x128xf32, #tpu.memory_space<vmem>>, %arg5: memref<128x64xf32, #tpu.memory_space<vmem>>, %arg6: memref<5000x128xf32, #tpu.memory_space<vmem>>) attributes {dimension_semantics = [#tpu.dimension_semantics<arbitrary>], iteration_bounds = array<i64: 2>, scalar_prefetch = 0 : i64, scratch_operands = 0 : i64, tpu.core_type = #tpu.core_type<tc>, window_params = [{transform_indices = @transform_0, window_bounds = array<i64: 2, 5000, 128>}, {transform_indices = @transform_1, window_bounds = array<i64: 5000, 1>}, {transform_indices = @transform_2, window_bounds = array<i64: 5000, 128>}, {pipeline_mode = #tpu.pipeline_mode<synchronous>, transform_indices = @transform_3, window_bounds = array<i64: 1, 128>}, {pipeline_mode = #tpu.pipeline_mode<synchronous>, transform_indices = @transform_4, window_bounds = array<i64: 128, 64>}, {transform_indices = @transform_5, window_bounds = array<i64: 5000, 128>}]} {
    %get3A = arith.constant 0 : index
    %get3A_0 = arith.constant 0 : index
    %get3A_1 = vector.load %arg2[%get3A, %get3A_0] : memref<5000x1xf32, #tpu.memory_space<vmem>>, vector<5000x1xf32>
    %get3A_2 = arith.constant 0 : index
    %get3A_3 = arith.constant 0 : index
    %get3A_4 = arith.constant 0 : index
    %get3A_5 = vector.load %arg1[%get3A_2, %get3A_3, %get3A_4] : memref<2x5000x128xf32, #tpu.memory_space<vmem>>, vector<1x5000x128xf32>
    %get3A_6 = vector.shape_cast %get3A_5 : vector<1x5000x128xf32> to vector<5000x128xf32>
    %get3A_7 = arith.constant 1 : index
    %get3A_8 = arith.constant 0 : index
    %get3A_9 = arith.constant 0 : index
    %get3A_10 = vector.load %arg1[%get3A_7, %get3A_8, %get3A_9] : memref<2x5000x128xf32, #tpu.memory_space<vmem>>, vector<1x5000x128xf32>
    %get3A_11 = vector.shape_cast %get3A_10 : vector<1x5000x128xf32> to vector<5000x128xf32>
    %add3A = arith.addf %get3A_6, %get3A_11 : vector<5000x128xf32>
    %get3A_12 = arith.constant 0 : index
    %get3A_13 = arith.constant 0 : index
    %get3A_14 = vector.load %arg3[%get3A_12, %get3A_13] : memref<5000x128xf32, #tpu.memory_space<vmem>>, vector<5000x128xf32>
    %add3A_15 = arith.addf %add3A, %get3A_14 : vector<5000x128xf32>
    %mul3A = vector.broadcast %get3A_1 : vector<5000x1xf32> to vector<5000x128xf32>
    %mul3A_16 = arith.mulf %add3A_15, %mul3A : vector<5000x128xf32>
    %get3A_17 = arith.constant 0 : index
    %get3A_18 = arith.constant 0 : index
    %get3A_19 = vector.load %arg4[%get3A_17, %get3A_18] : memref<1x128xf32, #tpu.memory_space<vmem>>, vector<1x128xf32>
    %add3A_20 = vector.broadcast %get3A_19 : vector<1x128xf32> to vector<5000x128xf32>
    %add3A_21 = arith.addf %mul3A_16, %add3A_20 : vector<5000x128xf32>
    %max3A = arith.constant 0.000000e+00 : f32
    %max3A_22 = vector.broadcast %max3A : f32 to vector<5000x128xf32>
    %max3A_23 = arith.maximumf %add3A_21, %max3A_22 : vector<5000x128xf32>
    %get3A_24 = arith.constant 0 : index
    %get3A_25 = arith.constant 0 : index
    %get3A_26 = vector.load %arg5[%get3A_24, %get3A_25] : memref<128x64xf32, #tpu.memory_space<vmem>>, vector<128x64xf32>
    %dot_general3A = arith.constant dense<0.000000e+00> : vector<5000x64xf32>
    %dot_general3A_27 = tpu.matmul %max3A_23, %get3A_26, %dot_general3A {dimension_numbers = #tpu.dot_dimension_numbers<[1], [0], [0], [1], [0, 0, 1, 1], [], []>, transpose_lhs_hint = false} : vector<5000x128xf32>, vector<128x64xf32>, vector<5000x64xf32> -> vector<5000x64xf32>
    %mul3A_28 = vector.broadcast %get3A_1 : vector<5000x1xf32> to vector<5000x64xf32>
    %mul3A_29 = arith.mulf %dot_general3A_27, %mul3A_28 : vector<5000x64xf32>
    %broadcast_in_dim3A = arith.constant 0.000000e+00 : f32
    %broadcast_in_dim3A_30 = vector.broadcast %broadcast_in_dim3A : f32 to vector<5000x64xf32>
    %concatenate3A = tpu.concatenate %mul3A_29, %broadcast_in_dim3A_30 in 1 : vector<5000x64xf32>, vector<5000x64xf32> -> vector<5000x128xf32>
    %swap3A = arith.constant 0 : index
    %swap3A_31 = arith.constant 0 : index
    %swap3A_32 = vector.load %arg6[%swap3A, %swap3A_31] : memref<5000x128xf32, #tpu.memory_space<vmem>>, vector<5000x128xf32>
    tpu.vector_store %arg6[%swap3A, %swap3A_31], %concatenate3A {strides = array<i32>} : memref<5000x128xf32, #tpu.memory_space<vmem>>, vector<5000x128xf32>,
    return
  }
  func.func @transform_0(%arg0: i32) -> (i32, i32, i32) {
    %c0_i32 = arith.constant 0 : i32
    %c0_i32_0 = arith.constant 0 : i32
    %c0_i32_1 = arith.constant 0 : i32
    return %c0_i32, %arg0, %c0_i32_0 : i32, i32, i32
  }
  func.func @transform_1(%arg0: i32) -> (i32, i32) {
    %c0_i32 = arith.constant 0 : i32
    %c0_i32_0 = arith.constant 0 : i32
    return %arg0, %c0_i32 : i32, i32
  }
  func.func @transform_2(%arg0: i32) -> (i32, i32) {
    %c0_i32 = arith.constant 0 : i32
    %c0_i32_0 = arith.constant 0 : i32
    return %arg0, %c0_i32 : i32, i32
  }
  func.func @transform_3(%arg0: i32) -> (i32, i32) {
    %c0_i32 = arith.constant 0 : i32
    %c0_i32_0 = arith.constant 0 : i32
    %c0_i32_1 = arith.constant 0 : i32
    return %c0_i32, %c0_i32_0 : i32, i32
  }
  func.func @transform_4(%arg0: i32) -> (i32, i32) {
    %c0_i32 = arith.constant 0 : i32
    %c0_i32_0 = arith.constant 0 : i32
    %c0_i32_1 = arith.constant 0 : i32
    return %c0_i32, %c0_i32_0 : i32, i32
  }
  func.func @transform_5(%arg0: i32) -> (i32, i32) {
    %c0_i32 = arith.constant 0 : i32
    %c0_i32_0 = arith.constant 0 : i32
    return %arg0, %c0_i32 : i32, i32
  }
}

module attributes {stable_mosaic.version = 14 : i64} {
  func.func @_tc3_body(%arg0: i32, %arg1: memref<2x5000x128xf32, #tpu.memory_space<vmem>>, %arg2: memref<5000x1xf32, #tpu.memory_space<vmem>>, %arg3: memref<5000x128xf32, #tpu.memory_space<vmem>>, %arg4: memref<1x64xf32, #tpu.memory_space<vmem>>, %arg5: memref<64x10xf32, #tpu.memory_space<vmem>>, %arg6: memref<1x10xf32, #tpu.memory_space<vmem>>, %arg7: memref<5000x10xf32, #tpu.memory_space<vmem>>) attributes {dimension_semantics = [#tpu.dimension_semantics<arbitrary>], iteration_bounds = array<i64: 2>, scalar_prefetch = 0 : i64, scratch_operands = 0 : i64, tpu.core_type = #tpu.core_type<tc>, window_params = [{transform_indices = @transform_0, window_bounds = array<i64: 2, 5000, 128>}, {transform_indices = @transform_1, window_bounds = array<i64: 5000, 1>}, {transform_indices = @transform_2, window_bounds = array<i64: 5000, 128>}, {pipeline_mode = #tpu.pipeline_mode<synchronous>, transform_indices = @transform_3, window_bounds = array<i64: 1, 64>}, {pipeline_mode = #tpu.pipeline_mode<synchronous>, transform_indices = @transform_4, window_bounds = array<i64: 64, 10>}, {pipeline_mode = #tpu.pipeline_mode<synchronous>, transform_indices = @transform_5, window_bounds = array<i64: 1, 10>}, {transform_indices = @transform_6, window_bounds = array<i64: 5000, 10>}]} {
    %get3A = arith.constant 0 : index
    %get3A_0 = arith.constant 0 : index
    %get3A_1 = arith.constant 0 : index
    %get3A_2 = vector.load %arg1[%get3A, %get3A_0, %get3A_1] : memref<2x5000x128xf32, #tpu.memory_space<vmem>>, vector<1x5000x128xf32>
    %get3A_3 = vector.shape_cast %get3A_2 : vector<1x5000x128xf32> to vector<5000x128xf32>
    %get3A_4 = arith.constant 1 : index
    %get3A_5 = arith.constant 0 : index
    %get3A_6 = arith.constant 0 : index
    %get3A_7 = vector.load %arg1[%get3A_4, %get3A_5, %get3A_6] : memref<2x5000x128xf32, #tpu.memory_space<vmem>>, vector<1x5000x128xf32>
    %get3A_8 = vector.shape_cast %get3A_7 : vector<1x5000x128xf32> to vector<5000x128xf32>
    %add3A = arith.addf %get3A_3, %get3A_8 : vector<5000x128xf32>
    %get3A_9 = arith.constant 0 : index
    %get3A_10 = arith.constant 0 : index
    %get3A_11 = vector.load %arg3[%get3A_9, %get3A_10] : memref<5000x128xf32, #tpu.memory_space<vmem>>, vector<5000x128xf32>
    %add3A_12 = arith.addf %add3A, %get3A_11 : vector<5000x128xf32>
    %slice3A = vector.extract_strided_slice %add3A_12 {offsets = [0, 0], sizes = [5000, 64], strides = [1, 1]} : vector<5000x128xf32> to vector<5000x64xf32>
    %get3A_13 = arith.constant 0 : index
    %get3A_14 = arith.constant 0 : index
    %get3A_15 = vector.load %arg2[%get3A_13, %get3A_14] : memref<5000x1xf32, #tpu.memory_space<vmem>>, vector<5000x1xf32>
    %mul3A = vector.broadcast %get3A_15 : vector<5000x1xf32> to vector<5000x64xf32>
    %mul3A_16 = arith.mulf %slice3A, %mul3A : vector<5000x64xf32>
    %get3A_17 = arith.constant 0 : index
    %get3A_18 = arith.constant 0 : index
    %get3A_19 = vector.load %arg4[%get3A_17, %get3A_18] : memref<1x64xf32, #tpu.memory_space<vmem>>, vector<1x64xf32>
    %add3A_20 = vector.broadcast %get3A_19 : vector<1x64xf32> to vector<5000x64xf32>
    %add3A_21 = arith.addf %mul3A_16, %add3A_20 : vector<5000x64xf32>
    %max3A = arith.constant 0.000000e+00 : f32
    %max3A_22 = vector.broadcast %max3A : f32 to vector<5000x64xf32>
    %max3A_23 = arith.maximumf %add3A_21, %max3A_22 : vector<5000x64xf32>
    %get3A_24 = arith.constant 0 : index
    %get3A_25 = arith.constant 0 : index
    %get3A_26 = vector.load %arg5[%get3A_24, %get3A_25] : memref<64x10xf32, #tpu.memory_space<vmem>>, vector<64x10xf32>
    %dot_general3A = arith.constant dense<0.000000e+00> : vector<5000x10xf32>
    %dot_general3A_27 = tpu.matmul %max3A_23, %get3A_26, %dot_general3A {dimension_numbers = #tpu.dot_dimension_numbers<[1], [0], [0], [1], [0, 0, 1, 1], [], []>, transpose_lhs_hint = false} : vector<5000x64xf32>, vector<64x10xf32>, vector<5000x10xf32> -> vector<5000x10xf32>
    %get3A_28 = arith.constant 0 : index
    %get3A_29 = arith.constant 0 : index
    %get3A_30 = vector.load %arg6[%get3A_28, %get3A_29] : memref<1x10xf32, #tpu.memory_space<vmem>>, vector<1x10xf32>
    %add3A_31 = vector.broadcast %get3A_30 : vector<1x10xf32> to vector<5000x10xf32>
    %add3A_32 = arith.addf %dot_general3A_27, %add3A_31 : vector<5000x10xf32>
    %swap3A = arith.constant 0 : index
    %swap3A_33 = arith.constant 0 : index
    %swap3A_34 = vector.load %arg7[%swap3A, %swap3A_33] : memref<5000x10xf32, #tpu.memory_space<vmem>>, vector<5000x10xf32>
    tpu.vector_store %arg7[%swap3A, %swap3A_33], %add3A_32 {strides = array<i32>} : memref<5000x10xf32, #tpu.memory_space<vmem>>, vector<5000x10xf32>,
    return
  }
  func.func @transform_0(%arg0: i32) -> (i32, i32, i32) {
    %c0_i32 = arith.constant 0 : i32
    %c0_i32_0 = arith.constant 0 : i32
    %c0_i32_1 = arith.constant 0 : i32
    return %c0_i32, %arg0, %c0_i32_0 : i32, i32, i32
  }
  func.func @transform_1(%arg0: i32) -> (i32, i32) {
    %c0_i32 = arith.constant 0 : i32
    %c0_i32_0 = arith.constant 0 : i32
    return %arg0, %c0_i32 : i32, i32
  }
  func.func @transform_2(%arg0: i32) -> (i32, i32) {
    %c0_i32 = arith.constant 0 : i32
    %c0_i32_0 = arith.constant 0 : i32
    return %arg0, %c0_i32 : i32, i32
  }
  func.func @transform_3(%arg0: i32) -> (i32, i32) {
    %c0_i32 = arith.constant 0 : i32
    %c0_i32_0 = arith.constant 0 : i32
    %c0_i32_1 = arith.constant 0 : i32
    return %c0_i32, %c0_i32_0 : i32, i32
  }
  func.func @transform_4(%arg0: i32) -> (i32, i32) {
    %c0_i32 = arith.constant 0 : i32
    %c0_i32_0 = arith.constant 0 : i32
    %c0_i32_1 = arith.constant 0 : i32
    return %c0_i32, %c0_i32_0 : i32, i32
  }
  func.func @transform_5(%arg0: i32) -> (i32, i32) {
    %c0_i32 = arith.constant 0 : i32
    %c0_i32_0 = arith.constant 0 : i32
    %c0_i32_1 = arith.constant 0 : i32
    return %c0_i32, %c0_i32_0 : i32, i32
  }
  func.func @transform_6(%arg0: i32) -> (i32, i32) {
    %c0_i32 = arith.constant 0 : i32
    %c0_i32_0 = arith.constant 0 : i32
    return %arg0, %c0_i32 : i32, i32
  }
}

</mosaic_0001>

<sc_bundles>
// kernel: kernel.11.cloned.1.call-start
scs
__scs_entry_jumppad:
0x0: {  	(pc) =	sbr.rel $0x88, $3  }
0x1: {  	(tag) =	ssettag $0x0;
	lr =	simm.s32 $0x1  }
0x2: {  	[smem:$0x3F99] =	sst lr;
	_ =	strace $0xD0000000  }
0x3: {  	_ = 	snop  }
0x4: {  	_ = 	snop  }
0x5: {  	_ = 	snop  }
0x6: {  	_ = 	snop  }
0x7: {  	_ = 	snop  }
__scs_overlays_trampoline_lowered:
0x8: {  	[smem:$0x3FA8] =	sst s0  }
0x9: {  	[smem:$0x3FA9] =	sst s1  }
0xa: {  	[smem:$0x3FAA] =	sst s2  }
0xb: {  	[smem:$0x3FAB] =	sst s3  }
0xc: {  	[smem:$0x3FAC] =	sst s4  }
0xd: {  	[smem:$0x3FAD] =	sst s5  }
0xe: {  	[smem:$0x3FAE] =	sst s6  }
0xf: {  	[smem:$0x3FAF] =	sst s7  }
0x10: {  	[smem:$0x3FB0] =	sst s8  }
0x11: {  	[smem:$0x3FB1] =	sst s9;
	s0 =	simm.s32 @!p0 $0x0  }
0x12: {  	s1 =	sld [smem:$0x3F97];
	s0 =	simm.s32 @p0 $0x1  }
0x13: {  	[smem:$0x3FB2] =	sst s0;
	s0 =	simm.s32 @!p1 $0x0  }
0x14: {  	s2 =	sld [smem:$0x3F96];
	s0 =	simm.s32 @p1 $0x1  }
0x15: {  	[smem:$0x3FB3] =	sst s0;
	s0 =	simm.s32 @!p2 $0x0  }
0x16: {  	s3 =	sld [smem:$0x3FDB];
	s0 =	simm.s32 @p2 $0x1  }
0x17: {  	s4 =	simm.s32 $0x1BF5;
	[smem:$0x3FB5] =	sst s0  }
0x18: {  	s0 =	sld [smem:$0x3F98];
	_ =	swait.ge [sflag:s4], $0x0  }
0x19: {  	s7 =	sld [smem:$0x3F99]  }
0x1a: {  	s8 =	sadd.s32 $0xFFFFE003, lr  }
0x1b: {  	s9 =	sadd.s32 $0xFFFFFEF7, lr;
	s5 =	simm.s32 $0xFFFFFFFF;
	p2 =	slt.u32 s8, $0xFFFFF086  }
0x1c: {  	p1 =	slt.u32 s9, $0xF7A;
	s5 =	simm.s32 @!p2 $0x0  }
0x1d: {  	s5 =	simm.s32 @p1 $0x1;
	p0 =	seq.s32 s7, s2  }
0x1e: {  	s7 =	smul.u32 @!p0 $0xF7A, s2;
	p2 =	seq.s32 @!p0 s5, $0x0  }
0x1f: {  	s9 =	smul.u32 $0xF7A, s1;
	s8 =	simm.s32 @!p0 $0x1BF5;
	p2 =	por !p2, p0  }
0x20: {  	[sflag:s8] =	ssyncset.s32 @!p0 $0xFFFFF086;
	s6 =	sadd.s32 @!p0 s3, s7;
	s7 =	simm.s32 @!p0 $0x108  }
0x21: {  	s3 =	sadd.s32 s3, s9;
	s6 =	sadd.s32 @!p0 $0x88, s6;
	s7 =	simm.s32 @p2 $0x1082  }
0x22: {  	[simem:s7], [sflag:s8] =	dma.local @!p0 [hbm:s6], $0xF7A  }
0x23: {  	s9 =	sor.u32 $0xD0000000, s2;
	s6 =	simm.s32 $0x108;
	_ =	swait.ge @!p0 [sflag:s8], $0x0  }
0x24: {  	s3 =	sadd.s32 $0x88, s3;
	s6 =	simm.s32 @!p1 $0x1082;
	[sflag:s4] =	ssyncset.s32 $0xFFFFF086  }
0x25: {  	[simem:s6], [sflag:s4] =	dma.local [hbm:s3], $0xF7A  }
0x26: {  	[smem:$0x3F99] =	sst s1;
	(tag) =	ssettag s2;
	_ =	strace s9  }
0x27: {  	s1 =	sld [smem:$0x3FA9]  }
0x28: {  	s2 =	sld [smem:$0x3FAA]  }
0x29: {  	s4 =	sld [smem:$0x3FAC]  }
0x2a: {  	p0 =	seq.s32 s5, $0x0;
	s5 =	sld [smem:$0x3FAD]  }
0x2b: {  	s6 =	sld [smem:$0x3FAE]  }
0x2c: {  	s7 =	sld [smem:$0x3FAF]  }
0x2d: {  	s3 =	simm.s32 $0x108;
	s8 =	sld [smem:$0x3FB0]  }
0x2e: {  	s3 =	simm.s32 @!p0 $0x1082;
	s9 =	sld [smem:$0x3FB1]  }
0x2f: {  	lr =	sadd.s32 s0, s3;
	s0 =	sld [smem:$0x3FA8]  }
0x30: {  	s3 =	sld [smem:$0x3FAB]  }
0x31: {  	[smem:$0x3FB4] =	sst s10  }
0x32: {  	s10 =	sld [smem:$0x3FB2];
	_ =	sdelay $0x3  }
0x33: {  	p0 =	seq.s32 s10, $0x1;
	s10 =	sld [smem:$0x3FB4];
	_ =	sdelay $0x3  }
0x34: {  	[smem:$0x3FB4] =	sst s10  }
0x35: {  	s10 =	sld [smem:$0x3FB3];
	_ =	sdelay $0x3  }
0x36: {  	p1 =	seq.s32 s10, $0x1;
	s10 =	sld [smem:$0x3FB4];
	_ =	sdelay $0x3  }
0x37: {  	[smem:$0x3FB4] =	sst s10  }
0x38: {  	s10 =	sld [smem:$0x3FB5]  }
0x39: {  	_ = 	snop;
	(pc) =	sbr.ind lr, $3  }
0x3a: {  	_ = 	snop  }
0x3b: {  	_ = 	snop  }
0x3c: {  	p2 =	seq.s32 s10, $0x1;
	s10 =	sld [smem:$0x3FB4]  }
0x3d: {  	_ =	shalt  }
0x3e: {  	_ =	shalt  }
0x3f: {  	_ =	shalt  }
0x40: {  	_ =	shalt  }
0x41: {  	_ =	shalt  }
0x42: {  	_ =	shalt  }
0x43: {  	_ =	shalt  }
0x44: {  	_ =	shalt  }
0x45: {  	_ =	shalt  }
0x46: {  	_ =	shalt  }
0x47: {  	_ =	shalt  }
0x48: {  	_ =	shalt  }
0x49: {  	_ =	shalt  }
0x4a: {  	_ =	shalt  }
0x4b: {  	_ =	shalt  }
0x4c: {  	_ =	shalt  }
0x4d: {  	_ =	shalt  }
0x4e: {  	_ =	shalt  }
0x4f: {  	_ =	shalt  }
0x50: {  	_ =	shalt  }
0x51: {  	_ =	shalt  }
0x52: {  	_ =	shalt  }
0x53: {  	_ =	shalt  }
0x54: {  	_ =	shalt  }
0x55: {  	_ =	shalt  }
0x56: {  	_ =	shalt  }
0x57: {  	_ =	shalt  }
0x58: {  	_ =	shalt  }
0x59: {  	_ =	shalt  }
0x5a: {  	_ =	shalt  }
0x5b: {  	_ =	shalt  }
0x5c: {  	_ =	shalt  }
0x5d: {  	_ =	shalt  }
0x5e: {  	_ =	shalt  }
0x5f: {  	_ =	shalt  }
0x60: {  	_ =	shalt  }
0x61: {  	_ =	shalt  }
0x62: {  	_ =	shalt  }
0x63: {  	_ =	shalt  }
0x64: {  	_ =	shalt  }
0x65: {  	_ =	shalt  }
0x66: {  	_ =	shalt  }
0x67: {  	_ =	shalt  }
0x68: {  	_ =	shalt  }
0x69: {  	_ =	shalt  }
0x6a: {  	_ =	shalt  }
0x6b: {  	_ =	shalt  }
0x6c: {  	_ =	shalt  }
0x6d: {  	_ =	shalt  }
0x6e: {  	_ =	shalt  }
0x6f: {  	_ =	shalt  }
0x70: {  	_ =	shalt  }
0x71: {  	_ =	shalt  }
0x72: {  	_ =	shalt  }
0x73: {  	_ =	shalt  }
0x74: {  	_ =	shalt  }
0x75: {  	_ =	shalt  }
0x76: {  	_ =	shalt  }
0x77: {  	_ =	shalt  }
0x78: {  	_ =	shalt  }
0x79: {  	_ =	shalt  }
0x7a: {  	_ =	shalt  }
0x7b: {  	_ =	shalt  }
0x7c: {  	_ =	shalt  }
0x7d: {  	_ =	shalt  }
0x7e: {  	_ =	shalt  }
0x7f: {  	_ =	shalt  }
0x80: {  	_ =	shalt  }
0x81: {  	_ =	shalt  }
0x82: {  	_ =	shalt  }
0x83: {  	_ =	shalt  }
0x84: {  	_ =	shalt  }
0x85: {  	_ =	shalt  }
0x86: {  	_ =	shalt  }
0x87: {  	_ =	shalt  }
.Lfunc_end0:
.L_simem_size_0:
called_computation.1_lowered:
.L_overlay_start_0:
0x88: {  	s2 =	sld [smem:$0x3FD9]  }
0x89: {  	s3 =	sld [smem:$0x3FFE];
	_ =	sdelay $0x1  }
0x8a: {  	s1 =	srdreg.scid  }
0x8b: {  	s0 =	sand.u32 $0x1, s1  }
0x8c: {  	s16 =	sshll.u32 s0, $0xA;
	s2 =	sadd.s32 s3, s2  }
0x8d: {  	s2 =	sadd.s32 s2, s16  }
0x8e: {  	[smem:$0x3FC0] =	sst s2  }
0x8f: {  	_ = 	snop  }
0x90: {  	(tm) =	ssettm $0x1  }
0x91: {  	s17 =	sld [smem:$0x3FFB];
	_ =	sdelay $0x3  }
0x92: {  	_ =	strace s17  }
0x93: {  	s2 =	sld [smem:$0x3FFC];
	_ =	sdelay $0x3  }
0x94: {  	_ =	strace s2  }
0x95: {  	s2 =	sld [smem:$0x3FFD];
	_ =	sdelay $0x3  }
0x96: {  	_ =	strace s2  }
0x97: {  	_ =	strace $0x8FFFFFFF  }
0x98: {  	s18 =	sld [smem:$0x3FDB];
	_ =	sdelay $0x1  }
0x99: {  	s19 =	simm.s32 $_scs_section_size  }
0x9a: {  	s4 =	simm.s32 $_size__tile_overlayer_lowered;
	s5 =	simm.s32 $_tile_overlayer_lowered  }
0x9b: {  	s22 =	simm.s32 $0x1BFF;
	s21 =	sshll.u32 s5, $0x1;
	s2 =	sadd.s32 s19, s18  }
0x9c: {  	s6 =	simm.s32 $0x0;
	s20 =	sshll.u32 s4, $0x1;
	s4 =	sadd.s32 s21, s2  }
0x9d: {  	[timem:s6], [sflag:s22] =	dma.local [hbm:s4], s20  }
0x9e: {  	_ =	swait.ge [sflag:s22], s20  }
0x9f: {  	s3 =	ssub.s32 $0x0, s20;
	[sflag:s22] =	ssyncset.done $0x0  }
0xa0: {  	[sflag:s22] =	ssyncadd.s32 s3;
	_ =	sdelay $0x1  }
0xa1: {  	s23 =	simm.s32 $0x1B8B  }
0xa2: {  	_ =	swait.ge [sflag:s23], $0x1  }
0xa3: {  	[sflag:s23] =	ssyncset.done $0x0  }
0xa4: {  	s25 =	simm.s32 $0x1B8E;
	s24 =	sld [smem:$0x3FFE];
	[sflag:s23] =	ssyncadd.s32 $0xFFFFFFFF  }
0xa5: {  	s26 =	simm.s32 $execute0_lowered;
	[smem:$0x3FD2] =	sst s25  }
0xa6: {  	s4 =	sshll.u32 s26, $0x1;
	_ =	strace $0x80000049;
	[dreg:$0x1] =	wrdreg $0xFFFFFFFF  }
0xa7: {  	s28 =	simm.s32 $_size_execute0_lowered;
	s2 =	sadd.s32 s2, s4;
	[dreg:$0x0] =	wrdreg $0x0  }
0xa8: {  	s4 =	sshll.u32 s28, $0x1;
	[dreg:$0x2] =	wrdreg s2  }
0xa9: {  	[dreg:$0x3] =	wrdreg s4  }
0xaa: {  	[dreg:$0x4] =	wrdreg $0xC0  }
0xab: {  	_ =	task [dreg:s6], $0x5FFFF  }
0xac: {  	[dreg:$0x1] =	wrdreg $0xFFFFFFFF  }
0xad: {  	[dreg:$0x0] =	wrdreg $0x60  }
0xae: {  	[dreg:$0x2] =	wrdreg s24  }
0xaf: {  	[dreg:$0x3] =	wrdreg $0xB7800  }
0xb0: {  	[dreg:$0x4] =	wrdreg $0x9  }
0xb1: {  	_ =	task.clear_ibuf [dreg:s6], $0x5FFFF;
	_ =	strace $0x90000049  }
0xb2: {  	s29 =	simm.s32 $0x9;
	_ =	strace $0x8000004B  }
0xb3: {  	_ =	swait.ge [sflag:s29], $0x1  }
0xb4: {  	[sflag:s29] =	ssyncadd.s32 $0xFFFFFFFF  }
0xb5: {  	_ =	strace $0x9000004B  }
0xb6: {  	_ =	sfence  }
0xb7: {  	s30 =	sld [smem:$0x0];
	_ =	sdelay $0x2  }
0xb8: {  	s31 =	sshll.u32 s1, $0xD;
	s1 =	sshrl.u32 s1, $0x2  }
0xb9: {  	s3 =	sand.u32 $0x4000, s31;
	s1 =	sadd.s32 s1, s30  }
0xba: {  	s0 =	sor.u32 s3, s0;
	s1 =	sshll.u32 s1, $0x11  }
0xbb: {  	s0 =	sor.u32 s1, s0  }
0xbc: {  	s0 =	sadd.s32 $0x8F2B, s0  }
0xbd: {  	[sflag:s0] =	ssyncadd.remote.s32 $0x1  }
0xbe: {  	_ =	sfence.sel $0xFFFF  }
0xbf: {  	[dreg:$0x0] =	wrdreg $0xFFFFFFFF;
	(pc) =	sbr.abs _section_cstart, $3  }
0xc0: {  	[dreg:$0x1] =	wrdreg $0xFFFFFFFF  }
0xc1: {  	_ =	task.clear_ibuf [dreg:s6], $0x2FFFF;
	_ =	strace $0x9FFFFFFF  }
0xc2: {  	(tm) =	ssettm $0x7FFFFFFF  }
0xc3: {  	_ =	shalt  }
tec
execute0_lowered:
.L_overlay_start_1:
0x0: {  	(tag) =	ssettag $0x1  }
0x1: {  	s0 =	rddreg [dreg:$0x0];
	s1 =	srdreg.scid  }
0x2: {  	s18 =	stileid.u32;
	s2 =	rddreg [dreg:$0x1]  }
0x3: {  	s3 =	simm.s32 $0x0;
	s19 =	simm.s32 $0x5;
	s20 =	simm.s32 $0x2780  }
0x4: {  	s21 =	simm.s32 $0x50;
	s22 =	simm.s32 $0x1;
	s23 =	simm.s32 $0x8F80  }
0x5: {  	s24 =	simm.s32 $0x2;
	s29 =	simm.s32 $0x4;
	s30 =	simm.s32 $0x6580  }
0x6: {  	s31 =	simm.s32 $0x0;
	s1 =	sand.u32 $0x1, s1;
	s7 =	smul.u32 $0x50000, s18  }
0x7: {  	s4 =	sshll.u32 s18, $0x1;
	[smem:$0x7FF] =	sst s3;
	s15 =	smul.u32 $0x14000, s18  }
0x8: {  	p0 =	seq.s32 s18, $0xF;
	s18 =	simm.s32 $0x6780;
	s5 =	sor.u32 s1, s4  }
0x9: {  	_ =	strace $0x8000004A;
	s25 =	ssub.s32 $0x2, s1;
	s1 =	smul.u32 $0x138800, s1  }
0xa: {  	s4 =	sadd.s32 $0x1C600, s0;
	s6 =	smul.u32 $0x4E2, s5;
	s5 =	sshll.u32 s5, $0xB  }
0xb: {  	s26 =	sshrl.u32 s7, $0x2;
	s28 =	sshrl.u32 s25, $0x1;
	s14 =	sadd.s32 s5, s0  }
0xc: {  	s5 =	sadd.s32 s26, s2;
	s17 =	ssub.s32 s25, s28;
	s15 =	sadd.s32 s15, s1  }
0xd: {  	s1 =	sshrl.u32 s1, $0x3;
	s25 =	simm.s32 $0x3;
	s13 =	sadd.s32 s6, s0  }
0xe: {  	s0 =	sadd.s32 $0x43800, s0;
	s6 =	sadd.s32 $0x2800, s5;
	s7 =	sadd.s32 $0x5000, s5  }
0xf: {  	s8 =	sadd.s32 $0x7800, s5;
	s9 =	sadd.s32 $0xA000, s5;
	s10 =	sadd.s32 $0xC800, s5  }
0x10: {  	s11 =	sadd.s32 $0xF000, s5;
	s12 =	sadd.s32 $0x11800, s5;
	s15 =	sshrl.u32 s15, $0x3  }
0x11: {  	s14 =	sadd.s32 $0xC600, s14;
	s17 =	smax.u32 s17, $0x1;
	s1 =	sadd.s32 s0, s1  }
0x12: {  	v0 =	vimm.f32 $0.0e+00;
	s13 =	sadd.s32 $0x2800, s13;
	s15 =	sadd.s32 s0, s15;
	s16 =	sadd.s32 $0x25800, s1  }
.LBB2_1:
0x13: {  	s0 =	simm.s32 $0x0;
	s1 =	simm.s32 $0x200  }
.LBB2_2:
0x14: {  	p1 =	sne.s32 s1, $0x9E00;
	[tilespmem:s0+$0x67F0] =	vst v0  }
0x15: {  	[tilespmem:s0+$0x6780] =	vst v0  }
0x16: {  	[tilespmem:s0+$0x6790] =	vst v0  }
.Ltmp0:
0x17: {  	[tilespmem:s0+$0x67A0] =	vst v0;
	(pc) =	sbr.rel @p1 .LBB2_2-.Ltmp0, $4  }
0x18: {  	[tilespmem:s0+$0x67B0] =	vst v0  }
0x19: {  	[tilespmem:s0+$0x67C0] =	vst v0  }
0x1a: {  	[tilespmem:s0+$0x67D0] =	vst v0  }
0x1b: {  	[tilespmem:s0+$0x67E0] =	vst v0;
	s0 =	sshra.s32 s1, $0x2;
	s1 =	sadd.s32 $0x200, s1  }
0x1c: {  	[tilespmem:s0+$0x67F0] =	vst v0  }
0x1d: {  	[tilespmem:s0+$0x6780] =	vst v0  }
0x1e: {  	[tilespmem:s0+$0x6790] =	vst v0  }
0x1f: {  	[tilespmem:s0+$0x67A0] =	vst v0  }
0x20: {  	[tilespmem:s0+$0x67B0] =	vst v0  }
0x21: {  	[tilespmem:s0+$0x67C0] =	vst v0  }
0x22: {  	[tilespmem:s0+$0x67D0] =	vst v0  }
0x23: {  	[tilespmem:s0+$0x67E0] =	vst v0  }
0x24: {  	[spmem:s5] =	stream.linear.scatter [tilespmem:s18], [sflag:$0x5], $0x2800, $0x38;
	[tilespmem:$0x1F000] =	vst v63  }
0x25: {  	_ =	swait.ge [sflag:s19], $0x2800  }
0x26: {  	[sflag:s19] =	ssyncset.done $0x0  }
0x27: {  	[sflag:s19] =	ssyncadd.s32 $0xFFFFD800  }
0x28: {  	[spmem:s6] =	stream.linear.scatter [tilespmem:s18], [sflag:$0x5], $0x2800, $0x38;
	[tilespmem:$0x1F000] =	vst v63  }
0x29: {  	_ =	swait.ge [sflag:s19], $0x2800  }
0x2a: {  	[sflag:s19] =	ssyncset.done $0x0  }
0x2b: {  	[sflag:s19] =	ssyncadd.s32 $0xFFFFD800  }
0x2c: {  	[spmem:s7] =	stream.linear.scatter [tilespmem:s18], [sflag:$0x5], $0x2800, $0x38;
	[tilespmem:$0x1F000] =	vst v63  }
0x2d: {  	_ =	swait.ge [sflag:s19], $0x2800  }
0x2e: {  	[sflag:s19] =	ssyncset.done $0x0  }
0x2f: {  	[sflag:s19] =	ssyncadd.s32 $0xFFFFD800  }
0x30: {  	[spmem:s8] =	stream.linear.scatter [tilespmem:s18], [sflag:$0x5], $0x2800, $0x38;
	[tilespmem:$0x1F000] =	vst v63  }
0x31: {  	_ =	swait.ge [sflag:s19], $0x2800  }
0x32: {  	[sflag:s19] =	ssyncset.done $0x0  }
0x33: {  	[sflag:s19] =	ssyncadd.s32 $0xFFFFD800  }
0x34: {  	[spmem:s9] =	stream.linear.scatter [tilespmem:s18], [sflag:$0x5], $0x2800, $0x38;
	[tilespmem:$0x1F000] =	vst v63  }
0x35: {  	_ =	swait.ge [sflag:s19], $0x2800  }
0x36: {  	[sflag:s19] =	ssyncset.done $0x0  }
0x37: {  	s0 =	simm.s32 @!p0 $0x6780;
	s1 =	simm.s32 @!p0 $0x5;
	[sflag:s19] =	ssyncadd.s32 $0xFFFFD800  }
0x38: {  	[spmem:s10] =	stream.linear.scatter @!p0 [tilespmem:s0], [sflag:$0x5], $0x2800, $0x38;
	[tilespmem:$0x1F000] =	vst v63  }
0x39: {  	_ =	swait.ge @!p0 [sflag:s1], $0x2800  }
0x3a: {  	[sflag:s1] =	ssyncset.done @!p0 $0x0  }
0x3b: {  	[sflag:s1] =	ssyncadd.s32 @!p0 $0xFFFFD800  }
0x3c: {  	[spmem:s11] =	stream.linear.scatter @!p0 [tilespmem:s0], [sflag:$0x5], $0x2800, $0x38;
	[tilespmem:$0x1F000] =	vst v63  }
0x3d: {  	_ =	swait.ge @!p0 [sflag:s1], $0x2800  }
0x3e: {  	[sflag:s1] =	ssyncset.done @!p0 $0x0  }
0x3f: {  	[sflag:s1] =	ssyncadd.s32 @!p0 $0xFFFFD800  }
0x40: {  	[spmem:s12] =	stream.linear.scatter @!p0 [tilespmem:s0], [sflag:$0x5], $0x2800, $0x38;
	[tilespmem:$0x1F000] =	vst v63  }
0x41: {  	_ =	swait.ge @!p0 [sflag:s1], $0x2800  }
0x42: {  	[sflag:s1] =	ssyncset.done @!p0 $0x0  }
0x43: {  	[sflag:s1] =	ssyncadd.s32 @!p0 $0xFFFFD800  }
0x44: {  	[tilespmem:s3], [sflag:$0x5] =	stream.linear.gather [hbm4b:s13+s3], $0x2710, $0x38;
	[tilespmem:$0x1F000] =	vst v63  }
0x45: {  	_ =	swait.ge [sflag:s19], $0x2710  }
0x46: {  	[sflag:s19] =	ssyncset.done $0x0  }
0x47: {  	[sflag:s19] =	ssyncadd.s32 $0xFFFFD8F0  }
0x48: {  	[tilespmem:s20], [sflag:$0x5] =	stream.linear.gather [hbm4b:s14+s3], $0x3E80, $0x38;
	[tilespmem:$0x1F000] =	vst v63  }
0x49: {  	_ =	swait.ge [sflag:s19], $0x3E80  }
0x4a: {  	[sflag:s19] =	ssyncset.done $0x0  }
0x4b: {  	[sflag:s19] =	ssyncadd.s32 $0xFFFFC180  }
0x4c: {  	[bflag:$0x0] =	sbarrier.arrive $0xFFFF  }
0x4d: {  	[tilespmem:s18], [sflag:$0x1] =	stream.indirect.gather [hbm4b:s4+s21], $0x80, s3, s21, $0xb8;
	[tilespmem:$0x1F000] =	vst v63  }
0x4e: {  	_ =	swait.ge [sflag:s22], $0x2800  }
0x4f: {  	[sflag:s22] =	ssyncset.done $0x0  }
0x50: {  	[sflag:s22] =	ssyncadd.s32 $0xFFFFD800  }
0x51: {  	[tilespmem:s23], [sflag:$0x2] =	stream.indirect.gather [hbm4b:s4+s21], $0x80, s21, s21, $0xb8;
	[tilespmem:$0x1F000] =	vst v63  }
0x52: {  	_ = 	snop  }
0x53: {  	[spmem:s2] =	stream.indirect.scatter.add.f32 [tilespmem:s18], [sflag:$0x3], $0x80, s20, s21, $0xb8;
	[tilespmem:$0x1F000] =	vst v63  }
0x54: {  	_ =	swait.ge [sflag:s24], $0x2800  }
0x55: {  	[sflag:s24] =	ssyncset.done $0x0  }
0x56: {  	[sflag:s24] =	ssyncadd.s32 $0xFFFFD800  }
0x57: {  	_ =	swait.ge [sflag:s25], $0x2800  }
0x58: {  	[sflag:s25] =	ssyncset.done $0x0  }
0x59: {  	s26 =	simm.s32 $0xA0;
	[sflag:s25] =	ssyncadd.s32 $0xFFFFD800  }
0x5a: {  	[tilespmem:s18], [sflag:$0x1] =	stream.indirect.gather [hbm4b:s4+s21], $0x80, s26, s21, $0xb8;
	[tilespmem:$0x1F000] =	vst v63  }
0x5b: {  	s28 =	simm.s32 $0x2800  }
0x5c: {  	[spmem:s2] =	stream.indirect.scatter.add.f32 [tilespmem:s23], [sflag:$0x4], $0x80, s28, s21, $0xb8;
	[tilespmem:$0x1F000] =	vst v63  }
0x5d: {  	_ =	swait.ge [sflag:s22], $0x2800  }
0x5e: {  	[sflag:s22] =	ssyncset.done $0x0  }
0x5f: {  	[sflag:s22] =	ssyncadd.s32 $0xFFFFD800  }
0x60: {  	_ =	swait.ge [sflag:s29], $0x2800  }
0x61: {  	[sflag:s29] =	ssyncset.done $0x0  }
0x62: {  	s1 =	simm.s32 $0xF0;
	[sflag:s29] =	ssyncadd.s32 $0xFFFFD800  }
0x63: {  	[tilespmem:s23], [sflag:$0x2] =	stream.indirect.gather [hbm4b:s4+s21], $0x80, s1, s21, $0xb8;
	[tilespmem:$0x1F000] =	vst v63  }
0x64: {  	s26 =	simm.s32 $0x2880  }
0x65: {  	[spmem:s2] =	stream.indirect.scatter.add.f32 [tilespmem:s18], [sflag:$0x3], $0x80, s26, s21, $0xb8;
	[tilespmem:$0x1F000] =	vst v63  }
0x66: {  	_ =	swait.ge [sflag:s24], $0x2800  }
0x67: {  	[sflag:s24] =	ssyncset.done $0x0  }
0x68: {  	[sflag:s24] =	ssyncadd.s32 $0xFFFFD800  }
0x69: {  	_ =	swait.ge [sflag:s25], $0x2800  }
0x6a: {  	s0 =	simm.s32 $0x2980;
	s28 =	simm.s32 $0x140;
	[sflag:s25] =	ssyncset.done $0x0  }
0x6b: {  	s1 =	simm.s32 $0xFFFF6A00;
	s26 =	simm.s32 $0x2900;
	[sflag:s25] =	ssyncadd.s32 $0xFFFFD800  }
0x6c: {  	[tilespmem:s18], [sflag:$0x1] =	stream.indirect.gather [hbm4b:s4+s21], $0x80, s28, s21, $0xb8;
	[tilespmem:$0x1F000] =	vst v63  }
.LBB2_4:
0x6d: {  	[spmem:s2] =	stream.indirect.scatter.add.f32 [tilespmem:s23], [sflag:$0x4], $0x80, s26, s21, $0xb8;
	[tilespmem:$0x1F000] =	vst v63  }
0x6e: {  	s26 =	smov.u32 s1  }
0x6f: {  	p1 =	sne.s32 s1, $0xFFFFFD80;
	s1 =	sadd.s32 $0x280, s1;
	_ =	swait.ge [sflag:s22], $0x2800  }
0x70: {  	[sflag:s22] =	ssyncset.done $0x0  }
0x71: {  	[sflag:s22] =	ssyncadd.s32 $0xFFFFD800  }
0x72: {  	_ =	swait.ge [sflag:s29], $0x2800  }
0x73: {  	s26 =	sshra.s32 s26, $0x2;
	[sflag:s29] =	ssyncset.done $0x0  }
0x74: {  	s28 =	sadd.s32 $0x2710, s26;
	[sflag:s29] =	ssyncadd.s32 $0xFFFFD800  }
0x75: {  	[tilespmem:s23], [sflag:$0x2] =	stream.indirect.gather [hbm4b:s4+s21], $0x80, s28, s21, $0xb8;
	[tilespmem:$0x1F000] =	vst v63  }
0x76: {  	_ = 	snop  }
0x77: {  	[spmem:s2] =	stream.indirect.scatter.add.f32 [tilespmem:s18], [sflag:$0x3], $0x80, s0, s21, $0xb8;
	[tilespmem:$0x1F000] =	vst v63  }
0x78: {  	_ =	swait.ge [sflag:s24], $0x2800  }
0x79: {  	[sflag:s24] =	ssyncset.done $0x0  }
0x7a: {  	[sflag:s24] =	ssyncadd.s32 $0xFFFFD800  }
.Ltmp1:
0x7b: {  	_ =	swait.ge [sflag:s25], $0x2800;
	(pc) =	sbr.rel @p1 .LBB2_4-.Ltmp1, $4  }
0x7c: {  	[sflag:s25] =	ssyncset.done $0x0  }
0x7d: {  	s26 =	sadd.s32 $0x2760, s26;
	[sflag:s25] =	ssyncadd.s32 $0xFFFFD800  }
0x7e: {  	[tilespmem:s18], [sflag:$0x1] =	stream.indirect.gather [hbm4b:s4+s21], $0x80, s26, s21, $0xb8;
	[tilespmem:$0x1F000] =	vst v63  }
0x7f: {  	s26 =	sadd.s32 $0x80, s0;
	s0 =	sadd.s32 $0x100, s0  }
0x80: {  	[spmem:s2] =	stream.indirect.scatter.add.f32 [tilespmem:s23], [sflag:$0x4], $0x80, s26, s21, $0xb8;
	[tilespmem:$0x1F000] =	vst v63  }
0x81: {  	_ =	swait.ge [sflag:s22], $0x2800  }
0x82: {  	[sflag:s22] =	ssyncset.done $0x0  }
0x83: {  	[sflag:s22] =	ssyncadd.s32 $0xFFFFD800  }
0x84: {  	[spmem:s2] =	stream.indirect.scatter.add.f32 [tilespmem:s18], [sflag:$0x3], $0x80, s30, s21, $0xb8;
	[tilespmem:$0x1F000] =	vst v63  }
0x85: {  	_ =	swait.ge [sflag:s25], $0x2800  }
0x86: {  	[sflag:s25] =	ssyncset.done $0x0  }
0x87: {  	[sflag:s25] =	ssyncadd.s32 $0xFFFFD800  }
0x88: {  	_ =	swait.ge [sflag:s29], $0x2800  }
0x89: {  	[sflag:s29] =	ssyncset.done $0x0  }
0x8a: {  	[sflag:s29] =	ssyncadd.s32 $0xFFFFD800  }
0x8b: {  	s0 =	sshrl.u32 @p0 s5, $0x3;
	s1 =	simm.s32 @p0 $0x1FC5;
	[bflag:$0x0] =	sbarrier.arrive $0xFFFF  }
0x8c: {  	[hbm:s16], [sflag:s1] =	dma.local @p0 [spmem:s0], $0x1900  }
0x8d: {  	s0 =	simm.s32 @p0 $0x5  }
0x8e: {  	s31 =	sadd.s32 $0x1, s31;
	s1 =	stileid.u32;
	_ =	swait.ge @p0 [sflag:s0], $0x1900  }
0x8f: {  	p1 =	sne.s32 s31, s17;
	s1 =	sshll.u32 @!p0 s1, $0x6;
	[sflag:s0] =	ssyncset.done @p0 $0x0  }
0x90: {  	[sflag:s0] =	ssyncadd.s32 @p0 $0xFFFFE700;
	s0 =	sor.u32 @!p0 $0x1C05, s1;
	s1 =	sshrl.u32 @!p0 s5, $0x3  }
0x91: {  	[hbm:s15], [sflag:s0] =	dma.local @!p0 [spmem:s1], $0x2800  }
.Ltmp2:
0x92: {  	_ = 	snop;
	(pc) =	sbr.rel @p1 .LBB2_1-.Ltmp2, $4  }
0x93: {  	s0 =	simm.s32 @!p0 $0x5  }
0x94: {  	_ =	swait.ge @!p0 [sflag:s0], $0x2800  }
0x95: {  	[sflag:s0] =	ssyncset.done @!p0 $0x0  }
0x96: {  	[sflag:s0] =	ssyncadd.s32 @!p0 $0xFFFFD800  }
0x97: {  	_ =	sfence.sel $0x180000  }
0x98: {  	[bflag:$0x0] =	sbarrier.arrive $0xFFFF  }
0x99: {  	_ =	strace $0x9000004A  }
0x9a: {  	s0 =	stileid.u32;
	[bflag:$0x2] =	sbarrier.arrive $0xFFFF  }
0x9b: {  	p0 =	sne.s32 s0, $0x0;
	s0 =	rddreg [dreg:$0x2]  }
0x9c: {  	s0 =	sadd.s32 @!p0 $0x100000, s0  }
0x9d: {  	[sflag:s0] =	ssyncadd.tile.s32 @!p0 $0x1;
	_ =	shalt  }
.Lfunc_end2:
_tile_overlayer_lowered:
.L_overlay_start_2:
0x9e: {  	(tag) =	ssettag $0x2  }
0x9f: {  	s0 =	rddreg [dreg:$0x0];
	s2 =	stileid.u32  }
0xa0: {  	s1 =	rddreg [dreg:$0x1];
	p0 =	sne.s32 s2, $0x0  }
0xa1: {  	s3 =	rddreg [dreg:$0x2];
	[bflag:$0x3] =	sbarrier.arrive $0xFFFF;
	s2 =	simm.s32 @!p0 $0x1C05  }
0xa2: {  	[timem:s3], [sflag:s2] =	dma.local @!p0 [hbm:s0], s1  }
0xa3: {  	s0 =	simm.s32 @!p0 $0x5  }
0xa4: {  	_ =	swait.ge @!p0 [sflag:s0], s1  }
0xa5: {  	s1 =	ssub.s32 @!p0 $0x0, s1;
	[sflag:s0] =	ssyncset.done @!p0 $0x0  }
0xa6: {  	[sflag:s0] =	ssyncadd.s32 @!p0 s1  }
0xa7: {  	[bflag:$0x3] =	sbarrier.arrive $0xFFFF  }
0xa8: {  	_ =	shalt  }

// kernel: kernel.14.cloned.1.call-start
scs
__scs_entry_jumppad:
0x0: {  	(pc) =	sbr.rel $0x88, $3  }
0x1: {  	(tag) =	ssettag $0x0;
	lr =	simm.s32 $0x1  }
0x2: {  	[smem:$0x3F99] =	sst lr;
	_ =	strace $0xD0000000  }
0x3: {  	_ = 	snop  }
0x4: {  	_ = 	snop  }
0x5: {  	_ = 	snop  }
0x6: {  	_ = 	snop  }
0x7: {  	_ = 	snop  }
__scs_overlays_trampoline_lowered:
0x8: {  	[smem:$0x3FA8] =	sst s0  }
0x9: {  	[smem:$0x3FA9] =	sst s1  }
0xa: {  	[smem:$0x3FAA] =	sst s2  }
0xb: {  	[smem:$0x3FAB] =	sst s3  }
0xc: {  	[smem:$0x3FAC] =	sst s4  }
0xd: {  	[smem:$0x3FAD] =	sst s5  }
0xe: {  	[smem:$0x3FAE] =	sst s6  }
0xf: {  	[smem:$0x3FAF] =	sst s7  }
0x10: {  	[smem:$0x3FB0] =	sst s8  }
0x11: {  	[smem:$0x3FB1] =	sst s9;
	s0 =	simm.s32 @!p0 $0x0  }
0x12: {  	s1 =	sld [smem:$0x3F97];
	s0 =	simm.s32 @p0 $0x1  }
0x13: {  	[smem:$0x3FB2] =	sst s0;
	s0 =	simm.s32 @!p1 $0x0  }
0x14: {  	s2 =	sld [smem:$0x3F96];
	s0 =	simm.s32 @p1 $0x1  }
0x15: {  	[smem:$0x3FB3] =	sst s0;
	s0 =	simm.s32 @!p2 $0x0  }
0x16: {  	s3 =	sld [smem:$0x3FDB];
	s0 =	simm.s32 @p2 $0x1  }
0x17: {  	s4 =	simm.s32 $0x1BF5;
	[smem:$0x3FB5] =	sst s0  }
0x18: {  	s0 =	sld [smem:$0x3F98];
	_ =	swait.ge [sflag:s4], $0x0  }
0x19: {  	s7 =	sld [smem:$0x3F99]  }
0x1a: {  	s8 =	sadd.s32 $0xFFFFE003, lr  }
0x1b: {  	s9 =	sadd.s32 $0xFFFFFEF7, lr;
	s5 =	simm.s32 $0xFFFFFFFF;
	p2 =	slt.u32 s8, $0xFFFFF086  }
0x1c: {  	p1 =	slt.u32 s9, $0xF7A;
	s5 =	simm.s32 @!p2 $0x0  }
0x1d: {  	s5 =	simm.s32 @p1 $0x1;
	p0 =	seq.s32 s7, s2  }
0x1e: {  	s7 =	smul.u32 @!p0 $0xF7A, s2;
	p2 =	seq.s32 @!p0 s5, $0x0  }
0x1f: {  	s9 =	smul.u32 $0xF7A, s1;
	s8 =	simm.s32 @!p0 $0x1BF5;
	p2 =	por !p2, p0  }
0x20: {  	[sflag:s8] =	ssyncset.s32 @!p0 $0xFFFFF086;
	s6 =	sadd.s32 @!p0 s3, s7;
	s7 =	simm.s32 @!p0 $0x108  }
0x21: {  	s3 =	sadd.s32 s3, s9;
	s6 =	sadd.s32 @!p0 $0x88, s6;
	s7 =	simm.s32 @p2 $0x1082  }
0x22: {  	[simem:s7], [sflag:s8] =	dma.local @!p0 [hbm:s6], $0xF7A  }
0x23: {  	s9 =	sor.u32 $0xD0000000, s2;
	s6 =	simm.s32 $0x108;
	_ =	swait.ge @!p0 [sflag:s8], $0x0  }
0x24: {  	s3 =	sadd.s32 $0x88, s3;
	s6 =	simm.s32 @!p1 $0x1082;
	[sflag:s4] =	ssyncset.s32 $0xFFFFF086  }
0x25: {  	[simem:s6], [sflag:s4] =	dma.local [hbm:s3], $0xF7A  }
0x26: {  	[smem:$0x3F99] =	sst s1;
	(tag) =	ssettag s2;
	_ =	strace s9  }
0x27: {  	s1 =	sld [smem:$0x3FA9]  }
0x28: {  	s2 =	sld [smem:$0x3FAA]  }
0x29: {  	s4 =	sld [smem:$0x3FAC]  }
0x2a: {  	p0 =	seq.s32 s5, $0x0;
	s5 =	sld [smem:$0x3FAD]  }
0x2b: {  	s6 =	sld [smem:$0x3FAE]  }
0x2c: {  	s7 =	sld [smem:$0x3FAF]  }
0x2d: {  	s3 =	simm.s32 $0x108;
	s8 =	sld [smem:$0x3FB0]  }
0x2e: {  	s3 =	simm.s32 @!p0 $0x1082;
	s9 =	sld [smem:$0x3FB1]  }
0x2f: {  	lr =	sadd.s32 s0, s3;
	s0 =	sld [smem:$0x3FA8]  }
0x30: {  	s3 =	sld [smem:$0x3FAB]  }
0x31: {  	[smem:$0x3FB4] =	sst s10  }
0x32: {  	s10 =	sld [smem:$0x3FB2];
	_ =	sdelay $0x3  }
0x33: {  	p0 =	seq.s32 s10, $0x1;
	s10 =	sld [smem:$0x3FB4];
	_ =	sdelay $0x3  }
0x34: {  	[smem:$0x3FB4] =	sst s10  }
0x35: {  	s10 =	sld [smem:$0x3FB3];
	_ =	sdelay $0x3  }
0x36: {  	p1 =	seq.s32 s10, $0x1;
	s10 =	sld [smem:$0x3FB4];
	_ =	sdelay $0x3  }
0x37: {  	[smem:$0x3FB4] =	sst s10  }
0x38: {  	s10 =	sld [smem:$0x3FB5]  }
0x39: {  	_ = 	snop;
	(pc) =	sbr.ind lr, $3  }
0x3a: {  	_ = 	snop  }
0x3b: {  	_ = 	snop  }
0x3c: {  	p2 =	seq.s32 s10, $0x1;
	s10 =	sld [smem:$0x3FB4]  }
0x3d: {  	_ =	shalt  }
0x3e: {  	_ =	shalt  }
0x3f: {  	_ =	shalt  }
0x40: {  	_ =	shalt  }
0x41: {  	_ =	shalt  }
0x42: {  	_ =	shalt  }
0x43: {  	_ =	shalt  }
0x44: {  	_ =	shalt  }
0x45: {  	_ =	shalt  }
0x46: {  	_ =	shalt  }
0x47: {  	_ =	shalt  }
0x48: {  	_ =	shalt  }
0x49: {  	_ =	shalt  }
0x4a: {  	_ =	shalt  }
0x4b: {  	_ =	shalt  }
0x4c: {  	_ =	shalt  }
0x4d: {  	_ =	shalt  }
0x4e: {  	_ =	shalt  }
0x4f: {  	_ =	shalt  }
0x50: {  	_ =	shalt  }
0x51: {  	_ =	shalt  }
0x52: {  	_ =	shalt  }
0x53: {  	_ =	shalt  }
0x54: {  	_ =	shalt  }
0x55: {  	_ =	shalt  }
0x56: {  	_ =	shalt  }
0x57: {  	_ =	shalt  }
0x58: {  	_ =	shalt  }
0x59: {  	_ =	shalt  }
0x5a: {  	_ =	shalt  }
0x5b: {  	_ =	shalt  }
0x5c: {  	_ =	shalt  }
0x5d: {  	_ =	shalt  }
0x5e: {  	_ =	shalt  }
0x5f: {  	_ =	shalt  }
0x60: {  	_ =	shalt  }
0x61: {  	_ =	shalt  }
0x62: {  	_ =	shalt  }
0x63: {  	_ =	shalt  }
0x64: {  	_ =	shalt  }
0x65: {  	_ =	shalt  }
0x66: {  	_ =	shalt  }
0x67: {  	_ =	shalt  }
0x68: {  	_ =	shalt  }
0x69: {  	_ =	shalt  }
0x6a: {  	_ =	shalt  }
0x6b: {  	_ =	shalt  }
0x6c: {  	_ =	shalt  }
0x6d: {  	_ =	shalt  }
0x6e: {  	_ =	shalt  }
0x6f: {  	_ =	shalt  }
0x70: {  	_ =	shalt  }
0x71: {  	_ =	shalt  }
0x72: {  	_ =	shalt  }
0x73: {  	_ =	shalt  }
0x74: {  	_ =	shalt  }
0x75: {  	_ =	shalt  }
0x76: {  	_ =	shalt  }
0x77: {  	_ =	shalt  }
0x78: {  	_ =	shalt  }
0x79: {  	_ =	shalt  }
0x7a: {  	_ =	shalt  }
0x7b: {  	_ =	shalt  }
0x7c: {  	_ =	shalt  }
0x7d: {  	_ =	shalt  }
0x7e: {  	_ =	shalt  }
0x7f: {  	_ =	shalt  }
0x80: {  	_ =	shalt  }
0x81: {  	_ =	shalt  }
0x82: {  	_ =	shalt  }
0x83: {  	_ =	shalt  }
0x84: {  	_ =	shalt  }
0x85: {  	_ =	shalt  }
0x86: {  	_ =	shalt  }
0x87: {  	_ =	shalt  }
.Lfunc_end0:
.L_simem_size_0:
called_computation.2_lowered:
.L_overlay_start_0:
0x88: {  	s2 =	sld [smem:$0x3FD9]  }
0x89: {  	s3 =	sld [smem:$0x3FFE];
	_ =	sdelay $0x1  }
0x8a: {  	s1 =	srdreg.scid  }
0x8b: {  	s0 =	sand.u32 $0x1, s1  }
0x8c: {  	s16 =	sshll.u32 s0, $0xA;
	s2 =	sadd.s32 s3, s2  }
0x8d: {  	s2 =	sadd.s32 s2, s16  }
0x8e: {  	[smem:$0x3FC0] =	sst s2  }
0x8f: {  	_ = 	snop  }
0x90: {  	(tm) =	ssettm $0x1  }
0x91: {  	s17 =	sld [smem:$0x3FFB];
	_ =	sdelay $0x3  }
0x92: {  	_ =	strace s17  }
0x93: {  	s2 =	sld [smem:$0x3FFC];
	_ =	sdelay $0x3  }
0x94: {  	_ =	strace s2  }
0x95: {  	s2 =	sld [smem:$0x3FFD];
	_ =	sdelay $0x3  }
0x96: {  	_ =	strace s2  }
0x97: {  	_ =	strace $0x8FFFFFFF  }
0x98: {  	s18 =	sld [smem:$0x3FDB];
	_ =	sdelay $0x1  }
0x99: {  	s19 =	simm.s32 $_scs_section_size  }
0x9a: {  	s4 =	simm.s32 $_size__tile_overlayer_lowered;
	s5 =	simm.s32 $_tile_overlayer_lowered  }
0x9b: {  	s22 =	simm.s32 $0x1BFF;
	s21 =	sshll.u32 s5, $0x1;
	s2 =	sadd.s32 s19, s18  }
0x9c: {  	s6 =	simm.s32 $0x0;
	s20 =	sshll.u32 s4, $0x1;
	s4 =	sadd.s32 s21, s2  }
0x9d: {  	[timem:s6], [sflag:s22] =	dma.local [hbm:s4], s20  }
0x9e: {  	_ =	swait.ge [sflag:s22], s20  }
0x9f: {  	s3 =	ssub.s32 $0x0, s20;
	[sflag:s22] =	ssyncset.done $0x0  }
0xa0: {  	[sflag:s22] =	ssyncadd.s32 s3;
	_ =	sdelay $0x1  }
0xa1: {  	s23 =	simm.s32 $0x1B8B  }
0xa2: {  	_ =	swait.ge [sflag:s23], $0x1  }
0xa3: {  	[sflag:s23] =	ssyncset.done $0x0  }
0xa4: {  	s25 =	simm.s32 $0x1B8E;
	s24 =	sld [smem:$0x3FFE];
	[sflag:s23] =	ssyncadd.s32 $0xFFFFFFFF  }
0xa5: {  	s26 =	simm.s32 $execute0_lowered;
	[smem:$0x3FD2] =	sst s25  }
0xa6: {  	s4 =	sshll.u32 s26, $0x1;
	_ =	strace $0x8000004C;
	[dreg:$0x1] =	wrdreg $0xFFFFFFFF  }
0xa7: {  	s28 =	simm.s32 $_size_execute0_lowered;
	s2 =	sadd.s32 s2, s4;
	[dreg:$0x0] =	wrdreg $0x0  }
0xa8: {  	s4 =	sshll.u32 s28, $0x1;
	[dreg:$0x2] =	wrdreg s2  }
0xa9: {  	[dreg:$0x3] =	wrdreg s4  }
0xaa: {  	[dreg:$0x4] =	wrdreg $0xC0  }
0xab: {  	_ =	task [dreg:s6], $0x5FFFF  }
0xac: {  	[dreg:$0x1] =	wrdreg $0xFFFFFFFF  }
0xad: {  	[dreg:$0x0] =	wrdreg $0x60  }
0xae: {  	[dreg:$0x2] =	wrdreg s24  }
0xaf: {  	[dreg:$0x3] =	wrdreg $0xB7800  }
0xb0: {  	[dreg:$0x4] =	wrdreg $0x9  }
0xb1: {  	_ =	task.clear_ibuf [dreg:s6], $0x5FFFF;
	_ =	strace $0x9000004C  }
0xb2: {  	s29 =	simm.s32 $0x9;
	_ =	strace $0x8000004E  }
0xb3: {  	_ =	swait.ge [sflag:s29], $0x1  }
0xb4: {  	[sflag:s29] =	ssyncadd.s32 $0xFFFFFFFF  }
0xb5: {  	_ =	strace $0x9000004E  }
0xb6: {  	_ =	sfence  }
0xb7: {  	s30 =	sld [smem:$0x0];
	_ =	sdelay $0x2  }
0xb8: {  	s31 =	sshll.u32 s1, $0xD;
	s1 =	sshrl.u32 s1, $0x2  }
0xb9: {  	s3 =	sand.u32 $0x4000, s31;
	s1 =	sadd.s32 s1, s30  }
0xba: {  	s0 =	sor.u32 s3, s0;
	s1 =	sshll.u32 s1, $0x11  }
0xbb: {  	s0 =	sor.u32 s1, s0  }
0xbc: {  	s0 =	sadd.s32 $0x8F2B, s0  }
0xbd: {  	[sflag:s0] =	ssyncadd.remote.s32 $0x1  }
0xbe: {  	_ =	sfence.sel $0xFFFF  }
0xbf: {  	[dreg:$0x0] =	wrdreg $0xFFFFFFFF;
	(pc) =	sbr.abs _section_cstart, $3  }
0xc0: {  	[dreg:$0x1] =	wrdreg $0xFFFFFFFF  }
0xc1: {  	_ =	task.clear_ibuf [dreg:s6], $0x2FFFF;
	_ =	strace $0x9FFFFFFF  }
0xc2: {  	(tm) =	ssettm $0x7FFFFFFF  }
0xc3: {  	_ =	shalt  }
tec
execute0_lowered:
.L_overlay_start_1:
0x0: {  	(tag) =	ssettag $0x1  }
0x1: {  	s0 =	rddreg [dreg:$0x0];
	s1 =	srdreg.scid  }
0x2: {  	s18 =	stileid.u32;
	s2 =	rddreg [dreg:$0x1]  }
0x3: {  	s3 =	simm.s32 $0x0;
	s19 =	simm.s32 $0x5;
	s20 =	simm.s32 $0x2780  }
0x4: {  	s21 =	simm.s32 $0x50;
	s22 =	simm.s32 $0x1;
	s23 =	simm.s32 $0x8F80  }
0x5: {  	s24 =	simm.s32 $0x2;
	s29 =	simm.s32 $0x4;
	s30 =	simm.s32 $0x6580  }
0x6: {  	s31 =	simm.s32 $0x0;
	s1 =	sand.u32 $0x1, s1;
	s7 =	smul.u32 $0x50000, s18  }
0x7: {  	s4 =	sshll.u32 s18, $0x1;
	[smem:$0x7FF] =	sst s3;
	s15 =	smul.u32 $0x14000, s18  }
0x8: {  	p0 =	seq.s32 s18, $0xF;
	s18 =	simm.s32 $0x6780;
	s5 =	sor.u32 s1, s4  }
0x9: {  	_ =	strace $0x8000004D;
	s25 =	ssub.s32 $0x2, s1;
	s1 =	smul.u32 $0x138800, s1  }
0xa: {  	s4 =	sadd.s32 $0x1C600, s0;
	s6 =	smul.u32 $0x4E2, s5;
	s5 =	sshll.u32 s5, $0xB  }
0xb: {  	s26 =	sshrl.u32 s7, $0x2;
	s28 =	sshrl.u32 s25, $0x1;
	s14 =	sadd.s32 s5, s0  }
0xc: {  	s5 =	sadd.s32 s26, s2;
	s17 =	ssub.s32 s25, s28;
	s15 =	sadd.s32 s15, s1  }
0xd: {  	s1 =	sshrl.u32 s1, $0x3;
	s25 =	simm.s32 $0x3;
	s13 =	sadd.s32 s6, s0  }
0xe: {  	s0 =	sadd.s32 $0x43800, s0;
	s6 =	sadd.s32 $0x2800, s5;
	s7 =	sadd.s32 $0x5000, s5  }
0xf: {  	s8 =	sadd.s32 $0x7800, s5;
	s9 =	sadd.s32 $0xA000, s5;
	s10 =	sadd.s32 $0xC800, s5  }
0x10: {  	s11 =	sadd.s32 $0xF000, s5;
	s12 =	sadd.s32 $0x11800, s5;
	s15 =	sshrl.u32 s15, $0x3  }
0x11: {  	s14 =	sadd.s32 $0xC600, s14;
	s17 =	smax.u32 s17, $0x1;
	s1 =	sadd.s32 s0, s1  }
0x12: {  	v0 =	vimm.f32 $0.0e+00;
	s13 =	sadd.s32 $0x2800, s13;
	s15 =	sadd.s32 s0, s15;
	s16 =	sadd.s32 $0x25800, s1  }
.LBB2_1:
0x13: {  	s0 =	simm.s32 $0x0;
	s1 =	simm.s32 $0x200  }
.LBB2_2:
0x14: {  	p1 =	sne.s32 s1, $0x9E00;
	[tilespmem:s0+$0x67F0] =	vst v0  }
0x15: {  	[tilespmem:s0+$0x6780] =	vst v0  }
0x16: {  	[tilespmem:s0+$0x6790] =	vst v0  }
.Ltmp0:
0x17: {  	[tilespmem:s0+$0x67A0] =	vst v0;
	(pc) =	sbr.rel @p1 .LBB2_2-.Ltmp0, $4  }
0x18: {  	[tilespmem:s0+$0x67B0] =	vst v0  }
0x19: {  	[tilespmem:s0+$0x67C0] =	vst v0  }
0x1a: {  	[tilespmem:s0+$0x67D0] =	vst v0  }
0x1b: {  	[tilespmem:s0+$0x67E0] =	vst v0;
	s0 =	sshra.s32 s1, $0x2;
	s1 =	sadd.s32 $0x200, s1  }
0x1c: {  	[tilespmem:s0+$0x67F0] =	vst v0  }
0x1d: {  	[tilespmem:s0+$0x6780] =	vst v0  }
0x1e: {  	[tilespmem:s0+$0x6790] =	vst v0  }
0x1f: {  	[tilespmem:s0+$0x67A0] =	vst v0  }
0x20: {  	[tilespmem:s0+$0x67B0] =	vst v0  }
0x21: {  	[tilespmem:s0+$0x67C0] =	vst v0  }
0x22: {  	[tilespmem:s0+$0x67D0] =	vst v0  }
0x23: {  	[tilespmem:s0+$0x67E0] =	vst v0  }
0x24: {  	[spmem:s5] =	stream.linear.scatter [tilespmem:s18], [sflag:$0x5], $0x2800, $0x38;
	[tilespmem:$0x1F000] =	vst v63  }
0x25: {  	_ =	swait.ge [sflag:s19], $0x2800  }
0x26: {  	[sflag:s19] =	ssyncset.done $0x0  }
0x27: {  	[sflag:s19] =	ssyncadd.s32 $0xFFFFD800  }
0x28: {  	[spmem:s6] =	stream.linear.scatter [tilespmem:s18], [sflag:$0x5], $0x2800, $0x38;
	[tilespmem:$0x1F000] =	vst v63  }
0x29: {  	_ =	swait.ge [sflag:s19], $0x2800  }
0x2a: {  	[sflag:s19] =	ssyncset.done $0x0  }
0x2b: {  	[sflag:s19] =	ssyncadd.s32 $0xFFFFD800  }
0x2c: {  	[spmem:s7] =	stream.linear.scatter [tilespmem:s18], [sflag:$0x5], $0x2800, $0x38;
	[tilespmem:$0x1F000] =	vst v63  }
0x2d: {  	_ =	swait.ge [sflag:s19], $0x2800  }
0x2e: {  	[sflag:s19] =	ssyncset.done $0x0  }
0x2f: {  	[sflag:s19] =	ssyncadd.s32 $0xFFFFD800  }
0x30: {  	[spmem:s8] =	stream.linear.scatter [tilespmem:s18], [sflag:$0x5], $0x2800, $0x38;
	[tilespmem:$0x1F000] =	vst v63  }
0x31: {  	_ =	swait.ge [sflag:s19], $0x2800  }
0x32: {  	[sflag:s19] =	ssyncset.done $0x0  }
0x33: {  	[sflag:s19] =	ssyncadd.s32 $0xFFFFD800  }
0x34: {  	[spmem:s9] =	stream.linear.scatter [tilespmem:s18], [sflag:$0x5], $0x2800, $0x38;
	[tilespmem:$0x1F000] =	vst v63  }
0x35: {  	_ =	swait.ge [sflag:s19], $0x2800  }
0x36: {  	[sflag:s19] =	ssyncset.done $0x0  }
0x37: {  	s0 =	simm.s32 @!p0 $0x6780;
	s1 =	simm.s32 @!p0 $0x5;
	[sflag:s19] =	ssyncadd.s32 $0xFFFFD800  }
0x38: {  	[spmem:s10] =	stream.linear.scatter @!p0 [tilespmem:s0], [sflag:$0x5], $0x2800, $0x38;
	[tilespmem:$0x1F000] =	vst v63  }
0x39: {  	_ =	swait.ge @!p0 [sflag:s1], $0x2800  }
0x3a: {  	[sflag:s1] =	ssyncset.done @!p0 $0x0  }
0x3b: {  	[sflag:s1] =	ssyncadd.s32 @!p0 $0xFFFFD800  }
0x3c: {  	[spmem:s11] =	stream.linear.scatter @!p0 [tilespmem:s0], [sflag:$0x5], $0x2800, $0x38;
	[tilespmem:$0x1F000] =	vst v63  }
0x3d: {  	_ =	swait.ge @!p0 [sflag:s1], $0x2800  }
0x3e: {  	[sflag:s1] =	ssyncset.done @!p0 $0x0  }
0x3f: {  	[sflag:s1] =	ssyncadd.s32 @!p0 $0xFFFFD800  }
0x40: {  	[spmem:s12] =	stream.linear.scatter @!p0 [tilespmem:s0], [sflag:$0x5], $0x2800, $0x38;
	[tilespmem:$0x1F000] =	vst v63  }
0x41: {  	_ =	swait.ge @!p0 [sflag:s1], $0x2800  }
0x42: {  	[sflag:s1] =	ssyncset.done @!p0 $0x0  }
0x43: {  	[sflag:s1] =	ssyncadd.s32 @!p0 $0xFFFFD800  }
0x44: {  	[tilespmem:s3], [sflag:$0x5] =	stream.linear.gather [hbm4b:s13+s3], $0x2710, $0x38;
	[tilespmem:$0x1F000] =	vst v63  }
0x45: {  	_ =	swait.ge [sflag:s19], $0x2710  }
0x46: {  	[sflag:s19] =	ssyncset.done $0x0  }
0x47: {  	[sflag:s19] =	ssyncadd.s32 $0xFFFFD8F0  }
0x48: {  	[tilespmem:s20], [sflag:$0x5] =	stream.linear.gather [hbm4b:s14+s3], $0x3E80, $0x38;
	[tilespmem:$0x1F000] =	vst v63  }
0x49: {  	_ =	swait.ge [sflag:s19], $0x3E80  }
0x4a: {  	[sflag:s19] =	ssyncset.done $0x0  }
0x4b: {  	[sflag:s19] =	ssyncadd.s32 $0xFFFFC180  }
0x4c: {  	[bflag:$0x0] =	sbarrier.arrive $0xFFFF  }
0x4d: {  	[tilespmem:s18], [sflag:$0x1] =	stream.indirect.gather [hbm4b:s4+s21], $0x80, s3, s21, $0xb8;
	[tilespmem:$0x1F000] =	vst v63  }
0x4e: {  	_ =	swait.ge [sflag:s22], $0x2800  }
0x4f: {  	[sflag:s22] =	ssyncset.done $0x0  }
0x50: {  	[sflag:s22] =	ssyncadd.s32 $0xFFFFD800  }
0x51: {  	[tilespmem:s23], [sflag:$0x2] =	stream.indirect.gather [hbm4b:s4+s21], $0x80, s21, s21, $0xb8;
	[tilespmem:$0x1F000] =	vst v63  }
0x52: {  	_ = 	snop  }
0x53: {  	[spmem:s2] =	stream.indirect.scatter.add.f32 [tilespmem:s18], [sflag:$0x3], $0x80, s20, s21, $0xb8;
	[tilespmem:$0x1F000] =	vst v63  }
0x54: {  	_ =	swait.ge [sflag:s24], $0x2800  }
0x55: {  	[sflag:s24] =	ssyncset.done $0x0  }
0x56: {  	[sflag:s24] =	ssyncadd.s32 $0xFFFFD800  }
0x57: {  	_ =	swait.ge [sflag:s25], $0x2800  }
0x58: {  	[sflag:s25] =	ssyncset.done $0x0  }
0x59: {  	s26 =	simm.s32 $0xA0;
	[sflag:s25] =	ssyncadd.s32 $0xFFFFD800  }
0x5a: {  	[tilespmem:s18], [sflag:$0x1] =	stream.indirect.gather [hbm4b:s4+s21], $0x80, s26, s21, $0xb8;
	[tilespmem:$0x1F000] =	vst v63  }
0x5b: {  	s28 =	simm.s32 $0x2800  }
0x5c: {  	[spmem:s2] =	stream.indirect.scatter.add.f32 [tilespmem:s23], [sflag:$0x4], $0x80, s28, s21, $0xb8;
	[tilespmem:$0x1F000] =	vst v63  }
0x5d: {  	_ =	swait.ge [sflag:s22], $0x2800  }
0x5e: {  	[sflag:s22] =	ssyncset.done $0x0  }
0x5f: {  	[sflag:s22] =	ssyncadd.s32 $0xFFFFD800  }
0x60: {  	_ =	swait.ge [sflag:s29], $0x2800  }
0x61: {  	[sflag:s29] =	ssyncset.done $0x0  }
0x62: {  	s1 =	simm.s32 $0xF0;
	[sflag:s29] =	ssyncadd.s32 $0xFFFFD800  }
0x63: {  	[tilespmem:s23], [sflag:$0x2] =	stream.indirect.gather [hbm4b:s4+s21], $0x80, s1, s21, $0xb8;
	[tilespmem:$0x1F000] =	vst v63  }
0x64: {  	s26 =	simm.s32 $0x2880  }
0x65: {  	[spmem:s2] =	stream.indirect.scatter.add.f32 [tilespmem:s18], [sflag:$0x3], $0x80, s26, s21, $0xb8;
	[tilespmem:$0x1F000] =	vst v63  }
0x66: {  	_ =	swait.ge [sflag:s24], $0x2800  }
0x67: {  	[sflag:s24] =	ssyncset.done $0x0  }
0x68: {  	[sflag:s24] =	ssyncadd.s32 $0xFFFFD800  }
0x69: {  	_ =	swait.ge [sflag:s25], $0x2800  }
0x6a: {  	s0 =	simm.s32 $0x2980;
	s28 =	simm.s32 $0x140;
	[sflag:s25] =	ssyncset.done $0x0  }
0x6b: {  	s1 =	simm.s32 $0xFFFF6A00;
	s26 =	simm.s32 $0x2900;
	[sflag:s25] =	ssyncadd.s32 $0xFFFFD800  }
0x6c: {  	[tilespmem:s18], [sflag:$0x1] =	stream.indirect.gather [hbm4b:s4+s21], $0x80, s28, s21, $0xb8;
	[tilespmem:$0x1F000] =	vst v63  }
.LBB2_4:
0x6d: {  	[spmem:s2] =	stream.indirect.scatter.add.f32 [tilespmem:s23], [sflag:$0x4], $0x80, s26, s21, $0xb8;
	[tilespmem:$0x1F000] =	vst v63  }
0x6e: {  	s26 =	smov.u32 s1  }
0x6f: {  	p1 =	sne.s32 s1, $0xFFFFFD80;
	s1 =	sadd.s32 $0x280, s1;
	_ =	swait.ge [sflag:s22], $0x2800  }
0x70: {  	[sflag:s22] =	ssyncset.done $0x0  }
0x71: {  	[sflag:s22] =	ssyncadd.s32 $0xFFFFD800  }
0x72: {  	_ =	swait.ge [sflag:s29], $0x2800  }
0x73: {  	s26 =	sshra.s32 s26, $0x2;
	[sflag:s29] =	ssyncset.done $0x0  }
0x74: {  	s28 =	sadd.s32 $0x2710, s26;
	[sflag:s29] =	ssyncadd.s32 $0xFFFFD800  }
0x75: {  	[tilespmem:s23], [sflag:$0x2] =	stream.indirect.gather [hbm4b:s4+s21], $0x80, s28, s21, $0xb8;
	[tilespmem:$0x1F000] =	vst v63  }
0x76: {  	_ = 	snop  }
0x77: {  	[spmem:s2] =	stream.indirect.scatter.add.f32 [tilespmem:s18], [sflag:$0x3], $0x80, s0, s21, $0xb8;
	[tilespmem:$0x1F000] =	vst v63  }
0x78: {  	_ =	swait.ge [sflag:s24], $0x2800  }
0x79: {  	[sflag:s24] =	ssyncset.done $0x0  }
0x7a: {  	[sflag:s24] =	ssyncadd.s32 $0xFFFFD800  }
.Ltmp1:
0x7b: {  	_ =	swait.ge [sflag:s25], $0x2800;
	(pc) =	sbr.rel @p1 .LBB2_4-.Ltmp1, $4  }
0x7c: {  	[sflag:s25] =	ssyncset.done $0x0  }
0x7d: {  	s26 =	sadd.s32 $0x2760, s26;
	[sflag:s25] =	ssyncadd.s32 $0xFFFFD800  }
0x7e: {  	[tilespmem:s18], [sflag:$0x1] =	stream.indirect.gather [hbm4b:s4+s21], $0x80, s26, s21, $0xb8;
	[tilespmem:$0x1F000] =	vst v63  }
0x7f: {  	s26 =	sadd.s32 $0x80, s0;
	s0 =	sadd.s32 $0x100, s0  }
0x80: {  	[spmem:s2] =	stream.indirect.scatter.add.f32 [tilespmem:s23], [sflag:$0x4], $0x80, s26, s21, $0xb8;
	[tilespmem:$0x1F000] =	vst v63  }
0x81: {  	_ =	swait.ge [sflag:s22], $0x2800  }
0x82: {  	[sflag:s22] =	ssyncset.done $0x0  }
0x83: {  	[sflag:s22] =	ssyncadd.s32 $0xFFFFD800  }
0x84: {  	[spmem:s2] =	stream.indirect.scatter.add.f32 [tilespmem:s18], [sflag:$0x3], $0x80, s30, s21, $0xb8;
	[tilespmem:$0x1F000] =	vst v63  }
0x85: {  	_ =	swait.ge [sflag:s25], $0x2800  }
0x86: {  	[sflag:s25] =	ssyncset.done $0x0  }
0x87: {  	[sflag:s25] =	ssyncadd.s32 $0xFFFFD800  }
0x88: {  	_ =	swait.ge [sflag:s29], $0x2800  }
0x89: {  	[sflag:s29] =	ssyncset.done $0x0  }
0x8a: {  	[sflag:s29] =	ssyncadd.s32 $0xFFFFD800  }
0x8b: {  	s0 =	sshrl.u32 @p0 s5, $0x3;
	s1 =	simm.s32 @p0 $0x1FC5;
	[bflag:$0x0] =	sbarrier.arrive $0xFFFF  }
0x8c: {  	[hbm:s16], [sflag:s1] =	dma.local @p0 [spmem:s0], $0x1900  }
0x8d: {  	s0 =	simm.s32 @p0 $0x5  }
0x8e: {  	s31 =	sadd.s32 $0x1, s31;
	s1 =	stileid.u32;
	_ =	swait.ge @p0 [sflag:s0], $0x1900  }
0x8f: {  	p1 =	sne.s32 s31, s17;
	s1 =	sshll.u32 @!p0 s1, $0x6;
	[sflag:s0] =	ssyncset.done @p0 $0x0  }
0x90: {  	[sflag:s0] =	ssyncadd.s32 @p0 $0xFFFFE700;
	s0 =	sor.u32 @!p0 $0x1C05, s1;
	s1 =	sshrl.u32 @!p0 s5, $0x3  }
0x91: {  	[hbm:s15], [sflag:s0] =	dma.local @!p0 [spmem:s1], $0x2800  }
.Ltmp2:
0x92: {  	_ = 	snop;
	(pc) =	sbr.rel @p1 .LBB2_1-.Ltmp2, $4  }
0x93: {  	s0 =	simm.s32 @!p0 $0x5  }
0x94: {  	_ =	swait.ge @!p0 [sflag:s0], $0x2800  }
0x95: {  	[sflag:s0] =	ssyncset.done @!p0 $0x0  }
0x96: {  	[sflag:s0] =	ssyncadd.s32 @!p0 $0xFFFFD800  }
0x97: {  	_ =	sfence.sel $0x180000  }
0x98: {  	[bflag:$0x0] =	sbarrier.arrive $0xFFFF  }
0x99: {  	_ =	strace $0x9000004D  }
0x9a: {  	s0 =	stileid.u32;
	[bflag:$0x2] =	sbarrier.arrive $0xFFFF  }
0x9b: {  	p0 =	sne.s32 s0, $0x0;
	s0 =	rddreg [dreg:$0x2]  }
0x9c: {  	s0 =	sadd.s32 @!p0 $0x100000, s0  }
0x9d: {  	[sflag:s0] =	ssyncadd.tile.s32 @!p0 $0x1;
	_ =	shalt  }
.Lfunc_end2:
_tile_overlayer_lowered:
.L_overlay_start_2:
0x9e: {  	(tag) =	ssettag $0x2  }
0x9f: {  	s0 =	rddreg [dreg:$0x0];
	s2 =	stileid.u32  }
0xa0: {  	s1 =	rddreg [dreg:$0x1];
	p0 =	sne.s32 s2, $0x0  }
0xa1: {  	s3 =	rddreg [dreg:$0x2];
	[bflag:$0x3] =	sbarrier.arrive $0xFFFF;
	s2 =	simm.s32 @!p0 $0x1C05  }
0xa2: {  	[timem:s3], [sflag:s2] =	dma.local @!p0 [hbm:s0], s1  }
0xa3: {  	s0 =	simm.s32 @!p0 $0x5  }
0xa4: {  	_ =	swait.ge @!p0 [sflag:s0], s1  }
0xa5: {  	s1 =	ssub.s32 @!p0 $0x0, s1;
	[sflag:s0] =	ssyncset.done @!p0 $0x0  }
0xa6: {  	[sflag:s0] =	ssyncadd.s32 @!p0 s1  }
0xa7: {  	[bflag:$0x3] =	sbarrier.arrive $0xFFFF  }
0xa8: {  	_ =	shalt  }

// kernel: kernel.8.cloned.1.call-start
scs
__scs_entry_jumppad:
0x0: {  	(pc) =	sbr.rel $0x88, $3  }
0x1: {  	(tag) =	ssettag $0x0;
	lr =	simm.s32 $0x1  }
0x2: {  	[smem:$0x3F99] =	sst lr;
	_ =	strace $0xD0000000  }
0x3: {  	_ = 	snop  }
0x4: {  	_ = 	snop  }
0x5: {  	_ = 	snop  }
0x6: {  	_ = 	snop  }
0x7: {  	_ = 	snop  }
__scs_overlays_trampoline_lowered:
0x8: {  	[smem:$0x3FA8] =	sst s0  }
0x9: {  	[smem:$0x3FA9] =	sst s1  }
0xa: {  	[smem:$0x3FAA] =	sst s2  }
0xb: {  	[smem:$0x3FAB] =	sst s3  }
0xc: {  	[smem:$0x3FAC] =	sst s4  }
0xd: {  	[smem:$0x3FAD] =	sst s5  }
0xe: {  	[smem:$0x3FAE] =	sst s6  }
0xf: {  	[smem:$0x3FAF] =	sst s7  }
0x10: {  	[smem:$0x3FB0] =	sst s8  }
0x11: {  	[smem:$0x3FB1] =	sst s9;
	s0 =	simm.s32 @!p0 $0x0  }
0x12: {  	s1 =	sld [smem:$0x3F97];
	s0 =	simm.s32 @p0 $0x1  }
0x13: {  	[smem:$0x3FB2] =	sst s0;
	s0 =	simm.s32 @!p1 $0x0  }
0x14: {  	s2 =	sld [smem:$0x3F96];
	s0 =	simm.s32 @p1 $0x1  }
0x15: {  	[smem:$0x3FB3] =	sst s0;
	s0 =	simm.s32 @!p2 $0x0  }
0x16: {  	s3 =	sld [smem:$0x3FDB];
	s0 =	simm.s32 @p2 $0x1  }
0x17: {  	s4 =	simm.s32 $0x1BF5;
	[smem:$0x3FB5] =	sst s0  }
0x18: {  	s0 =	sld [smem:$0x3F98];
	_ =	swait.ge [sflag:s4], $0x0  }
0x19: {  	s7 =	sld [smem:$0x3F99]  }
0x1a: {  	s8 =	sadd.s32 $0xFFFFE003, lr  }
0x1b: {  	s9 =	sadd.s32 $0xFFFFFEF7, lr;
	s5 =	simm.s32 $0xFFFFFFFF;
	p2 =	slt.u32 s8, $0xFFFFF086  }
0x1c: {  	p1 =	slt.u32 s9, $0xF7A;
	s5 =	simm.s32 @!p2 $0x0  }
0x1d: {  	s5 =	simm.s32 @p1 $0x1;
	p0 =	seq.s32 s7, s2  }
0x1e: {  	s7 =	smul.u32 @!p0 $0xF7A, s2;
	p2 =	seq.s32 @!p0 s5, $0x0  }
0x1f: {  	s9 =	smul.u32 $0xF7A, s1;
	s8 =	simm.s32 @!p0 $0x1BF5;
	p2 =	por !p2, p0  }
0x20: {  	[sflag:s8] =	ssyncset.s32 @!p0 $0xFFFFF086;
	s6 =	sadd.s32 @!p0 s3, s7;
	s7 =	simm.s32 @!p0 $0x108  }
0x21: {  	s3 =	sadd.s32 s3, s9;
	s6 =	sadd.s32 @!p0 $0x88, s6;
	s7 =	simm.s32 @p2 $0x1082  }
0x22: {  	[simem:s7], [sflag:s8] =	dma.local @!p0 [hbm:s6], $0xF7A  }
0x23: {  	s9 =	sor.u32 $0xD0000000, s2;
	s6 =	simm.s32 $0x108;
	_ =	swait.ge @!p0 [sflag:s8], $0x0  }
0x24: {  	s3 =	sadd.s32 $0x88, s3;
	s6 =	simm.s32 @!p1 $0x1082;
	[sflag:s4] =	ssyncset.s32 $0xFFFFF086  }
0x25: {  	[simem:s6], [sflag:s4] =	dma.local [hbm:s3], $0xF7A  }
0x26: {  	[smem:$0x3F99] =	sst s1;
	(tag) =	ssettag s2;
	_ =	strace s9  }
0x27: {  	s1 =	sld [smem:$0x3FA9]  }
0x28: {  	s2 =	sld [smem:$0x3FAA]  }
0x29: {  	s4 =	sld [smem:$0x3FAC]  }
0x2a: {  	p0 =	seq.s32 s5, $0x0;
	s5 =	sld [smem:$0x3FAD]  }
0x2b: {  	s6 =	sld [smem:$0x3FAE]  }
0x2c: {  	s7 =	sld [smem:$0x3FAF]  }
0x2d: {  	s3 =	simm.s32 $0x108;
	s8 =	sld [smem:$0x3FB0]  }
0x2e: {  	s3 =	simm.s32 @!p0 $0x1082;
	s9 =	sld [smem:$0x3FB1]  }
0x2f: {  	lr =	sadd.s32 s0, s3;
	s0 =	sld [smem:$0x3FA8]  }
0x30: {  	s3 =	sld [smem:$0x3FAB]  }
0x31: {  	[smem:$0x3FB4] =	sst s10  }
0x32: {  	s10 =	sld [smem:$0x3FB2];
	_ =	sdelay $0x3  }
0x33: {  	p0 =	seq.s32 s10, $0x1;
	s10 =	sld [smem:$0x3FB4];
	_ =	sdelay $0x3  }
0x34: {  	[smem:$0x3FB4] =	sst s10  }
0x35: {  	s10 =	sld [smem:$0x3FB3];
	_ =	sdelay $0x3  }
0x36: {  	p1 =	seq.s32 s10, $0x1;
	s10 =	sld [smem:$0x3FB4];
	_ =	sdelay $0x3  }
0x37: {  	[smem:$0x3FB4] =	sst s10  }
0x38: {  	s10 =	sld [smem:$0x3FB5]  }
0x39: {  	_ = 	snop;
	(pc) =	sbr.ind lr, $3  }
0x3a: {  	_ = 	snop  }
0x3b: {  	_ = 	snop  }
0x3c: {  	p2 =	seq.s32 s10, $0x1;
	s10 =	sld [smem:$0x3FB4]  }
0x3d: {  	_ =	shalt  }
0x3e: {  	_ =	shalt  }
0x3f: {  	_ =	shalt  }
0x40: {  	_ =	shalt  }
0x41: {  	_ =	shalt  }
0x42: {  	_ =	shalt  }
0x43: {  	_ =	shalt  }
0x44: {  	_ =	shalt  }
0x45: {  	_ =	shalt  }
0x46: {  	_ =	shalt  }
0x47: {  	_ =	shalt  }
0x48: {  	_ =	shalt  }
0x49: {  	_ =	shalt  }
0x4a: {  	_ =	shalt  }
0x4b: {  	_ =	shalt  }
0x4c: {  	_ =	shalt  }
0x4d: {  	_ =	shalt  }
0x4e: {  	_ =	shalt  }
0x4f: {  	_ =	shalt  }
0x50: {  	_ =	shalt  }
0x51: {  	_ =	shalt  }
0x52: {  	_ =	shalt  }
0x53: {  	_ =	shalt  }
0x54: {  	_ =	shalt  }
0x55: {  	_ =	shalt  }
0x56: {  	_ =	shalt  }
0x57: {  	_ =	shalt  }
0x58: {  	_ =	shalt  }
0x59: {  	_ =	shalt  }
0x5a: {  	_ =	shalt  }
0x5b: {  	_ =	shalt  }
0x5c: {  	_ =	shalt  }
0x5d: {  	_ =	shalt  }
0x5e: {  	_ =	shalt  }
0x5f: {  	_ =	shalt  }
0x60: {  	_ =	shalt  }
0x61: {  	_ =	shalt  }
0x62: {  	_ =	shalt  }
0x63: {  	_ =	shalt  }
0x64: {  	_ =	shalt  }
0x65: {  	_ =	shalt  }
0x66: {  	_ =	shalt  }
0x67: {  	_ =	shalt  }
0x68: {  	_ =	shalt  }
0x69: {  	_ =	shalt  }
0x6a: {  	_ =	shalt  }
0x6b: {  	_ =	shalt  }
0x6c: {  	_ =	shalt  }
0x6d: {  	_ =	shalt  }
0x6e: {  	_ =	shalt  }
0x6f: {  	_ =	shalt  }
0x70: {  	_ =	shalt  }
0x71: {  	_ =	shalt  }
0x72: {  	_ =	shalt  }
0x73: {  	_ =	shalt  }
0x74: {  	_ =	shalt  }
0x75: {  	_ =	shalt  }
0x76: {  	_ =	shalt  }
0x77: {  	_ =	shalt  }
0x78: {  	_ =	shalt  }
0x79: {  	_ =	shalt  }
0x7a: {  	_ =	shalt  }
0x7b: {  	_ =	shalt  }
0x7c: {  	_ =	shalt  }
0x7d: {  	_ =	shalt  }
0x7e: {  	_ =	shalt  }
0x7f: {  	_ =	shalt  }
0x80: {  	_ =	shalt  }
0x81: {  	_ =	shalt  }
0x82: {  	_ =	shalt  }
0x83: {  	_ =	shalt  }
0x84: {  	_ =	shalt  }
0x85: {  	_ =	shalt  }
0x86: {  	_ =	shalt  }
0x87: {  	_ =	shalt  }
.Lfunc_end0:
.L_simem_size_0:
called_computation_lowered:
.L_overlay_start_0:
0x88: {  	s2 =	sld [smem:$0x3FD9]  }
0x89: {  	s3 =	sld [smem:$0x3FFE];
	_ =	sdelay $0x1  }
0x8a: {  	s1 =	srdreg.scid  }
0x8b: {  	s0 =	sand.u32 $0x1, s1  }
0x8c: {  	s17 =	sshll.u32 s0, $0xA;
	s2 =	sadd.s32 s3, s2  }
0x8d: {  	s2 =	sadd.s32 s2, s17  }
0x8e: {  	[smem:$0x3FC0] =	sst s2  }
0x8f: {  	_ = 	snop  }
0x90: {  	s2 =	sld [smem:$0x3FD0];
	(tm) =	ssettm $0x1  }
0x91: {  	s18 =	sld [smem:$0x3FFB];
	_ =	sdelay $0x3  }
0x92: {  	_ =	strace s18  }
0x93: {  	s3 =	sld [smem:$0x3FFC];
	_ =	sdelay $0x3  }
0x94: {  	_ =	strace s3  }
0x95: {  	s3 =	sld [smem:$0x3FFD];
	_ =	sdelay $0x3  }
0x96: {  	_ =	strace s3  }
0x97: {  	_ =	strace $0x8FFFFFFF  }
0x98: {  	s19 =	sld [smem:$0x3FDB];
	_ =	sdelay $0x1  }
0x99: {  	s4 =	simm.s32 $_scs_section_size  }
0x9a: {  	s5 =	simm.s32 $_size__tile_overlayer_lowered;
	s6 =	simm.s32 $_tile_overlayer_lowered  }
0x9b: {  	s22 =	simm.s32 $0x1BFF;
	s21 =	sshll.u32 s6, $0x1;
	s3 =	sadd.s32 s4, s19  }
0x9c: {  	s7 =	simm.s32 $0x0;
	s20 =	sshll.u32 s5, $0x1;
	s5 =	sadd.s32 s21, s3  }
0x9d: {  	[timem:s7], [sflag:s22] =	dma.local [hbm:s5], s20  }
0x9e: {  	_ =	swait.ge [sflag:s22], s20  }
0x9f: {  	s4 =	ssub.s32 $0x0, s20;
	[sflag:s22] =	ssyncset.done $0x0  }
0xa0: {  	[sflag:s22] =	ssyncadd.s32 s4;
	_ =	sdelay $0x1  }
0xa1: {  	s23 =	simm.s32 $0x1B8B  }
0xa2: {  	_ =	swait.ge [sflag:s23], $0x1  }
0xa3: {  	[sflag:s23] =	ssyncset.done $0x0  }
0xa4: {  	s25 =	simm.s32 $0x1B8E;
	s24 =	sld [smem:$0x3FFE];
	[sflag:s23] =	ssyncadd.s32 $0xFFFFFFFF  }
0xa5: {  	s26 =	simm.s32 $execute0_lowered;
	[smem:$0x3FD2] =	sst s25  }
0xa6: {  	s5 =	sshll.u32 s26, $0x1;
	_ =	strace $0x80000046;
	[dreg:$0x1] =	wrdreg $0xFFFFFFFF  }
0xa7: {  	s28 =	simm.s32 $_size_execute0_lowered;
	s3 =	sadd.s32 s3, s5;
	[dreg:$0x0] =	wrdreg $0x0  }
0xa8: {  	s5 =	sshll.u32 s28, $0x1;
	[dreg:$0x2] =	wrdreg s3  }
0xa9: {  	[dreg:$0x3] =	wrdreg s5  }
0xaa: {  	[dreg:$0x4] =	wrdreg $0xC0  }
0xab: {  	_ =	task [dreg:s7], $0x5FFFF  }
0xac: {  	[dreg:$0x1] =	wrdreg $0xFFFFFFFF  }
0xad: {  	[dreg:$0x0] =	wrdreg $0x60  }
0xae: {  	[dreg:$0x2] =	wrdreg s24  }
0xaf: {  	[dreg:$0x3] =	wrdreg s2  }
0xb0: {  	[dreg:$0x4] =	wrdreg $0x43000  }
0xb1: {  	[dreg:$0x5] =	wrdreg $0x9  }
0xb2: {  	_ =	task.clear_ibuf [dreg:s7], $0x6FFFF;
	_ =	strace $0x90000046  }
0xb3: {  	s29 =	simm.s32 $0x9;
	_ =	strace $0x80000048  }
0xb4: {  	_ =	swait.ge [sflag:s29], $0x1  }
0xb5: {  	[sflag:s29] =	ssyncadd.s32 $0xFFFFFFFF  }
0xb6: {  	_ =	strace $0x90000048  }
0xb7: {  	_ =	sfence  }
0xb8: {  	s30 =	sld [smem:$0x0];
	_ =	sdelay $0x2  }
0xb9: {  	s31 =	sshll.u32 s1, $0xD;
	s1 =	sshrl.u32 s1, $0x2  }
0xba: {  	s3 =	sand.u32 $0x4000, s31;
	s1 =	sadd.s32 s1, s30  }
0xbb: {  	s0 =	sor.u32 s3, s0;
	s1 =	sshll.u32 s1, $0x11  }
0xbc: {  	s0 =	sor.u32 s1, s0  }
0xbd: {  	s0 =	sadd.s32 $0x8F2B, s0  }
0xbe: {  	[sflag:s0] =	ssyncadd.remote.s32 $0x1  }
0xbf: {  	_ =	sfence.sel $0xFFFF  }
0xc0: {  	[dreg:$0x0] =	wrdreg $0xFFFFFFFF;
	(pc) =	sbr.abs _section_cstart, $3  }
0xc1: {  	[dreg:$0x1] =	wrdreg $0xFFFFFFFF  }
0xc2: {  	_ =	task.clear_ibuf [dreg:s7], $0x2FFFF;
	_ =	strace $0x9FFFFFFF  }
0xc3: {  	(tm) =	ssettm $0x7FFFFFFF  }
tec
execute0_lowered:
.L_overlay_start_1:
0x0: {  	(tag) =	ssettag $0x1  }
0x1: {  	s4 =	rddreg [dreg:$0x0]  }
0x2: {  	s6 =	rddreg [dreg:$0x1]  }
0x3: {  	s2 =	rddreg [dreg:$0x2]  }
0x4: {  	s0 =	rddreg [dreg:$0x3]  }
0x5: {  	s3 =	simm.s32 $0x0;
	s5 =	srdreg.scid;
	s1 =	stileid.u32  }
0x6: {  	s11 =	simm.s32 $0x4000;
	s12 =	simm.s32 $0x80;
	s13 =	simm.s32 $0x100  }
0x7: {  	s14 =	simm.s32 $0x180;
	s15 =	simm.s32 $0x1;
	s18 =	simm.s32 $0x0  }
0x8: {  	[smem:$0x7FF] =	sst s3;
	s5 =	sand.u32 $0x1, s5;
	s7 =	smul.u32 $0x280, s1  }
0x9: {  	s10 =	sshll.u32 s1, $0xC;
	s16 =	sshll.u32 s1, $0x6;
	s8 =	sshll.u32 s5, $0xB  }
0xa: {  	s9 =	ssub.s32 $0x2, s5;
	s5 =	smul.u32 $0x2800, s5;
	_ =	strace $0x80000047  }
0xb: {  	s16 =	sor.u32 $0x1C02, s16;
	s8 =	sadd.s32 s8, s4;
	s29 =	sshrl.u32 s9, $0x1  }
0xc: {  	s4 =	sadd.s32 s7, s2;
	s9 =	ssub.s32 s9, s29;
	s5 =	sadd.s32 s7, s5  }
0xd: {  	s30 =	sadd.s32 s10, s8;
	s8 =	simm.s32 $0x4080;
	s10 =	simm.s32 $0x50  }
0xe: {  	s17 =	sshrl.u32 s4, $0x3;
	s31 =	sshrl.u32 s5, $0x3;
	s5 =	sadd.s32 $0xC600, s30  }
0xf: {  	v0 =	vimm.f32 $1.000000000e+00;
	v1 =	vimm.f32 $0.0e+00;
	s7 =	smax.u32 s9, $0x1;
	s9 =	simm.s32 $0x2;
	s6 =	sadd.s32 s6, s31  }
.LBB2_1:
0x10: {  	[tilespmem:$0x4000] =	vst v0  }
0x11: {  	[tilespmem:$0x4010] =	vst v0  }
0x12: {  	[tilespmem:$0x4020] =	vst v0  }
0x13: {  	[tilespmem:$0x4030] =	vst v0  }
0x14: {  	[tilespmem:$0x4040] =	vst v0  }
0x15: {  	[tilespmem:$0x4080] =	vst v1  }
0x16: {  	[tilespmem:$0x4090] =	vst v1  }
0x17: {  	[tilespmem:$0x40A0] =	vst v1  }
0x18: {  	[tilespmem:$0x40B0] =	vst v1  }
0x19: {  	[tilespmem:$0x40C0] =	vst v1  }
0x1a: {  	[tilespmem:$0x40D0] =	vst v1  }
0x1b: {  	[tilespmem:$0x40E0] =	vst v1  }
0x1c: {  	[tilespmem:$0x40F0] =	vst v1  }
0x1d: {  	[tilespmem:$0x4100] =	vst v1  }
0x1e: {  	[tilespmem:$0x4110] =	vst v1  }
0x1f: {  	[tilespmem:$0x4120] =	vst v1  }
0x20: {  	[tilespmem:$0x4130] =	vst v1  }
0x21: {  	[tilespmem:$0x4140] =	vst v1  }
0x22: {  	[tilespmem:$0x4150] =	vst v1  }
0x23: {  	[tilespmem:$0x4160] =	vst v1  }
0x24: {  	[tilespmem:$0x4170] =	vst v1  }
0x25: {  	[tilespmem:$0x4180] =	vst v1  }
0x26: {  	[tilespmem:$0x4190] =	vst v1  }
0x27: {  	[tilespmem:$0x41A0] =	vst v1  }
0x28: {  	[tilespmem:$0x41B0] =	vst v1  }
0x29: {  	[tilespmem:$0x41C0] =	vst v1  }
0x2a: {  	[tilespmem:$0x41D0] =	vst v1  }
0x2b: {  	[tilespmem:$0x41E0] =	vst v1  }
0x2c: {  	[tilespmem:$0x41F0] =	vst v1  }
0x2d: {  	[tilespmem:$0x4200] =	vst v1  }
0x2e: {  	[tilespmem:$0x4210] =	vst v1  }
0x2f: {  	[tilespmem:$0x4220] =	vst v1  }
0x30: {  	[tilespmem:$0x4230] =	vst v1  }
0x31: {  	[tilespmem:$0x4240] =	vst v1  }
0x32: {  	[tilespmem:$0x4250] =	vst v1  }
0x33: {  	[tilespmem:$0x4260] =	vst v1  }
0x34: {  	[tilespmem:$0x4270] =	vst v1  }
0x35: {  	[tilespmem:$0x4280] =	vst v1  }
0x36: {  	[tilespmem:$0x4290] =	vst v1  }
0x37: {  	[tilespmem:$0x42A0] =	vst v1  }
0x38: {  	[tilespmem:$0x42B0] =	vst v1  }
0x39: {  	[tilespmem:$0x42C0] =	vst v1  }
0x3a: {  	[tilespmem:$0x42D0] =	vst v1  }
0x3b: {  	[tilespmem:$0x42E0] =	vst v1  }
0x3c: {  	[tilespmem:$0x42F0] =	vst v1  }
0x3d: {  	[spmem:s4] =	stream.linear.scatter [tilespmem:s8], [sflag:$0x2], $0x280, $0x38;
	[tilespmem:$0x4580] =	vst v63  }
0x3e: {  	_ =	swait.ge [sflag:s9], $0x280  }
0x3f: {  	[sflag:s9] =	ssyncset.done $0x0  }
0x40: {  	[sflag:s9] =	ssyncadd.s32 $0xFFFFFD80  }
0x41: {  	[tilespmem:s3], [sflag:$0x2] =	stream.linear.gather [hbm4b:s5+s3], $0x3E80, $0x38;
	[tilespmem:$0x4580] =	vst v63  }
0x42: {  	_ =	swait.ge [sflag:s9], $0x3E80  }
0x43: {  	[sflag:s9] =	ssyncset.done $0x0  }
0x44: {  	[sflag:s9] =	ssyncadd.s32 $0xFFFFC180  }
0x45: {  	[bflag:$0x0] =	sbarrier.arrive $0xFFFF  }
0x46: {  	[spmem:s2] =	stream.indirect.scatter.add.f32 [tilespmem:s11], [sflag:$0x1], $0x1, s3, s10, $0xb8;
	[tilespmem:$0x4580] =	vst v63  }
0x47: {  	_ = 	snop  }
0x48: {  	[spmem:s2] =	stream.indirect.scatter.add.f32 [tilespmem:s11], [sflag:$0x1], $0x1, s12, s10, $0xb8;
	[tilespmem:$0x4580] =	vst v63  }
0x49: {  	_ = 	snop  }
0x4a: {  	[spmem:s2] =	stream.indirect.scatter.add.f32 [tilespmem:s11], [sflag:$0x1], $0x1, s13, s10, $0xb8;
	[tilespmem:$0x4580] =	vst v63  }
0x4b: {  	_ = 	snop  }
0x4c: {  	[spmem:s2] =	stream.indirect.scatter.add.f32 [tilespmem:s11], [sflag:$0x1], $0x1, s14, s10, $0xb8;
	[tilespmem:$0x4580] =	vst v63  }
0x4d: {  	_ =	swait.ge [sflag:s15], $0x50  }
0x4e: {  	[sflag:s15] =	ssyncset.done $0x0  }
0x4f: {  	s19 =	simm.s32 $0xA00;
	s20 =	simm.s32 $0x200;
	[sflag:s15] =	ssyncadd.s32 $0xFFFFFFB0  }
.LBB2_2:
0x50: {  	[spmem:s2] =	stream.indirect.scatter.add.f32 [tilespmem:s11], [sflag:$0x1], $0x1, s20, s10, $0xb8;
	[tilespmem:$0x4580] =	vst v63  }
0x51: {  	s20 =	smov.u32 s19;
	p0 =	sne.s32 s19, $0xF800  }
.Ltmp0:
0x52: {  	s19 =	sadd.s32 $0x200, s19;
	(pc) =	sbr.rel @p0 .LBB2_2-.Ltmp0, $4  }
0x53: {  	_ = 	snop  }
0x54: {  	_ =	swait.ge [sflag:s15], $0x50  }
0x55: {  	[sflag:s15] =	ssyncset.done $0x0  }
0x56: {  	s20 =	sshra.s32 s20, $0x2;
	[sflag:s15] =	ssyncadd.s32 $0xFFFFFFB0  }
0x57: {  	[spmem:s2] =	stream.indirect.scatter.add.f32 [tilespmem:s11], [sflag:$0x1], $0x1, s20, s10, $0xb8;
	[tilespmem:$0x4580] =	vst v63  }
0x58: {  	_ =	swait.ge [sflag:s15], $0x50  }
0x59: {  	[sflag:s15] =	ssyncset.done $0x0  }
0x5a: {  	[sflag:s15] =	ssyncadd.s32 $0xFFFFFFB0  }
0x5b: {  	_ =	swait.ge [sflag:s15], $0x50  }
0x5c: {  	[sflag:s15] =	ssyncset.done $0x0  }
0x5d: {  	[sflag:s15] =	ssyncadd.s32 $0xFFFFFFB0  }
0x5e: {  	_ =	swait.ge [sflag:s15], $0x50  }
0x5f: {  	[sflag:s15] =	ssyncset.done $0x0  }
0x60: {  	[sflag:s15] =	ssyncadd.s32 $0xFFFFFFB0  }
0x61: {  	_ =	swait.ge [sflag:s15], $0x50  }
0x62: {  	s18 =	sadd.s32 $0x1, s18;
	[sflag:s15] =	ssyncset.done $0x0  }
0x63: {  	p0 =	sne.s32 s18, s7;
	[sflag:s15] =	ssyncadd.s32 $0xFFFFFFB0  }
.Ltmp1:
0x64: {  	[bflag:$0x0] =	sbarrier.arrive $0xFFFF;
	(pc) =	sbr.rel @p0 .LBB2_1-.Ltmp1, $4  }
0x65: {  	[hbm:s6], [sflag:s16] =	dma.local [spmem:s17], $0x50  }
0x66: {  	_ =	swait.ge [sflag:s9], $0x50  }
0x67: {  	[sflag:s9] =	ssyncset.done $0x0  }
0x68: {  	[sflag:s9] =	ssyncadd.s32 $0xFFFFFFB0  }
0x69: {  	_ =	sfence.sel $0x180000  }
0x6a: {  	[bflag:$0x0] =	sbarrier.arrive $0xFFFF  }
0x6b: {  	p0 =	sne.s32 s1, $0x0;
	_ =	strace $0x90000047  }
0x6c: {  	s0 =	sadd.s32 @!p0 $0x100000, s0;
	[bflag:$0x2] =	sbarrier.arrive $0xFFFF  }
0x6d: {  	[sflag:s0] =	ssyncadd.tile.s32 @!p0 $0x1;
	_ =	shalt  }
.Lfunc_end2:
_tile_overlayer_lowered:
.L_overlay_start_2:
0x6e: {  	(tag) =	ssettag $0x2  }
0x6f: {  	s0 =	rddreg [dreg:$0x0];
	s2 =	stileid.u32  }
0x70: {  	s1 =	rddreg [dreg:$0x1];
	p0 =	sne.s32 s2, $0x0  }
0x71: {  	s3 =	rddreg [dreg:$0x2];
	[bflag:$0x3] =	sbarrier.arrive $0xFFFF;
	s2 =	simm.s32 @!p0 $0x1C02  }
0x72: {  	[timem:s3], [sflag:s2] =	dma.local @!p0 [hbm:s0], s1  }
0x73: {  	s0 =	simm.s32 @!p0 $0x2  }
0x74: {  	_ =	swait.ge @!p0 [sflag:s0], s1  }
0x75: {  	s1 =	ssub.s32 @!p0 $0x0, s1;
	[sflag:s0] =	ssyncset.done @!p0 $0x0  }
0x76: {  	[sflag:s0] =	ssyncadd.s32 @!p0 s1  }
0x77: {  	[bflag:$0x3] =	sbarrier.arrive $0xFFFF  }
0x78: {  	_ =	shalt  }

</sc_bundles>
